<compile_context>
chip_gen: v7x
topology: tpu7x:2x2x1
jax: 0.10.2.dev20260603
libtpu: 0.0.44.dev20260713+nightly
codegen_flags: <defaults>
</compile_context>

<pallas_src>
import functools

import jax
import jax.numpy as jnp
from jax import lax
from jax.experimental import pallas as pl
from jax.experimental.pallas import tpu as pltpu
from jax.experimental.pallas import tpu_sc as plsc

NCLS = 21
B_BINS = 256
TBL = 2 * NCLS * B_BINS
NPACK = 6

HB = 64

NW = 32
CHUNK = 8192


def _bin_body(x_ref, lab_ref, out_ref):
    x = x_ref[0]
    lab = lab_ref[0]
    ex = jnp.exp(x)
    inv_b = float(B_BINS) / jnp.sum(ex, axis=0)
    flips = []
    accfg = jnp.zeros(lab.shape, jnp.int32)
    for c in range(NCLS):
        pb = (ex[c] * inv_b).astype(jnp.int32)
        fg = lab == c
        flip = pb ^ jnp.where(fg, B_BINS - 1, 0)
        flips.append(flip)
        accfg = jnp.where(fg, flip, accfg)
    blk = HB * 512
    for j in range(5):
        w = (flips[4 * j] | (flips[4 * j + 1] << 8)
             | (flips[4 * j + 2] << 16) | (flips[4 * j + 3] << 24))
        out_ref[pl.ds(j * blk, blk)] = w.reshape(blk)
    fgid = ((lab << 8) | accfg) + NCLS * B_BINS
    out_ref[pl.ds(5 * blk, blk)] = (flips[20] | (fgid << 8)).reshape(blk)


def _make_bin_call(B, H, W, b0, bs):
    grid = (bs, H // HB)
    blk_words = NPACK * HB * W
    return pl.pallas_call(
        _bin_body,
        grid=grid,
        in_specs=[
            pl.BlockSpec((1, NCLS, HB, W), lambda b, h: (b + b0, 0, h, 0)),
            pl.BlockSpec((1, HB, W), lambda b, h: (b + b0, h, 0)),
        ],
        out_specs=pl.BlockSpec((blk_words,), lambda b, h: (b * (H // HB) + h,)),
        out_shape=jax.ShapeDtypeStruct((bs * NPACK * H * W,), jnp.int32),
    )


def _make_hist_kernel(words):
    wpt = words // NW
    nchunk = wpt // CHUNK
    mesh = plsc.VectorSubcoreMesh(core_axis_name="c", subcore_axis_name="s")

    @functools.partial(
        pl.kernel,
        mesh=mesh,
        out_type=jax.ShapeDtypeStruct((NW, TBL), jnp.int32),
        scratch_types=[
            pltpu.VMEM((TBL,), jnp.int32),
            pltpu.VMEM((CHUNK,), jnp.int32),
            pltpu.VMEM((CHUNK,), jnp.int32),
            pltpu.SemaphoreType.DMA,
            pltpu.SemaphoreType.DMA,
        ],
        compiler_params=pltpu.CompilerParams(needs_layout_passes=False),
    )
    def hist(ids_hbm, out_hbm, table, buf0, buf1, sem0, sem1):
        wid = lax.axis_index("s") * 2 + lax.axis_index("c")
        zero = jnp.zeros((16,), jnp.int32)

        @plsc.parallel_loop(0, TBL // 16, unroll=8)
        def _(i):
            table[pl.ds(i * 16, 16)] = zero

        base = wid * wpt

        def copy(k, buf, sem):
            return pltpu.make_async_copy(
                ids_hbm.at[pl.ds(base + k * CHUNK, CHUNK)], buf, sem)

        one = jnp.ones((16,), jnp.int32)
        mask8 = jnp.full((16,), B_BINS - 1, jnp.int32)
        base20 = jnp.full((16,), 20 * B_BINS, jnp.int32)

        def process(k, buf):
            band = lax.rem(lax.shift_right_logical(base + k * CHUNK, 15), 6)

            @pl.when(band == 5)
            def _():
                @plsc.parallel_loop(0, CHUNK // 16, unroll=8)
                def _(i):
                    v = buf[pl.ds(i * 16, 16)]
                    i0 = (v & mask8) + base20
                    i1 = lax.shift_right_logical(v, 8)
                    for idx in (i0, i1):
                        plsc.addupdate_scatter(table, [idx], one)

            @pl.when(band != 5)
            def _():
                b0 = jnp.full((16,), 1, jnp.int32) * (band * 4 * B_BINS)
                b1 = b0 + B_BINS
                b2 = b0 + 2 * B_BINS
                b3 = b0 + 3 * B_BINS

                @plsc.parallel_loop(0, CHUNK // 16, unroll=8)
                def _(i):
                    v = buf[pl.ds(i * 16, 16)]
                    i0 = (v & mask8) + b0
                    i1 = (lax.shift_right_logical(v, 8) & mask8) + b1
                    i2 = (lax.shift_right_logical(v, 16) & mask8) + b2
                    i3 = lax.shift_right_logical(v, 24) + b3
                    for idx in (i0, i1, i2, i3):
                        plsc.addupdate_scatter(table, [idx], one)

        copy(0, buf0, sem0).start()

        def body2(k2, _):
            k = 2 * k2
            copy(k + 1, buf1, sem1).start()
            copy(k, buf0, sem0).wait()
            process(k, buf0)

            @pl.when(k + 2 < nchunk)
            def _():
                copy(k + 2, buf0, sem0).start()

            copy(k + 1, buf1, sem1).wait()
            process(k + 1, buf1)
            return ()

        lax.fori_loop(0, nchunk // 2, body2, ())
        pltpu.sync_copy(table, out_hbm.at[wid])

    return hist


def _reduce_body(*refs):
    *tbl_refs, out_ref = refs
    t = tbl_refs[0][...]
    for r in tbl_refs[1:]:
        t = t + r[...]
    t = jnp.sum(t, axis=0).astype(jnp.float32)
    hist_all = t[:NCLS]
    hist_fg = t[NCLS:]

    def suffix(x):
        k = 1
        while k < B_BINS:
            x = x + jnp.pad(x, ((0, 0), (0, k)))[:, k:]
            k *= 2
        return x

    n = suffix(hist_all)
    mm = suffix(hist_fg)
    p = mm[:, 0:1]
    jac = 1.0 - (p - mm) / jnp.maximum(p + n - mm, 1.0)
    loss_c = jnp.sum(jac, axis=1, keepdims=True) / B_BINS - 0.5 / B_BINS
    pres = (p > 0.0).astype(jnp.float32)
    loss = jnp.sum(loss_c * pres) / jnp.sum(pres)
    out_ref[...] = jnp.broadcast_to(loss, (8, 128))


def _make_reduce_call():
    return pl.pallas_call(
        _reduce_body,
        out_shape=jax.ShapeDtypeStruct((8, 128), jnp.float32),
    )


NSLICE = 2


def kernel(x_src, x_tgt):
    B, C, H, W = x_src.shape
    bs = B // NSLICE
    words = bs * NPACK * H * W
    hist = _make_hist_kernel(words)
    tabs = []
    for s in range(NSLICE):
        ids = _make_bin_call(B, H, W, s * bs, bs)(x_src, x_tgt)
        tabs.append(hist(ids).reshape(NW, 2 * NCLS, B_BINS))
    loss_tile = _make_reduce_call()(*tabs)
    return loss_tile[0, 0]

# --- scband reference (transcript-rebuilt; emitter-appended) ---
"""Pipeline reference for scband-lovasz-loss-12970801234261 (READ-ONLY COPY).

The authoritative reference and input builder live on the scoring server;
editing this copy changes nothing except your own understanding.
"""

import jax, jax.numpy as jnp
import numpy as np


def lovasz_grad(gt_sorted):
    gts = jnp.sum(gt_sorted)
    intersection = gts - jnp.cumsum(gt_sorted, axis=0)
    union = gts + jnp.cumsum(1.0 - gt_sorted, axis=0)
    jaccard = 1.0 - intersection / union
    jaccard = jnp.concatenate([jaccard[:1], jaccard[1:] - jaccard[:-1]], axis=0)
    return jaccard


def setup_inputs(seed: int = 0) -> dict:
    key = jax.random.key(seed)
    k1, k2 = jax.random.split(key)
    x_src = jax.random.normal(k1, (4, 21, 512, 512), dtype=jnp.float32)
    x_tgt = jax.random.randint(k2, (4, 512, 512), 0, 21).astype(jnp.int32)
    return {"x_src": x_src, "x_tgt": x_tgt}


def reference(x_src, x_tgt):
    ignore_index = 255
    scale_factor = 1.0
    probs = jax.nn.softmax(x_src, axis=1)
    B, C, H, W = probs.shape
    probs = jnp.transpose(probs, (0, 2, 3, 1)).reshape(-1, C)
    labels = x_tgt.reshape(-1)
    valid = labels != ignore_index
    losses = []
    present = []
    for c in range(C):
        fg = ((labels == c) & valid).astype(jnp.float32)
        present.append((jnp.sum(fg) > 0.0).astype(jnp.float32))
        class_pred = probs[:, c]
        errors = jnp.where(valid, jnp.abs(fg - class_pred), 0.0)
        order = jnp.argsort(-errors)
        errors_sorted = errors[order]
        fg_sorted = fg[order]
        losses.append(jnp.dot(errors_sorted, lovasz_grad(fg_sorted)))
    losses = jnp.stack(losses)
    present = jnp.stack(present)
    loss = jnp.sum(losses * present) / jnp.sum(present)
    return loss * scale_factor

if __name__ == "__main__":
    import jax
    _d = setup_inputs()
    print(jax.jit(kernel)(*tuple(_d.values())))

</pallas_src>

<mosaic_0001>
#map = affine_map<(d0, d1) -> (0)>
#map1 = affine_map<(d0, d1) -> (0, 0)>
module attributes {stable_mosaic.version = 14 : i64} {
  func.func @hist(%arg0: i32, %arg1: i32, %arg2: memref<3145728xi32, #tpu.memory_space<hbm>>, %arg3: memref<32x10752xi32, #tpu.memory_space<hbm>>, %arg4: memref<10752xi32, #tpu.memory_space<vmem>>, %arg5: memref<8192xi32, #tpu.memory_space<vmem>>, %arg6: memref<8192xi32, #tpu.memory_space<vmem>>, %arg7: memref<!tpu.dma_semaphore, #tpu.memory_space<semaphore_mem>>, %arg8: memref<!tpu.dma_semaphore, #tpu.memory_space<semaphore_mem>>) attributes {dimension_semantics = [#tpu.dimension_semantics<core_parallel>, #tpu.dimension_semantics<subcore_parallel>], iteration_bounds = array<i64: 2, 16>, scalar_prefetch = 0 : i64, scratch_operands = 5 : i64, tpu.core_type = #tpu.core_type<sc_vector_subcore>, window_params = [{transform_indices = #map}, {transform_indices = #map1}]} {
    %mul3A = arith.constant 2 : i32
    %mul3A_0 = arith.muli %arg1, %mul3A : i32
    %add3A = arith.addi %mul3A_0, %arg0 : i32
    %broadcast_in_dim3A = arith.constant 0 : i32
    %broadcast_in_dim3A_1 = vector.broadcast %broadcast_in_dim3A : i32 to vector<16xi32>
    %parallel_loop3A = arith.constant 0 : i32
    %parallel_loop3A_2 = arith.constant 672 : i32
    %parallel_loop3A_3 = arith.constant 1 : i32
    scf.for %parallel_loop3A_19 = %parallel_loop3A to %parallel_loop3A_2 step %parallel_loop3A_3  : i32 {
      %parallel_loop3A_20 = arith.constant 16 : i32
      %parallel_loop3A_21 = arith.muli %parallel_loop3A_19, %parallel_loop3A_20 : i32
      %parallel_loop3A_22 = arith.index_cast %parallel_loop3A_21 : i32 to index
      %parallel_loop3A_23 = tpu.vector_load %arg4[%parallel_loop3A_22] {strides = array<i32>} : memref<10752xi32, #tpu.memory_space<vmem>>, vector<16xi32>,
      tpu.vector_store %arg4[%parallel_loop3A_22], %broadcast_in_dim3A_1 {strides = array<i32>} : memref<10752xi32, #tpu.memory_space<vmem>>, vector<16xi32>,
    } {sc.loop_unroll_factor = 8 : i64, sc.parallel_access}
    %mul3A_4 = arith.constant 98304 : i32
    %mul3A_5 = arith.muli %add3A, %mul3A_4 : i32
    %broadcast_in_dim3A_6 = arith.constant 1 : i32
    %broadcast_in_dim3A_7 = vector.broadcast %broadcast_in_dim3A_6 : i32 to vector<16xi32>
    %broadcast_in_dim3A_8 = arith.constant 255 : i32
    %broadcast_in_dim3A_9 = vector.broadcast %broadcast_in_dim3A_8 : i32 to vector<16xi32>
    %broadcast_in_dim3A_10 = arith.constant 5120 : i32
    %broadcast_in_dim3A_11 = vector.broadcast %broadcast_in_dim3A_10 : i32 to vector<16xi32>
    %add3A_12 = arith.constant 0 : i32
    %add3A_13 = arith.addi %mul3A_5, %add3A_12 : i32
    %dma_start3A = tpu.memref_slice %arg2[%add3A_13] : memref<3145728xi32, #tpu.memory_space<hbm>> -> memref<8192xi32, #tpu.memory_space<hbm>>
    %dma_start3A_14 = tpu.memref_slice %arg2[%add3A_13] : memref<3145728xi32, #tpu.memory_space<hbm>> -> memref<8192xi32, #tpu.memory_space<hbm>>
    tpu.enqueue_dma source(%dma_start3A_14 : memref<8192xi32, #tpu.memory_space<hbm>>) target(%arg5 : memref<8192xi32, #tpu.memory_space<vmem>>) target_semaphore(%arg7 : memref<!tpu.dma_semaphore, #tpu.memory_space<semaphore_mem>>)
    %scan3A = arith.constant 0 : i32
    %scan3A_15 = arith.constant 6 : i32
    %scan3A_16 = arith.addi %scan3A, %scan3A_15 : i32
    %scan3A_17 = arith.constant 1 : i32
    scf.for %scan3A_19 = %scan3A to %scan3A_16 step %scan3A_17  : i32 {
      %mul3A_20 = arith.constant 2 : i32
      %mul3A_21 = arith.muli %mul3A_20, %scan3A_19 : i32
      %add3A_22 = arith.constant 1 : i32
      %add3A_23 = arith.addi %mul3A_21, %add3A_22 : i32
      %mul3A_24 = arith.constant 8192 : i32
      %mul3A_25 = arith.muli %add3A_23, %mul3A_24 : i32
      %add3A_26 = arith.addi %mul3A_5, %mul3A_25 : i32
      %dma_start3A_27 = tpu.memref_slice %arg2[%add3A_26] : memref<3145728xi32, #tpu.memory_space<hbm>> -> memref<8192xi32, #tpu.memory_space<hbm>>
      %dma_start3A_28 = tpu.memref_slice %arg2[%add3A_26] : memref<3145728xi32, #tpu.memory_space<hbm>> -> memref<8192xi32, #tpu.memory_space<hbm>>
      tpu.enqueue_dma source(%dma_start3A_28 : memref<8192xi32, #tpu.memory_space<hbm>>) target(%arg6 : memref<8192xi32, #tpu.memory_space<vmem>>) target_semaphore(%arg8 : memref<!tpu.dma_semaphore, #tpu.memory_space<semaphore_mem>>)
      %mul3A_29 = arith.constant 8192 : i32
      %mul3A_30 = arith.muli %mul3A_21, %mul3A_29 : i32
      %add3A_31 = arith.addi %mul3A_5, %mul3A_30 : i32
      %dma_wait3A = tpu.memref_slice %arg2[%add3A_31] : memref<3145728xi32, #tpu.memory_space<hbm>> -> memref<8192xi32, #tpu.memory_space<hbm>>
      %dma_wait3A_32 = tpu.memref_slice %arg2[%add3A_31] : memref<3145728xi32, #tpu.memory_space<hbm>> -> memref<8192xi32, #tpu.memory_space<hbm>>
      tpu.wait_dma2 semaphore(%arg7 : memref<!tpu.dma_semaphore, #tpu.memory_space<semaphore_mem>>) src(%dma_wait3A_32 : memref<8192xi32, #tpu.memory_space<hbm>>) dst(%arg5 : memref<8192xi32, #tpu.memory_space<vmem>>)
      %mul3A_33 = arith.constant 8192 : i32
      %mul3A_34 = arith.muli %mul3A_21, %mul3A_33 : i32
      %add3A_35 = arith.addi %mul3A_5, %mul3A_34 : i32
      %shift_right_logical3A = arith.constant 15 : i32
      %shift_right_logical3A_36 = arith.shrui %add3A_35, %shift_right_logical3A : i32
      %rem3A = arith.constant 6 : i32
      %rem3A_37 = arith.remsi %shift_right_logical3A_36, %rem3A : i32
      %eq3A = arith.constant 5 : i32
      %eq3A_38 = arith.cmpi eq, %rem3A_37, %eq3A : i32
      %convert_element_type3A = arith.extui %eq3A_38 : i1 to i32
      %cond3A = arith.constant 0 : i32
      %cond3A_39 = arith.cmpi ne, %convert_element_type3A, %cond3A : i32
      scf.if %cond3A_39 {
        %parallel_loop3A_76 = arith.constant 0 : i32
        %parallel_loop3A_77 = arith.constant 512 : i32
        %parallel_loop3A_78 = arith.constant 1 : i32
        scf.for %parallel_loop3A_79 = %parallel_loop3A_76 to %parallel_loop3A_77 step %parallel_loop3A_78  : i32 {
          %parallel_loop3A_80 = arith.constant 16 : i32
          %parallel_loop3A_81 = arith.muli %parallel_loop3A_79, %parallel_loop3A_80 : i32
          %parallel_loop3A_82 = arith.index_cast %parallel_loop3A_81 : i32 to index
          %parallel_loop3A_83 = tpu.vector_load %arg5[%parallel_loop3A_82] {strides = array<i32>} : memref<8192xi32, #tpu.memory_space<vmem>>, vector<16xi32>,
          %parallel_loop3A_84 = arith.andi %parallel_loop3A_83, %broadcast_in_dim3A_9 : vector<16xi32>
          %parallel_loop3A_85 = arith.addi %parallel_loop3A_84, %broadcast_in_dim3A_11 : vector<16xi32>
          %parallel_loop3A_86 = arith.constant 8 : i32
          %parallel_loop3A_87 = vector.broadcast %parallel_loop3A_86 : i32 to vector<16xi32>
          %parallel_loop3A_88 = arith.shrui %parallel_loop3A_83, %parallel_loop3A_87 : vector<16xi32>
          tpu.vector_store_idx %arg4[%parallel_loop3A_85], %broadcast_in_dim3A_7 {add = true} : memref<10752xi32, #tpu.memory_space<vmem>>[vector<16xi32>], vector<16xi32>,
          tpu.vector_store_idx %arg4[%parallel_loop3A_88], %broadcast_in_dim3A_7 {add = true} : memref<10752xi32, #tpu.memory_space<vmem>>[vector<16xi32>], vector<16xi32>,
        } {sc.loop_unroll_factor = 8 : i64, sc.parallel_access}
      } else {
      }
      %ne3A = arith.constant 5 : i32
      %ne3A_40 = arith.cmpi ne, %rem3A_37, %ne3A : i32
      %convert_element_type3A_41 = arith.extui %ne3A_40 : i1 to i32
      %cond3A_42 = arith.constant 0 : i32
      %cond3A_43 = arith.cmpi ne, %convert_element_type3A_41, %cond3A_42 : i32
      scf.if %cond3A_43 {
        %broadcast_in_dim3A_76 = arith.constant 1 : i32
        %broadcast_in_dim3A_77 = vector.broadcast %broadcast_in_dim3A_76 : i32 to vector<16xi32>
        %mul3A_78 = arith.constant 4 : i32
        %mul3A_79 = arith.muli %rem3A_37, %mul3A_78 : i32
        %mul3A_80 = arith.constant 256 : i32
        %mul3A_81 = arith.muli %mul3A_79, %mul3A_80 : i32
        %mul3A_82 = vector.broadcast %mul3A_81 : i32 to vector<16xi32>
        %mul3A_83 = arith.muli %broadcast_in_dim3A_77, %mul3A_82 : vector<16xi32>
        %add3A_84 = arith.constant 256 : i32
        %add3A_85 = vector.broadcast %add3A_84 : i32 to vector<16xi32>
        %add3A_86 = arith.addi %mul3A_83, %add3A_85 : vector<16xi32>
        %add3A_87 = arith.constant 512 : i32
        %add3A_88 = vector.broadcast %add3A_87 : i32 to vector<16xi32>
        %add3A_89 = arith.addi %mul3A_83, %add3A_88 : vector<16xi32>
        %add3A_90 = arith.constant 768 : i32
        %add3A_91 = vector.broadcast %add3A_90 : i32 to vector<16xi32>
        %add3A_92 = arith.addi %mul3A_83, %add3A_91 : vector<16xi32>
        %parallel_loop3A_93 = arith.constant 0 : i32
        %parallel_loop3A_94 = arith.constant 512 : i32
        %parallel_loop3A_95 = arith.constant 1 : i32
        scf.for %parallel_loop3A_96 = %parallel_loop3A_93 to %parallel_loop3A_94 step %parallel_loop3A_95  : i32 {
          %parallel_loop3A_97 = arith.constant 16 : i32
          %parallel_loop3A_98 = arith.muli %parallel_loop3A_96, %parallel_loop3A_97 : i32
          %parallel_loop3A_99 = arith.index_cast %parallel_loop3A_98 : i32 to index
          %parallel_loop3A_100 = tpu.vector_load %arg5[%parallel_loop3A_99] {strides = array<i32>} : memref<8192xi32, #tpu.memory_space<vmem>>, vector<16xi32>,
          %parallel_loop3A_101 = arith.andi %parallel_loop3A_100, %broadcast_in_dim3A_9 : vector<16xi32>
          %parallel_loop3A_102 = arith.addi %parallel_loop3A_101, %mul3A_83 : vector<16xi32>
          %parallel_loop3A_103 = arith.constant 8 : i32
          %parallel_loop3A_104 = vector.broadcast %parallel_loop3A_103 : i32 to vector<16xi32>
          %parallel_loop3A_105 = arith.shrui %parallel_loop3A_100, %parallel_loop3A_104 : vector<16xi32>
          %parallel_loop3A_106 = arith.andi %parallel_loop3A_105, %broadcast_in_dim3A_9 : vector<16xi32>
          %parallel_loop3A_107 = arith.addi %parallel_loop3A_106, %add3A_86 : vector<16xi32>
          %parallel_loop3A_108 = arith.constant 16 : i32
          %parallel_loop3A_109 = vector.broadcast %parallel_loop3A_108 : i32 to vector<16xi32>
          %parallel_loop3A_110 = arith.shrui %parallel_loop3A_100, %parallel_loop3A_109 : vector<16xi32>
          %parallel_loop3A_111 = arith.andi %parallel_loop3A_110, %broadcast_in_dim3A_9 : vector<16xi32>
          %parallel_loop3A_112 = arith.addi %parallel_loop3A_111, %add3A_89 : vector<16xi32>
          %parallel_loop3A_113 = arith.constant 24 : i32
          %parallel_loop3A_114 = vector.broadcast %parallel_loop3A_113 : i32 to vector<16xi32>
          %parallel_loop3A_115 = arith.shrui %parallel_loop3A_100, %parallel_loop3A_114 : vector<16xi32>
          %parallel_loop3A_116 = arith.addi %parallel_loop3A_115, %add3A_92 : vector<16xi32>
          tpu.vector_store_idx %arg4[%parallel_loop3A_102], %broadcast_in_dim3A_7 {add = true} : memref<10752xi32, #tpu.memory_space<vmem>>[vector<16xi32>], vector<16xi32>,
          tpu.vector_store_idx %arg4[%parallel_loop3A_107], %broadcast_in_dim3A_7 {add = true} : memref<10752xi32, #tpu.memory_space<vmem>>[vector<16xi32>], vector<16xi32>,
          tpu.vector_store_idx %arg4[%parallel_loop3A_112], %broadcast_in_dim3A_7 {add = true} : memref<10752xi32, #tpu.memory_space<vmem>>[vector<16xi32>], vector<16xi32>,
          tpu.vector_store_idx %arg4[%parallel_loop3A_116], %broadcast_in_dim3A_7 {add = true} : memref<10752xi32, #tpu.memory_space<vmem>>[vector<16xi32>], vector<16xi32>,
        } {sc.loop_unroll_factor = 8 : i64, sc.parallel_access}
      } else {
      }
      %add3A_44 = arith.constant 2 : i32
      %add3A_45 = arith.addi %mul3A_21, %add3A_44 : i32
      %lt3A = arith.constant 12 : i32
      %lt3A_46 = arith.cmpi slt, %add3A_45, %lt3A : i32
      %convert_element_type3A_47 = arith.extui %lt3A_46 : i1 to i32
      %cond3A_48 = arith.constant 0 : i32
      %cond3A_49 = arith.cmpi ne, %convert_element_type3A_47, %cond3A_48 : i32
      scf.if %cond3A_49 {
        %add3A_76 = arith.constant 2 : i32
        %add3A_77 = arith.addi %mul3A_21, %add3A_76 : i32
        %mul3A_78 = arith.constant 8192 : i32
        %mul3A_79 = arith.muli %add3A_77, %mul3A_78 : i32
        %add3A_80 = arith.addi %mul3A_5, %mul3A_79 : i32
        %dma_start3A_81 = tpu.memref_slice %arg2[%add3A_80] : memref<3145728xi32, #tpu.memory_space<hbm>> -> memref<8192xi32, #tpu.memory_space<hbm>>
        %dma_start3A_82 = tpu.memref_slice %arg2[%add3A_80] : memref<3145728xi32, #tpu.memory_space<hbm>> -> memref<8192xi32, #tpu.memory_space<hbm>>
        tpu.enqueue_dma source(%dma_start3A_82 : memref<8192xi32, #tpu.memory_space<hbm>>) target(%arg5 : memref<8192xi32, #tpu.memory_space<vmem>>) target_semaphore(%arg7 : memref<!tpu.dma_semaphore, #tpu.memory_space<semaphore_mem>>)
      } else {
      }
      %add3A_50 = arith.constant 1 : i32
      %add3A_51 = arith.addi %mul3A_21, %add3A_50 : i32
      %mul3A_52 = arith.constant 8192 : i32
      %mul3A_53 = arith.muli %add3A_51, %mul3A_52 : i32
      %add3A_54 = arith.addi %mul3A_5, %mul3A_53 : i32
      %dma_wait3A_55 = tpu.memref_slice %arg2[%add3A_54] : memref<3145728xi32, #tpu.memory_space<hbm>> -> memref<8192xi32, #tpu.memory_space<hbm>>
      %dma_wait3A_56 = tpu.memref_slice %arg2[%add3A_54] : memref<3145728xi32, #tpu.memory_space<hbm>> -> memref<8192xi32, #tpu.memory_space<hbm>>
      tpu.wait_dma2 semaphore(%arg8 : memref<!tpu.dma_semaphore, #tpu.memory_space<semaphore_mem>>) src(%dma_wait3A_56 : memref<8192xi32, #tpu.memory_space<hbm>>) dst(%arg6 : memref<8192xi32, #tpu.memory_space<vmem>>)
      %add3A_57 = arith.constant 1 : i32
      %add3A_58 = arith.addi %mul3A_21, %add3A_57 : i32
      %mul3A_59 = arith.constant 8192 : i32
      %mul3A_60 = arith.muli %add3A_58, %mul3A_59 : i32
      %add3A_61 = arith.addi %mul3A_5, %mul3A_60 : i32
      %shift_right_logical3A_62 = arith.constant 15 : i32
      %shift_right_logical3A_63 = arith.shrui %add3A_61, %shift_right_logical3A_62 : i32
      %rem3A_64 = arith.constant 6 : i32
      %rem3A_65 = arith.remsi %shift_right_logical3A_63, %rem3A_64 : i32
      %eq3A_66 = arith.constant 5 : i32
      %eq3A_67 = arith.cmpi eq, %rem3A_65, %eq3A_66 : i32
      %convert_element_type3A_68 = arith.extui %eq3A_67 : i1 to i32
      %cond3A_69 = arith.constant 0 : i32
      %cond3A_70 = arith.cmpi ne, %convert_element_type3A_68, %cond3A_69 : i32
      scf.if %cond3A_70 {
        %parallel_loop3A_76 = arith.constant 0 : i32
        %parallel_loop3A_77 = arith.constant 512 : i32
        %parallel_loop3A_78 = arith.constant 1 : i32
        scf.for %parallel_loop3A_79 = %parallel_loop3A_76 to %parallel_loop3A_77 step %parallel_loop3A_78  : i32 {
          %parallel_loop3A_80 = arith.constant 16 : i32
          %parallel_loop3A_81 = arith.muli %parallel_loop3A_79, %parallel_loop3A_80 : i32
          %parallel_loop3A_82 = arith.index_cast %parallel_loop3A_81 : i32 to index
          %parallel_loop3A_83 = tpu.vector_load %arg6[%parallel_loop3A_82] {strides = array<i32>} : memref<8192xi32, #tpu.memory_space<vmem>>, vector<16xi32>,
          %parallel_loop3A_84 = arith.andi %parallel_loop3A_83, %broadcast_in_dim3A_9 : vector<16xi32>
          %parallel_loop3A_85 = arith.addi %parallel_loop3A_84, %broadcast_in_dim3A_11 : vector<16xi32>
          %parallel_loop3A_86 = arith.constant 8 : i32
          %parallel_loop3A_87 = vector.broadcast %parallel_loop3A_86 : i32 to vector<16xi32>
          %parallel_loop3A_88 = arith.shrui %parallel_loop3A_83, %parallel_loop3A_87 : vector<16xi32>
          tpu.vector_store_idx %arg4[%parallel_loop3A_85], %broadcast_in_dim3A_7 {add = true} : memref<10752xi32, #tpu.memory_space<vmem>>[vector<16xi32>], vector<16xi32>,
          tpu.vector_store_idx %arg4[%parallel_loop3A_88], %broadcast_in_dim3A_7 {add = true} : memref<10752xi32, #tpu.memory_space<vmem>>[vector<16xi32>], vector<16xi32>,
        } {sc.loop_unroll_factor = 8 : i64, sc.parallel_access}
      } else {
      }
      %ne3A_71 = arith.constant 5 : i32
      %ne3A_72 = arith.cmpi ne, %rem3A_65, %ne3A_71 : i32
      %convert_element_type3A_73 = arith.extui %ne3A_72 : i1 to i32
      %cond3A_74 = arith.constant 0 : i32
      %cond3A_75 = arith.cmpi ne, %convert_element_type3A_73, %cond3A_74 : i32
      scf.if %cond3A_75 {
        %broadcast_in_dim3A_76 = arith.constant 1 : i32
        %broadcast_in_dim3A_77 = vector.broadcast %broadcast_in_dim3A_76 : i32 to vector<16xi32>
        %mul3A_78 = arith.constant 4 : i32
        %mul3A_79 = arith.muli %rem3A_65, %mul3A_78 : i32
        %mul3A_80 = arith.constant 256 : i32
        %mul3A_81 = arith.muli %mul3A_79, %mul3A_80 : i32
        %mul3A_82 = vector.broadcast %mul3A_81 : i32 to vector<16xi32>
        %mul3A_83 = arith.muli %broadcast_in_dim3A_77, %mul3A_82 : vector<16xi32>
        %add3A_84 = arith.constant 256 : i32
        %add3A_85 = vector.broadcast %add3A_84 : i32 to vector<16xi32>
        %add3A_86 = arith.addi %mul3A_83, %add3A_85 : vector<16xi32>
        %add3A_87 = arith.constant 512 : i32
        %add3A_88 = vector.broadcast %add3A_87 : i32 to vector<16xi32>
        %add3A_89 = arith.addi %mul3A_83, %add3A_88 : vector<16xi32>
        %add3A_90 = arith.constant 768 : i32
        %add3A_91 = vector.broadcast %add3A_90 : i32 to vector<16xi32>
        %add3A_92 = arith.addi %mul3A_83, %add3A_91 : vector<16xi32>
        %parallel_loop3A_93 = arith.constant 0 : i32
        %parallel_loop3A_94 = arith.constant 512 : i32
        %parallel_loop3A_95 = arith.constant 1 : i32
        scf.for %parallel_loop3A_96 = %parallel_loop3A_93 to %parallel_loop3A_94 step %parallel_loop3A_95  : i32 {
          %parallel_loop3A_97 = arith.constant 16 : i32
          %parallel_loop3A_98 = arith.muli %parallel_loop3A_96, %parallel_loop3A_97 : i32
          %parallel_loop3A_99 = arith.index_cast %parallel_loop3A_98 : i32 to index
          %parallel_loop3A_100 = tpu.vector_load %arg6[%parallel_loop3A_99] {strides = array<i32>} : memref<8192xi32, #tpu.memory_space<vmem>>, vector<16xi32>,
          %parallel_loop3A_101 = arith.andi %parallel_loop3A_100, %broadcast_in_dim3A_9 : vector<16xi32>
          %parallel_loop3A_102 = arith.addi %parallel_loop3A_101, %mul3A_83 : vector<16xi32>
          %parallel_loop3A_103 = arith.constant 8 : i32
          %parallel_loop3A_104 = vector.broadcast %parallel_loop3A_103 : i32 to vector<16xi32>
          %parallel_loop3A_105 = arith.shrui %parallel_loop3A_100, %parallel_loop3A_104 : vector<16xi32>
          %parallel_loop3A_106 = arith.andi %parallel_loop3A_105, %broadcast_in_dim3A_9 : vector<16xi32>
          %parallel_loop3A_107 = arith.addi %parallel_loop3A_106, %add3A_86 : vector<16xi32>
          %parallel_loop3A_108 = arith.constant 16 : i32
          %parallel_loop3A_109 = vector.broadcast %parallel_loop3A_108 : i32 to vector<16xi32>
          %parallel_loop3A_110 = arith.shrui %parallel_loop3A_100, %parallel_loop3A_109 : vector<16xi32>
          %parallel_loop3A_111 = arith.andi %parallel_loop3A_110, %broadcast_in_dim3A_9 : vector<16xi32>
          %parallel_loop3A_112 = arith.addi %parallel_loop3A_111, %add3A_89 : vector<16xi32>
          %parallel_loop3A_113 = arith.constant 24 : i32
          %parallel_loop3A_114 = vector.broadcast %parallel_loop3A_113 : i32 to vector<16xi32>
          %parallel_loop3A_115 = arith.shrui %parallel_loop3A_100, %parallel_loop3A_114 : vector<16xi32>
          %parallel_loop3A_116 = arith.addi %parallel_loop3A_115, %add3A_92 : vector<16xi32>
          tpu.vector_store_idx %arg4[%parallel_loop3A_102], %broadcast_in_dim3A_7 {add = true} : memref<10752xi32, #tpu.memory_space<vmem>>[vector<16xi32>], vector<16xi32>,
          tpu.vector_store_idx %arg4[%parallel_loop3A_107], %broadcast_in_dim3A_7 {add = true} : memref<10752xi32, #tpu.memory_space<vmem>>[vector<16xi32>], vector<16xi32>,
          tpu.vector_store_idx %arg4[%parallel_loop3A_112], %broadcast_in_dim3A_7 {add = true} : memref<10752xi32, #tpu.memory_space<vmem>>[vector<16xi32>], vector<16xi32>,
          tpu.vector_store_idx %arg4[%parallel_loop3A_116], %broadcast_in_dim3A_7 {add = true} : memref<10752xi32, #tpu.memory_space<vmem>>[vector<16xi32>], vector<16xi32>,
        } {sc.loop_unroll_factor = 8 : i64, sc.parallel_access}
      } else {
      }
    }
    %scan3A_18 = arith.constant 6 : i32
    "tpu.region"() ({
      %run_scoped3A = tpu.sem_alloc : memref<!tpu.dma_semaphore, #tpu.memory_space<semaphore_mem>>
      %dma_start3A_19 = arith.constant 0 : i32
      %dma_start3A_20 = tpu.memref_slice %arg3[%add3A, %dma_start3A_19] : memref<32x10752xi32, #tpu.memory_space<hbm>> -> memref<1x10752xi32, #tpu.memory_space<hbm>>
      %dma_start3A_21 = tpu.memref_squeeze %dma_start3A_20 : memref<1x10752xi32, #tpu.memory_space<hbm>> -> memref<10752xi32, #tpu.memory_space<hbm>>
      %dma_start3A_22 = arith.constant 0 : i32
      %dma_start3A_23 = tpu.memref_slice %arg3[%add3A, %dma_start3A_22] : memref<32x10752xi32, #tpu.memory_space<hbm>> -> memref<1x10752xi32, #tpu.memory_space<hbm>>
      %dma_start3A_24 = tpu.memref_squeeze %dma_start3A_23 : memref<1x10752xi32, #tpu.memory_space<hbm>> -> memref<10752xi32, #tpu.memory_space<hbm>>
      tpu.enqueue_dma source(%arg4 : memref<10752xi32, #tpu.memory_space<vmem>>) target(%dma_start3A_24 : memref<10752xi32, #tpu.memory_space<hbm>>) target_semaphore(%run_scoped3A : memref<!tpu.dma_semaphore, #tpu.memory_space<semaphore_mem>>)
      %dma_wait3A = arith.constant 0 : i32
      %dma_wait3A_25 = tpu.memref_slice %arg3[%add3A, %dma_wait3A] : memref<32x10752xi32, #tpu.memory_space<hbm>> -> memref<1x10752xi32, #tpu.memory_space<hbm>>
      %dma_wait3A_26 = tpu.memref_squeeze %dma_wait3A_25 : memref<1x10752xi32, #tpu.memory_space<hbm>> -> memref<10752xi32, #tpu.memory_space<hbm>>
      %dma_wait3A_27 = arith.constant 0 : i32
      %dma_wait3A_28 = tpu.memref_slice %arg3[%add3A, %dma_wait3A_27] : memref<32x10752xi32, #tpu.memory_space<hbm>> -> memref<1x10752xi32, #tpu.memory_space<hbm>>
      %dma_wait3A_29 = tpu.memref_squeeze %dma_wait3A_28 : memref<1x10752xi32, #tpu.memory_space<hbm>> -> memref<10752xi32, #tpu.memory_space<hbm>>
      tpu.wait_dma2 semaphore(%run_scoped3A : memref<!tpu.dma_semaphore, #tpu.memory_space<semaphore_mem>>) src(%arg4 : memref<10752xi32, #tpu.memory_space<vmem>>) dst(%dma_wait3A_29 : memref<10752xi32, #tpu.memory_space<hbm>>)
      tpu.yield
    }) : () -> ()
    return
  }
}

#map = affine_map<(d0, d1) -> (0)>
#map1 = affine_map<(d0, d1) -> (0, 0)>
module attributes {stable_mosaic.version = 14 : i64} {
  func.func @hist(%arg0: i32, %arg1: i32, %arg2: memref<3145728xi32, #tpu.memory_space<hbm>>, %arg3: memref<32x10752xi32, #tpu.memory_space<hbm>>, %arg4: memref<10752xi32, #tpu.memory_space<vmem>>, %arg5: memref<8192xi32, #tpu.memory_space<vmem>>, %arg6: memref<8192xi32, #tpu.memory_space<vmem>>, %arg7: memref<!tpu.dma_semaphore, #tpu.memory_space<semaphore_mem>>, %arg8: memref<!tpu.dma_semaphore, #tpu.memory_space<semaphore_mem>>) attributes {dimension_semantics = [#tpu.dimension_semantics<core_parallel>, #tpu.dimension_semantics<subcore_parallel>], iteration_bounds = array<i64: 2, 16>, scalar_prefetch = 0 : i64, scratch_operands = 5 : i64, tpu.core_type = #tpu.core_type<sc_vector_subcore>, window_params = [{transform_indices = #map}, {transform_indices = #map1}]} {
    %mul3A = arith.constant 2 : i32
    %mul3A_0 = arith.muli %arg1, %mul3A : i32
    %add3A = arith.addi %mul3A_0, %arg0 : i32
    %broadcast_in_dim3A = arith.constant 0 : i32
    %broadcast_in_dim3A_1 = vector.broadcast %broadcast_in_dim3A : i32 to vector<16xi32>
    %parallel_loop3A = arith.constant 0 : i32
    %parallel_loop3A_2 = arith.constant 672 : i32
    %parallel_loop3A_3 = arith.constant 1 : i32
    scf.for %parallel_loop3A_19 = %parallel_loop3A to %parallel_loop3A_2 step %parallel_loop3A_3  : i32 {
      %parallel_loop3A_20 = arith.constant 16 : i32
      %parallel_loop3A_21 = arith.muli %parallel_loop3A_19, %parallel_loop3A_20 : i32
      %parallel_loop3A_22 = arith.index_cast %parallel_loop3A_21 : i32 to index
      %parallel_loop3A_23 = tpu.vector_load %arg4[%parallel_loop3A_22] {strides = array<i32>} : memref<10752xi32, #tpu.memory_space<vmem>>, vector<16xi32>,
      tpu.vector_store %arg4[%parallel_loop3A_22], %broadcast_in_dim3A_1 {strides = array<i32>} : memref<10752xi32, #tpu.memory_space<vmem>>, vector<16xi32>,
    } {sc.loop_unroll_factor = 8 : i64, sc.parallel_access}
    %mul3A_4 = arith.constant 98304 : i32
    %mul3A_5 = arith.muli %add3A, %mul3A_4 : i32
    %broadcast_in_dim3A_6 = arith.constant 1 : i32
    %broadcast_in_dim3A_7 = vector.broadcast %broadcast_in_dim3A_6 : i32 to vector<16xi32>
    %broadcast_in_dim3A_8 = arith.constant 255 : i32
    %broadcast_in_dim3A_9 = vector.broadcast %broadcast_in_dim3A_8 : i32 to vector<16xi32>
    %broadcast_in_dim3A_10 = arith.constant 5120 : i32
    %broadcast_in_dim3A_11 = vector.broadcast %broadcast_in_dim3A_10 : i32 to vector<16xi32>
    %add3A_12 = arith.constant 0 : i32
    %add3A_13 = arith.addi %mul3A_5, %add3A_12 : i32
    %dma_start3A = tpu.memref_slice %arg2[%add3A_13] : memref<3145728xi32, #tpu.memory_space<hbm>> -> memref<8192xi32, #tpu.memory_space<hbm>>
    %dma_start3A_14 = tpu.memref_slice %arg2[%add3A_13] : memref<3145728xi32, #tpu.memory_space<hbm>> -> memref<8192xi32, #tpu.memory_space<hbm>>
    tpu.enqueue_dma source(%dma_start3A_14 : memref<8192xi32, #tpu.memory_space<hbm>>) target(%arg5 : memref<8192xi32, #tpu.memory_space<vmem>>) target_semaphore(%arg7 : memref<!tpu.dma_semaphore, #tpu.memory_space<semaphore_mem>>)
    %scan3A = arith.constant 0 : i32
    %scan3A_15 = arith.constant 6 : i32
    %scan3A_16 = arith.addi %scan3A, %scan3A_15 : i32
    %scan3A_17 = arith.constant 1 : i32
    scf.for %scan3A_19 = %scan3A to %scan3A_16 step %scan3A_17  : i32 {
      %mul3A_20 = arith.constant 2 : i32
      %mul3A_21 = arith.muli %mul3A_20, %scan3A_19 : i32
      %add3A_22 = arith.constant 1 : i32
      %add3A_23 = arith.addi %mul3A_21, %add3A_22 : i32
      %mul3A_24 = arith.constant 8192 : i32
      %mul3A_25 = arith.muli %add3A_23, %mul3A_24 : i32
      %add3A_26 = arith.addi %mul3A_5, %mul3A_25 : i32
      %dma_start3A_27 = tpu.memref_slice %arg2[%add3A_26] : memref<3145728xi32, #tpu.memory_space<hbm>> -> memref<8192xi32, #tpu.memory_space<hbm>>
      %dma_start3A_28 = tpu.memref_slice %arg2[%add3A_26] : memref<3145728xi32, #tpu.memory_space<hbm>> -> memref<8192xi32, #tpu.memory_space<hbm>>
      tpu.enqueue_dma source(%dma_start3A_28 : memref<8192xi32, #tpu.memory_space<hbm>>) target(%arg6 : memref<8192xi32, #tpu.memory_space<vmem>>) target_semaphore(%arg8 : memref<!tpu.dma_semaphore, #tpu.memory_space<semaphore_mem>>)
      %mul3A_29 = arith.constant 8192 : i32
      %mul3A_30 = arith.muli %mul3A_21, %mul3A_29 : i32
      %add3A_31 = arith.addi %mul3A_5, %mul3A_30 : i32
      %dma_wait3A = tpu.memref_slice %arg2[%add3A_31] : memref<3145728xi32, #tpu.memory_space<hbm>> -> memref<8192xi32, #tpu.memory_space<hbm>>
      %dma_wait3A_32 = tpu.memref_slice %arg2[%add3A_31] : memref<3145728xi32, #tpu.memory_space<hbm>> -> memref<8192xi32, #tpu.memory_space<hbm>>
      tpu.wait_dma2 semaphore(%arg7 : memref<!tpu.dma_semaphore, #tpu.memory_space<semaphore_mem>>) src(%dma_wait3A_32 : memref<8192xi32, #tpu.memory_space<hbm>>) dst(%arg5 : memref<8192xi32, #tpu.memory_space<vmem>>)
      %mul3A_33 = arith.constant 8192 : i32
      %mul3A_34 = arith.muli %mul3A_21, %mul3A_33 : i32
      %add3A_35 = arith.addi %mul3A_5, %mul3A_34 : i32
      %shift_right_logical3A = arith.constant 15 : i32
      %shift_right_logical3A_36 = arith.shrui %add3A_35, %shift_right_logical3A : i32
      %rem3A = arith.constant 6 : i32
      %rem3A_37 = arith.remsi %shift_right_logical3A_36, %rem3A : i32
      %eq3A = arith.constant 5 : i32
      %eq3A_38 = arith.cmpi eq, %rem3A_37, %eq3A : i32
      %convert_element_type3A = arith.extui %eq3A_38 : i1 to i32
      %cond3A = arith.constant 0 : i32
      %cond3A_39 = arith.cmpi ne, %convert_element_type3A, %cond3A : i32
      scf.if %cond3A_39 {
        %parallel_loop3A_76 = arith.constant 0 : i32
        %parallel_loop3A_77 = arith.constant 512 : i32
        %parallel_loop3A_78 = arith.constant 1 : i32
        scf.for %parallel_loop3A_79 = %parallel_loop3A_76 to %parallel_loop3A_77 step %parallel_loop3A_78  : i32 {
          %parallel_loop3A_80 = arith.constant 16 : i32
          %parallel_loop3A_81 = arith.muli %parallel_loop3A_79, %parallel_loop3A_80 : i32
          %parallel_loop3A_82 = arith.index_cast %parallel_loop3A_81 : i32 to index
          %parallel_loop3A_83 = tpu.vector_load %arg5[%parallel_loop3A_82] {strides = array<i32>} : memref<8192xi32, #tpu.memory_space<vmem>>, vector<16xi32>,
          %parallel_loop3A_84 = arith.andi %parallel_loop3A_83, %broadcast_in_dim3A_9 : vector<16xi32>
          %parallel_loop3A_85 = arith.addi %parallel_loop3A_84, %broadcast_in_dim3A_11 : vector<16xi32>
          %parallel_loop3A_86 = arith.constant 8 : i32
          %parallel_loop3A_87 = vector.broadcast %parallel_loop3A_86 : i32 to vector<16xi32>
          %parallel_loop3A_88 = arith.shrui %parallel_loop3A_83, %parallel_loop3A_87 : vector<16xi32>
          tpu.vector_store_idx %arg4[%parallel_loop3A_85], %broadcast_in_dim3A_7 {add = true} : memref<10752xi32, #tpu.memory_space<vmem>>[vector<16xi32>], vector<16xi32>,
          tpu.vector_store_idx %arg4[%parallel_loop3A_88], %broadcast_in_dim3A_7 {add = true} : memref<10752xi32, #tpu.memory_space<vmem>>[vector<16xi32>], vector<16xi32>,
        } {sc.loop_unroll_factor = 8 : i64, sc.parallel_access}
      } else {
      }
      %ne3A = arith.constant 5 : i32
      %ne3A_40 = arith.cmpi ne, %rem3A_37, %ne3A : i32
      %convert_element_type3A_41 = arith.extui %ne3A_40 : i1 to i32
      %cond3A_42 = arith.constant 0 : i32
      %cond3A_43 = arith.cmpi ne, %convert_element_type3A_41, %cond3A_42 : i32
      scf.if %cond3A_43 {
        %broadcast_in_dim3A_76 = arith.constant 1 : i32
        %broadcast_in_dim3A_77 = vector.broadcast %broadcast_in_dim3A_76 : i32 to vector<16xi32>
        %mul3A_78 = arith.constant 4 : i32
        %mul3A_79 = arith.muli %rem3A_37, %mul3A_78 : i32
        %mul3A_80 = arith.constant 256 : i32
        %mul3A_81 = arith.muli %mul3A_79, %mul3A_80 : i32
        %mul3A_82 = vector.broadcast %mul3A_81 : i32 to vector<16xi32>
        %mul3A_83 = arith.muli %broadcast_in_dim3A_77, %mul3A_82 : vector<16xi32>
        %add3A_84 = arith.constant 256 : i32
        %add3A_85 = vector.broadcast %add3A_84 : i32 to vector<16xi32>
        %add3A_86 = arith.addi %mul3A_83, %add3A_85 : vector<16xi32>
        %add3A_87 = arith.constant 512 : i32
        %add3A_88 = vector.broadcast %add3A_87 : i32 to vector<16xi32>
        %add3A_89 = arith.addi %mul3A_83, %add3A_88 : vector<16xi32>
        %add3A_90 = arith.constant 768 : i32
        %add3A_91 = vector.broadcast %add3A_90 : i32 to vector<16xi32>
        %add3A_92 = arith.addi %mul3A_83, %add3A_91 : vector<16xi32>
        %parallel_loop3A_93 = arith.constant 0 : i32
        %parallel_loop3A_94 = arith.constant 512 : i32
        %parallel_loop3A_95 = arith.constant 1 : i32
        scf.for %parallel_loop3A_96 = %parallel_loop3A_93 to %parallel_loop3A_94 step %parallel_loop3A_95  : i32 {
          %parallel_loop3A_97 = arith.constant 16 : i32
          %parallel_loop3A_98 = arith.muli %parallel_loop3A_96, %parallel_loop3A_97 : i32
          %parallel_loop3A_99 = arith.index_cast %parallel_loop3A_98 : i32 to index
          %parallel_loop3A_100 = tpu.vector_load %arg5[%parallel_loop3A_99] {strides = array<i32>} : memref<8192xi32, #tpu.memory_space<vmem>>, vector<16xi32>,
          %parallel_loop3A_101 = arith.andi %parallel_loop3A_100, %broadcast_in_dim3A_9 : vector<16xi32>
          %parallel_loop3A_102 = arith.addi %parallel_loop3A_101, %mul3A_83 : vector<16xi32>
          %parallel_loop3A_103 = arith.constant 8 : i32
          %parallel_loop3A_104 = vector.broadcast %parallel_loop3A_103 : i32 to vector<16xi32>
          %parallel_loop3A_105 = arith.shrui %parallel_loop3A_100, %parallel_loop3A_104 : vector<16xi32>
          %parallel_loop3A_106 = arith.andi %parallel_loop3A_105, %broadcast_in_dim3A_9 : vector<16xi32>
          %parallel_loop3A_107 = arith.addi %parallel_loop3A_106, %add3A_86 : vector<16xi32>
          %parallel_loop3A_108 = arith.constant 16 : i32
          %parallel_loop3A_109 = vector.broadcast %parallel_loop3A_108 : i32 to vector<16xi32>
          %parallel_loop3A_110 = arith.shrui %parallel_loop3A_100, %parallel_loop3A_109 : vector<16xi32>
          %parallel_loop3A_111 = arith.andi %parallel_loop3A_110, %broadcast_in_dim3A_9 : vector<16xi32>
          %parallel_loop3A_112 = arith.addi %parallel_loop3A_111, %add3A_89 : vector<16xi32>
          %parallel_loop3A_113 = arith.constant 24 : i32
          %parallel_loop3A_114 = vector.broadcast %parallel_loop3A_113 : i32 to vector<16xi32>
          %parallel_loop3A_115 = arith.shrui %parallel_loop3A_100, %parallel_loop3A_114 : vector<16xi32>
          %parallel_loop3A_116 = arith.addi %parallel_loop3A_115, %add3A_92 : vector<16xi32>
          tpu.vector_store_idx %arg4[%parallel_loop3A_102], %broadcast_in_dim3A_7 {add = true} : memref<10752xi32, #tpu.memory_space<vmem>>[vector<16xi32>], vector<16xi32>,
          tpu.vector_store_idx %arg4[%parallel_loop3A_107], %broadcast_in_dim3A_7 {add = true} : memref<10752xi32, #tpu.memory_space<vmem>>[vector<16xi32>], vector<16xi32>,
          tpu.vector_store_idx %arg4[%parallel_loop3A_112], %broadcast_in_dim3A_7 {add = true} : memref<10752xi32, #tpu.memory_space<vmem>>[vector<16xi32>], vector<16xi32>,
          tpu.vector_store_idx %arg4[%parallel_loop3A_116], %broadcast_in_dim3A_7 {add = true} : memref<10752xi32, #tpu.memory_space<vmem>>[vector<16xi32>], vector<16xi32>,
        } {sc.loop_unroll_factor = 8 : i64, sc.parallel_access}
      } else {
      }
      %add3A_44 = arith.constant 2 : i32
      %add3A_45 = arith.addi %mul3A_21, %add3A_44 : i32
      %lt3A = arith.constant 12 : i32
      %lt3A_46 = arith.cmpi slt, %add3A_45, %lt3A : i32
      %convert_element_type3A_47 = arith.extui %lt3A_46 : i1 to i32
      %cond3A_48 = arith.constant 0 : i32
      %cond3A_49 = arith.cmpi ne, %convert_element_type3A_47, %cond3A_48 : i32
      scf.if %cond3A_49 {
        %add3A_76 = arith.constant 2 : i32
        %add3A_77 = arith.addi %mul3A_21, %add3A_76 : i32
        %mul3A_78 = arith.constant 8192 : i32
        %mul3A_79 = arith.muli %add3A_77, %mul3A_78 : i32
        %add3A_80 = arith.addi %mul3A_5, %mul3A_79 : i32
        %dma_start3A_81 = tpu.memref_slice %arg2[%add3A_80] : memref<3145728xi32, #tpu.memory_space<hbm>> -> memref<8192xi32, #tpu.memory_space<hbm>>
        %dma_start3A_82 = tpu.memref_slice %arg2[%add3A_80] : memref<3145728xi32, #tpu.memory_space<hbm>> -> memref<8192xi32, #tpu.memory_space<hbm>>
        tpu.enqueue_dma source(%dma_start3A_82 : memref<8192xi32, #tpu.memory_space<hbm>>) target(%arg5 : memref<8192xi32, #tpu.memory_space<vmem>>) target_semaphore(%arg7 : memref<!tpu.dma_semaphore, #tpu.memory_space<semaphore_mem>>)
      } else {
      }
      %add3A_50 = arith.constant 1 : i32
      %add3A_51 = arith.addi %mul3A_21, %add3A_50 : i32
      %mul3A_52 = arith.constant 8192 : i32
      %mul3A_53 = arith.muli %add3A_51, %mul3A_52 : i32
      %add3A_54 = arith.addi %mul3A_5, %mul3A_53 : i32
      %dma_wait3A_55 = tpu.memref_slice %arg2[%add3A_54] : memref<3145728xi32, #tpu.memory_space<hbm>> -> memref<8192xi32, #tpu.memory_space<hbm>>
      %dma_wait3A_56 = tpu.memref_slice %arg2[%add3A_54] : memref<3145728xi32, #tpu.memory_space<hbm>> -> memref<8192xi32, #tpu.memory_space<hbm>>
      tpu.wait_dma2 semaphore(%arg8 : memref<!tpu.dma_semaphore, #tpu.memory_space<semaphore_mem>>) src(%dma_wait3A_56 : memref<8192xi32, #tpu.memory_space<hbm>>) dst(%arg6 : memref<8192xi32, #tpu.memory_space<vmem>>)
      %add3A_57 = arith.constant 1 : i32
      %add3A_58 = arith.addi %mul3A_21, %add3A_57 : i32
      %mul3A_59 = arith.constant 8192 : i32
      %mul3A_60 = arith.muli %add3A_58, %mul3A_59 : i32
      %add3A_61 = arith.addi %mul3A_5, %mul3A_60 : i32
      %shift_right_logical3A_62 = arith.constant 15 : i32
      %shift_right_logical3A_63 = arith.shrui %add3A_61, %shift_right_logical3A_62 : i32
      %rem3A_64 = arith.constant 6 : i32
      %rem3A_65 = arith.remsi %shift_right_logical3A_63, %rem3A_64 : i32
      %eq3A_66 = arith.constant 5 : i32
      %eq3A_67 = arith.cmpi eq, %rem3A_65, %eq3A_66 : i32
      %convert_element_type3A_68 = arith.extui %eq3A_67 : i1 to i32
      %cond3A_69 = arith.constant 0 : i32
      %cond3A_70 = arith.cmpi ne, %convert_element_type3A_68, %cond3A_69 : i32
      scf.if %cond3A_70 {
        %parallel_loop3A_76 = arith.constant 0 : i32
        %parallel_loop3A_77 = arith.constant 512 : i32
        %parallel_loop3A_78 = arith.constant 1 : i32
        scf.for %parallel_loop3A_79 = %parallel_loop3A_76 to %parallel_loop3A_77 step %parallel_loop3A_78  : i32 {
          %parallel_loop3A_80 = arith.constant 16 : i32
          %parallel_loop3A_81 = arith.muli %parallel_loop3A_79, %parallel_loop3A_80 : i32
          %parallel_loop3A_82 = arith.index_cast %parallel_loop3A_81 : i32 to index
          %parallel_loop3A_83 = tpu.vector_load %arg6[%parallel_loop3A_82] {strides = array<i32>} : memref<8192xi32, #tpu.memory_space<vmem>>, vector<16xi32>,
          %parallel_loop3A_84 = arith.andi %parallel_loop3A_83, %broadcast_in_dim3A_9 : vector<16xi32>
          %parallel_loop3A_85 = arith.addi %parallel_loop3A_84, %broadcast_in_dim3A_11 : vector<16xi32>
          %parallel_loop3A_86 = arith.constant 8 : i32
          %parallel_loop3A_87 = vector.broadcast %parallel_loop3A_86 : i32 to vector<16xi32>
          %parallel_loop3A_88 = arith.shrui %parallel_loop3A_83, %parallel_loop3A_87 : vector<16xi32>
          tpu.vector_store_idx %arg4[%parallel_loop3A_85], %broadcast_in_dim3A_7 {add = true} : memref<10752xi32, #tpu.memory_space<vmem>>[vector<16xi32>], vector<16xi32>,
          tpu.vector_store_idx %arg4[%parallel_loop3A_88], %broadcast_in_dim3A_7 {add = true} : memref<10752xi32, #tpu.memory_space<vmem>>[vector<16xi32>], vector<16xi32>,
        } {sc.loop_unroll_factor = 8 : i64, sc.parallel_access}
      } else {
      }
      %ne3A_71 = arith.constant 5 : i32
      %ne3A_72 = arith.cmpi ne, %rem3A_65, %ne3A_71 : i32
      %convert_element_type3A_73 = arith.extui %ne3A_72 : i1 to i32
      %cond3A_74 = arith.constant 0 : i32
      %cond3A_75 = arith.cmpi ne, %convert_element_type3A_73, %cond3A_74 : i32
      scf.if %cond3A_75 {
        %broadcast_in_dim3A_76 = arith.constant 1 : i32
        %broadcast_in_dim3A_77 = vector.broadcast %broadcast_in_dim3A_76 : i32 to vector<16xi32>
        %mul3A_78 = arith.constant 4 : i32
        %mul3A_79 = arith.muli %rem3A_65, %mul3A_78 : i32
        %mul3A_80 = arith.constant 256 : i32
        %mul3A_81 = arith.muli %mul3A_79, %mul3A_80 : i32
        %mul3A_82 = vector.broadcast %mul3A_81 : i32 to vector<16xi32>
        %mul3A_83 = arith.muli %broadcast_in_dim3A_77, %mul3A_82 : vector<16xi32>
        %add3A_84 = arith.constant 256 : i32
        %add3A_85 = vector.broadcast %add3A_84 : i32 to vector<16xi32>
        %add3A_86 = arith.addi %mul3A_83, %add3A_85 : vector<16xi32>
        %add3A_87 = arith.constant 512 : i32
        %add3A_88 = vector.broadcast %add3A_87 : i32 to vector<16xi32>
        %add3A_89 = arith.addi %mul3A_83, %add3A_88 : vector<16xi32>
        %add3A_90 = arith.constant 768 : i32
        %add3A_91 = vector.broadcast %add3A_90 : i32 to vector<16xi32>
        %add3A_92 = arith.addi %mul3A_83, %add3A_91 : vector<16xi32>
        %parallel_loop3A_93 = arith.constant 0 : i32
        %parallel_loop3A_94 = arith.constant 512 : i32
        %parallel_loop3A_95 = arith.constant 1 : i32
        scf.for %parallel_loop3A_96 = %parallel_loop3A_93 to %parallel_loop3A_94 step %parallel_loop3A_95  : i32 {
          %parallel_loop3A_97 = arith.constant 16 : i32
          %parallel_loop3A_98 = arith.muli %parallel_loop3A_96, %parallel_loop3A_97 : i32
          %parallel_loop3A_99 = arith.index_cast %parallel_loop3A_98 : i32 to index
          %parallel_loop3A_100 = tpu.vector_load %arg6[%parallel_loop3A_99] {strides = array<i32>} : memref<8192xi32, #tpu.memory_space<vmem>>, vector<16xi32>,
          %parallel_loop3A_101 = arith.andi %parallel_loop3A_100, %broadcast_in_dim3A_9 : vector<16xi32>
          %parallel_loop3A_102 = arith.addi %parallel_loop3A_101, %mul3A_83 : vector<16xi32>
          %parallel_loop3A_103 = arith.constant 8 : i32
          %parallel_loop3A_104 = vector.broadcast %parallel_loop3A_103 : i32 to vector<16xi32>
          %parallel_loop3A_105 = arith.shrui %parallel_loop3A_100, %parallel_loop3A_104 : vector<16xi32>
          %parallel_loop3A_106 = arith.andi %parallel_loop3A_105, %broadcast_in_dim3A_9 : vector<16xi32>
          %parallel_loop3A_107 = arith.addi %parallel_loop3A_106, %add3A_86 : vector<16xi32>
          %parallel_loop3A_108 = arith.constant 16 : i32
          %parallel_loop3A_109 = vector.broadcast %parallel_loop3A_108 : i32 to vector<16xi32>
          %parallel_loop3A_110 = arith.shrui %parallel_loop3A_100, %parallel_loop3A_109 : vector<16xi32>
          %parallel_loop3A_111 = arith.andi %parallel_loop3A_110, %broadcast_in_dim3A_9 : vector<16xi32>
          %parallel_loop3A_112 = arith.addi %parallel_loop3A_111, %add3A_89 : vector<16xi32>
          %parallel_loop3A_113 = arith.constant 24 : i32
          %parallel_loop3A_114 = vector.broadcast %parallel_loop3A_113 : i32 to vector<16xi32>
          %parallel_loop3A_115 = arith.shrui %parallel_loop3A_100, %parallel_loop3A_114 : vector<16xi32>
          %parallel_loop3A_116 = arith.addi %parallel_loop3A_115, %add3A_92 : vector<16xi32>
          tpu.vector_store_idx %arg4[%parallel_loop3A_102], %broadcast_in_dim3A_7 {add = true} : memref<10752xi32, #tpu.memory_space<vmem>>[vector<16xi32>], vector<16xi32>,
          tpu.vector_store_idx %arg4[%parallel_loop3A_107], %broadcast_in_dim3A_7 {add = true} : memref<10752xi32, #tpu.memory_space<vmem>>[vector<16xi32>], vector<16xi32>,
          tpu.vector_store_idx %arg4[%parallel_loop3A_112], %broadcast_in_dim3A_7 {add = true} : memref<10752xi32, #tpu.memory_space<vmem>>[vector<16xi32>], vector<16xi32>,
          tpu.vector_store_idx %arg4[%parallel_loop3A_116], %broadcast_in_dim3A_7 {add = true} : memref<10752xi32, #tpu.memory_space<vmem>>[vector<16xi32>], vector<16xi32>,
        } {sc.loop_unroll_factor = 8 : i64, sc.parallel_access}
      } else {
      }
    }
    %scan3A_18 = arith.constant 6 : i32
    "tpu.region"() ({
      %run_scoped3A = tpu.sem_alloc : memref<!tpu.dma_semaphore, #tpu.memory_space<semaphore_mem>>
      %dma_start3A_19 = arith.constant 0 : i32
      %dma_start3A_20 = tpu.memref_slice %arg3[%add3A, %dma_start3A_19] : memref<32x10752xi32, #tpu.memory_space<hbm>> -> memref<1x10752xi32, #tpu.memory_space<hbm>>
      %dma_start3A_21 = tpu.memref_squeeze %dma_start3A_20 : memref<1x10752xi32, #tpu.memory_space<hbm>> -> memref<10752xi32, #tpu.memory_space<hbm>>
      %dma_start3A_22 = arith.constant 0 : i32
      %dma_start3A_23 = tpu.memref_slice %arg3[%add3A, %dma_start3A_22] : memref<32x10752xi32, #tpu.memory_space<hbm>> -> memref<1x10752xi32, #tpu.memory_space<hbm>>
      %dma_start3A_24 = tpu.memref_squeeze %dma_start3A_23 : memref<1x10752xi32, #tpu.memory_space<hbm>> -> memref<10752xi32, #tpu.memory_space<hbm>>
      tpu.enqueue_dma source(%arg4 : memref<10752xi32, #tpu.memory_space<vmem>>) target(%dma_start3A_24 : memref<10752xi32, #tpu.memory_space<hbm>>) target_semaphore(%run_scoped3A : memref<!tpu.dma_semaphore, #tpu.memory_space<semaphore_mem>>)
      %dma_wait3A = arith.constant 0 : i32
      %dma_wait3A_25 = tpu.memref_slice %arg3[%add3A, %dma_wait3A] : memref<32x10752xi32, #tpu.memory_space<hbm>> -> memref<1x10752xi32, #tpu.memory_space<hbm>>
      %dma_wait3A_26 = tpu.memref_squeeze %dma_wait3A_25 : memref<1x10752xi32, #tpu.memory_space<hbm>> -> memref<10752xi32, #tpu.memory_space<hbm>>
      %dma_wait3A_27 = arith.constant 0 : i32
      %dma_wait3A_28 = tpu.memref_slice %arg3[%add3A, %dma_wait3A_27] : memref<32x10752xi32, #tpu.memory_space<hbm>> -> memref<1x10752xi32, #tpu.memory_space<hbm>>
      %dma_wait3A_29 = tpu.memref_squeeze %dma_wait3A_28 : memref<1x10752xi32, #tpu.memory_space<hbm>> -> memref<10752xi32, #tpu.memory_space<hbm>>
      tpu.wait_dma2 semaphore(%run_scoped3A : memref<!tpu.dma_semaphore, #tpu.memory_space<semaphore_mem>>) src(%arg4 : memref<10752xi32, #tpu.memory_space<vmem>>) dst(%dma_wait3A_29 : memref<10752xi32, #tpu.memory_space<hbm>>)
      tpu.yield
    }) : () -> ()
    return
  }
}

module attributes {stable_mosaic.version = 14 : i64} {
  func.func @_bin_body(%arg0: i32, %arg1: i32, %arg2: memref<1x21x64x512xf32, #tpu.memory_space<vmem>>, %arg3: memref<1x64x512xi32, #tpu.memory_space<vmem>>, %arg4: memref<196608xi32, #tpu.memory_space<vmem>>) attributes {dimension_semantics = [#tpu.dimension_semantics<arbitrary>, #tpu.dimension_semantics<arbitrary>], iteration_bounds = array<i64: 2, 8>, scalar_prefetch = 0 : i64, scratch_operands = 0 : i64, tpu.core_type = #tpu.core_type<tc>, window_params = [{transform_indices = @transform_0, window_bounds = array<i64: 1, 21, 64, 512>}, {transform_indices = @transform_1, window_bounds = array<i64: 1, 64, 512>}, {transform_indices = @transform_2, window_bounds = array<i64: 196608>}]} {
    %get3A = arith.constant 0 : index
    %get3A_0 = arith.constant 0 : index
    %get3A_1 = arith.constant 0 : index
    %get3A_2 = arith.constant 0 : index
    %get3A_3 = vector.load %arg2[%get3A, %get3A_0, %get3A_1, %get3A_2] : memref<1x21x64x512xf32, #tpu.memory_space<vmem>>, vector<1x21x64x512xf32>
    %get3A_4 = vector.shape_cast %get3A_3 : vector<1x21x64x512xf32> to vector<21x64x512xf32>
    %get3A_5 = arith.constant 0 : index
    %get3A_6 = arith.constant 0 : index
    %get3A_7 = arith.constant 0 : index
    %get3A_8 = vector.load %arg3[%get3A_5, %get3A_6, %get3A_7] : memref<1x64x512xi32, #tpu.memory_space<vmem>>, vector<1x64x512xi32>
    %get3A_9 = vector.shape_cast %get3A_8 : vector<1x64x512xi32> to vector<64x512xi32>
    %exp3A = math.exp %get3A_4 : vector<21x64x512xf32>
    %reduce_sum3A = arith.constant dense<0.000000e+00> : vector<64x512xf32>
    %reduce_sum3A_10 = vector.multi_reduction <add>, %exp3A, %reduce_sum3A [0] : vector<21x64x512xf32> to vector<64x512xf32>
    %div3A = arith.constant 2.560000e+02 : f32
    %div3A_11 = vector.broadcast %div3A : f32 to vector<64x512xf32>
    %div3A_12 = arith.divf %div3A_11, %reduce_sum3A_10 : vector<64x512xf32>
    %broadcast_in_dim3A = arith.constant 0 : i32
    %broadcast_in_dim3A_13 = vector.broadcast %broadcast_in_dim3A : i32 to vector<64x512xi32>
    %slice3A = vector.extract_strided_slice %exp3A {offsets = [0, 0, 0], sizes = [1, 64, 512], strides = [1, 1, 1]} : vector<21x64x512xf32> to vector<1x64x512xf32>
    %squeeze3A = vector.shape_cast %slice3A : vector<1x64x512xf32> to vector<64x512xf32>
    %mul3A = arith.mulf %squeeze3A, %div3A_12 : vector<64x512xf32>
    %convert_element_type3A = arith.fptosi %mul3A : vector<64x512xf32> to vector<64x512xi32>
    %eq3A = arith.constant 0 : i32
    %eq3A_14 = vector.broadcast %eq3A : i32 to vector<64x512xi32>
    %eq3A_15 = arith.cmpi eq, %get3A_9, %eq3A_14 : vector<64x512xi32>
    %jit3A = arith.constant 255 : i32
    %jit3A_16 = arith.constant 0 : i32
    %broadcast_in_dim3A_17 = vector.broadcast %jit3A : i32 to vector<64x512xi32>
    %broadcast_in_dim3A_18 = vector.broadcast %jit3A_16 : i32 to vector<64x512xi32>
    %select_n3A = arith.select %eq3A_15, %broadcast_in_dim3A_17, %broadcast_in_dim3A_18 : vector<64x512xi1>, vector<64x512xi32>
    %xor3A = arith.xori %convert_element_type3A, %select_n3A : vector<64x512xi32>
    %select_n3A_19 = arith.select %eq3A_15, %xor3A, %broadcast_in_dim3A_13 : vector<64x512xi1>, vector<64x512xi32>
    %slice3A_20 = vector.extract_strided_slice %exp3A {offsets = [1, 0, 0], sizes = [1, 64, 512], strides = [1, 1, 1]} : vector<21x64x512xf32> to vector<1x64x512xf32>
    %squeeze3A_21 = vector.shape_cast %slice3A_20 : vector<1x64x512xf32> to vector<64x512xf32>
    %mul3A_22 = arith.mulf %squeeze3A_21, %div3A_12 : vector<64x512xf32>
    %convert_element_type3A_23 = arith.fptosi %mul3A_22 : vector<64x512xf32> to vector<64x512xi32>
    %eq3A_24 = arith.constant 1 : i32
    %eq3A_25 = vector.broadcast %eq3A_24 : i32 to vector<64x512xi32>
    %eq3A_26 = arith.cmpi eq, %get3A_9, %eq3A_25 : vector<64x512xi32>
    %jit3A_27 = arith.constant 255 : i32
    %jit3A_28 = arith.constant 0 : i32
    %broadcast_in_dim3A_29 = vector.broadcast %jit3A_27 : i32 to vector<64x512xi32>
    %broadcast_in_dim3A_30 = vector.broadcast %jit3A_28 : i32 to vector<64x512xi32>
    %select_n3A_31 = arith.select %eq3A_26, %broadcast_in_dim3A_29, %broadcast_in_dim3A_30 : vector<64x512xi1>, vector<64x512xi32>
    %xor3A_32 = arith.xori %convert_element_type3A_23, %select_n3A_31 : vector<64x512xi32>
    %select_n3A_33 = arith.select %eq3A_26, %xor3A_32, %select_n3A_19 : vector<64x512xi1>, vector<64x512xi32>
    %slice3A_34 = vector.extract_strided_slice %exp3A {offsets = [2, 0, 0], sizes = [1, 64, 512], strides = [1, 1, 1]} : vector<21x64x512xf32> to vector<1x64x512xf32>
    %squeeze3A_35 = vector.shape_cast %slice3A_34 : vector<1x64x512xf32> to vector<64x512xf32>
    %mul3A_36 = arith.mulf %squeeze3A_35, %div3A_12 : vector<64x512xf32>
    %convert_element_type3A_37 = arith.fptosi %mul3A_36 : vector<64x512xf32> to vector<64x512xi32>
    %eq3A_38 = arith.constant 2 : i32
    %eq3A_39 = vector.broadcast %eq3A_38 : i32 to vector<64x512xi32>
    %eq3A_40 = arith.cmpi eq, %get3A_9, %eq3A_39 : vector<64x512xi32>
    %jit3A_41 = arith.constant 255 : i32
    %jit3A_42 = arith.constant 0 : i32
    %broadcast_in_dim3A_43 = vector.broadcast %jit3A_41 : i32 to vector<64x512xi32>
    %broadcast_in_dim3A_44 = vector.broadcast %jit3A_42 : i32 to vector<64x512xi32>
    %select_n3A_45 = arith.select %eq3A_40, %broadcast_in_dim3A_43, %broadcast_in_dim3A_44 : vector<64x512xi1>, vector<64x512xi32>
    %xor3A_46 = arith.xori %convert_element_type3A_37, %select_n3A_45 : vector<64x512xi32>
    %select_n3A_47 = arith.select %eq3A_40, %xor3A_46, %select_n3A_33 : vector<64x512xi1>, vector<64x512xi32>
    %slice3A_48 = vector.extract_strided_slice %exp3A {offsets = [3, 0, 0], sizes = [1, 64, 512], strides = [1, 1, 1]} : vector<21x64x512xf32> to vector<1x64x512xf32>
    %squeeze3A_49 = vector.shape_cast %slice3A_48 : vector<1x64x512xf32> to vector<64x512xf32>
    %mul3A_50 = arith.mulf %squeeze3A_49, %div3A_12 : vector<64x512xf32>
    %convert_element_type3A_51 = arith.fptosi %mul3A_50 : vector<64x512xf32> to vector<64x512xi32>
    %eq3A_52 = arith.constant 3 : i32
    %eq3A_53 = vector.broadcast %eq3A_52 : i32 to vector<64x512xi32>
    %eq3A_54 = arith.cmpi eq, %get3A_9, %eq3A_53 : vector<64x512xi32>
    %jit3A_55 = arith.constant 255 : i32
    %jit3A_56 = arith.constant 0 : i32
    %broadcast_in_dim3A_57 = vector.broadcast %jit3A_55 : i32 to vector<64x512xi32>
    %broadcast_in_dim3A_58 = vector.broadcast %jit3A_56 : i32 to vector<64x512xi32>
    %select_n3A_59 = arith.select %eq3A_54, %broadcast_in_dim3A_57, %broadcast_in_dim3A_58 : vector<64x512xi1>, vector<64x512xi32>
    %xor3A_60 = arith.xori %convert_element_type3A_51, %select_n3A_59 : vector<64x512xi32>
    %select_n3A_61 = arith.select %eq3A_54, %xor3A_60, %select_n3A_47 : vector<64x512xi1>, vector<64x512xi32>
    %slice3A_62 = vector.extract_strided_slice %exp3A {offsets = [4, 0, 0], sizes = [1, 64, 512], strides = [1, 1, 1]} : vector<21x64x512xf32> to vector<1x64x512xf32>
    %squeeze3A_63 = vector.shape_cast %slice3A_62 : vector<1x64x512xf32> to vector<64x512xf32>
    %mul3A_64 = arith.mulf %squeeze3A_63, %div3A_12 : vector<64x512xf32>
    %convert_element_type3A_65 = arith.fptosi %mul3A_64 : vector<64x512xf32> to vector<64x512xi32>
    %eq3A_66 = arith.constant 4 : i32
    %eq3A_67 = vector.broadcast %eq3A_66 : i32 to vector<64x512xi32>
    %eq3A_68 = arith.cmpi eq, %get3A_9, %eq3A_67 : vector<64x512xi32>
    %jit3A_69 = arith.constant 255 : i32
    %jit3A_70 = arith.constant 0 : i32
    %broadcast_in_dim3A_71 = vector.broadcast %jit3A_69 : i32 to vector<64x512xi32>
    %broadcast_in_dim3A_72 = vector.broadcast %jit3A_70 : i32 to vector<64x512xi32>
    %select_n3A_73 = arith.select %eq3A_68, %broadcast_in_dim3A_71, %broadcast_in_dim3A_72 : vector<64x512xi1>, vector<64x512xi32>
    %xor3A_74 = arith.xori %convert_element_type3A_65, %select_n3A_73 : vector<64x512xi32>
    %select_n3A_75 = arith.select %eq3A_68, %xor3A_74, %select_n3A_61 : vector<64x512xi1>, vector<64x512xi32>
    %slice3A_76 = vector.extract_strided_slice %exp3A {offsets = [5, 0, 0], sizes = [1, 64, 512], strides = [1, 1, 1]} : vector<21x64x512xf32> to vector<1x64x512xf32>
    %squeeze3A_77 = vector.shape_cast %slice3A_76 : vector<1x64x512xf32> to vector<64x512xf32>
    %mul3A_78 = arith.mulf %squeeze3A_77, %div3A_12 : vector<64x512xf32>
    %convert_element_type3A_79 = arith.fptosi %mul3A_78 : vector<64x512xf32> to vector<64x512xi32>
    %eq3A_80 = arith.constant 5 : i32
    %eq3A_81 = vector.broadcast %eq3A_80 : i32 to vector<64x512xi32>
    %eq3A_82 = arith.cmpi eq, %get3A_9, %eq3A_81 : vector<64x512xi32>
    %jit3A_83 = arith.constant 255 : i32
    %jit3A_84 = arith.constant 0 : i32
    %broadcast_in_dim3A_85 = vector.broadcast %jit3A_83 : i32 to vector<64x512xi32>
    %broadcast_in_dim3A_86 = vector.broadcast %jit3A_84 : i32 to vector<64x512xi32>
    %select_n3A_87 = arith.select %eq3A_82, %broadcast_in_dim3A_85, %broadcast_in_dim3A_86 : vector<64x512xi1>, vector<64x512xi32>
    %xor3A_88 = arith.xori %convert_element_type3A_79, %select_n3A_87 : vector<64x512xi32>
    %select_n3A_89 = arith.select %eq3A_82, %xor3A_88, %select_n3A_75 : vector<64x512xi1>, vector<64x512xi32>
    %slice3A_90 = vector.extract_strided_slice %exp3A {offsets = [6, 0, 0], sizes = [1, 64, 512], strides = [1, 1, 1]} : vector<21x64x512xf32> to vector<1x64x512xf32>
    %squeeze3A_91 = vector.shape_cast %slice3A_90 : vector<1x64x512xf32> to vector<64x512xf32>
    %mul3A_92 = arith.mulf %squeeze3A_91, %div3A_12 : vector<64x512xf32>
    %convert_element_type3A_93 = arith.fptosi %mul3A_92 : vector<64x512xf32> to vector<64x512xi32>
    %eq3A_94 = arith.constant 6 : i32
    %eq3A_95 = vector.broadcast %eq3A_94 : i32 to vector<64x512xi32>
    %eq3A_96 = arith.cmpi eq, %get3A_9, %eq3A_95 : vector<64x512xi32>
    %jit3A_97 = arith.constant 255 : i32
    %jit3A_98 = arith.constant 0 : i32
    %broadcast_in_dim3A_99 = vector.broadcast %jit3A_97 : i32 to vector<64x512xi32>
    %broadcast_in_dim3A_100 = vector.broadcast %jit3A_98 : i32 to vector<64x512xi32>
    %select_n3A_101 = arith.select %eq3A_96, %broadcast_in_dim3A_99, %broadcast_in_dim3A_100 : vector<64x512xi1>, vector<64x512xi32>
    %xor3A_102 = arith.xori %convert_element_type3A_93, %select_n3A_101 : vector<64x512xi32>
    %select_n3A_103 = arith.select %eq3A_96, %xor3A_102, %select_n3A_89 : vector<64x512xi1>, vector<64x512xi32>
    %slice3A_104 = vector.extract_strided_slice %exp3A {offsets = [7, 0, 0], sizes = [1, 64, 512], strides = [1, 1, 1]} : vector<21x64x512xf32> to vector<1x64x512xf32>
    %squeeze3A_105 = vector.shape_cast %slice3A_104 : vector<1x64x512xf32> to vector<64x512xf32>
    %mul3A_106 = arith.mulf %squeeze3A_105, %div3A_12 : vector<64x512xf32>
    %convert_element_type3A_107 = arith.fptosi %mul3A_106 : vector<64x512xf32> to vector<64x512xi32>
    %eq3A_108 = arith.constant 7 : i32
    %eq3A_109 = vector.broadcast %eq3A_108 : i32 to vector<64x512xi32>
    %eq3A_110 = arith.cmpi eq, %get3A_9, %eq3A_109 : vector<64x512xi32>
    %jit3A_111 = arith.constant 255 : i32
    %jit3A_112 = arith.constant 0 : i32
    %broadcast_in_dim3A_113 = vector.broadcast %jit3A_111 : i32 to vector<64x512xi32>
    %broadcast_in_dim3A_114 = vector.broadcast %jit3A_112 : i32 to vector<64x512xi32>
    %select_n3A_115 = arith.select %eq3A_110, %broadcast_in_dim3A_113, %broadcast_in_dim3A_114 : vector<64x512xi1>, vector<64x512xi32>
    %xor3A_116 = arith.xori %convert_element_type3A_107, %select_n3A_115 : vector<64x512xi32>
    %select_n3A_117 = arith.select %eq3A_110, %xor3A_116, %select_n3A_103 : vector<64x512xi1>, vector<64x512xi32>
    %slice3A_118 = vector.extract_strided_slice %exp3A {offsets = [8, 0, 0], sizes = [1, 64, 512], strides = [1, 1, 1]} : vector<21x64x512xf32> to vector<1x64x512xf32>
    %squeeze3A_119 = vector.shape_cast %slice3A_118 : vector<1x64x512xf32> to vector<64x512xf32>
    %mul3A_120 = arith.mulf %squeeze3A_119, %div3A_12 : vector<64x512xf32>
    %convert_element_type3A_121 = arith.fptosi %mul3A_120 : vector<64x512xf32> to vector<64x512xi32>
    %eq3A_122 = arith.constant 8 : i32
    %eq3A_123 = vector.broadcast %eq3A_122 : i32 to vector<64x512xi32>
    %eq3A_124 = arith.cmpi eq, %get3A_9, %eq3A_123 : vector<64x512xi32>
    %jit3A_125 = arith.constant 255 : i32
    %jit3A_126 = arith.constant 0 : i32
    %broadcast_in_dim3A_127 = vector.broadcast %jit3A_125 : i32 to vector<64x512xi32>
    %broadcast_in_dim3A_128 = vector.broadcast %jit3A_126 : i32 to vector<64x512xi32>
    %select_n3A_129 = arith.select %eq3A_124, %broadcast_in_dim3A_127, %broadcast_in_dim3A_128 : vector<64x512xi1>, vector<64x512xi32>
    %xor3A_130 = arith.xori %convert_element_type3A_121, %select_n3A_129 : vector<64x512xi32>
    %select_n3A_131 = arith.select %eq3A_124, %xor3A_130, %select_n3A_117 : vector<64x512xi1>, vector<64x512xi32>
    %slice3A_132 = vector.extract_strided_slice %exp3A {offsets = [9, 0, 0], sizes = [1, 64, 512], strides = [1, 1, 1]} : vector<21x64x512xf32> to vector<1x64x512xf32>
    %squeeze3A_133 = vector.shape_cast %slice3A_132 : vector<1x64x512xf32> to vector<64x512xf32>
    %mul3A_134 = arith.mulf %squeeze3A_133, %div3A_12 : vector<64x512xf32>
    %convert_element_type3A_135 = arith.fptosi %mul3A_134 : vector<64x512xf32> to vector<64x512xi32>
    %eq3A_136 = arith.constant 9 : i32
    %eq3A_137 = vector.broadcast %eq3A_136 : i32 to vector<64x512xi32>
    %eq3A_138 = arith.cmpi eq, %get3A_9, %eq3A_137 : vector<64x512xi32>
    %jit3A_139 = arith.constant 255 : i32
    %jit3A_140 = arith.constant 0 : i32
    %broadcast_in_dim3A_141 = vector.broadcast %jit3A_139 : i32 to vector<64x512xi32>
    %broadcast_in_dim3A_142 = vector.broadcast %jit3A_140 : i32 to vector<64x512xi32>
    %select_n3A_143 = arith.select %eq3A_138, %broadcast_in_dim3A_141, %broadcast_in_dim3A_142 : vector<64x512xi1>, vector<64x512xi32>
    %xor3A_144 = arith.xori %convert_element_type3A_135, %select_n3A_143 : vector<64x512xi32>
    %select_n3A_145 = arith.select %eq3A_138, %xor3A_144, %select_n3A_131 : vector<64x512xi1>, vector<64x512xi32>
    %slice3A_146 = vector.extract_strided_slice %exp3A {offsets = [10, 0, 0], sizes = [1, 64, 512], strides = [1, 1, 1]} : vector<21x64x512xf32> to vector<1x64x512xf32>
    %squeeze3A_147 = vector.shape_cast %slice3A_146 : vector<1x64x512xf32> to vector<64x512xf32>
    %mul3A_148 = arith.mulf %squeeze3A_147, %div3A_12 : vector<64x512xf32>
    %convert_element_type3A_149 = arith.fptosi %mul3A_148 : vector<64x512xf32> to vector<64x512xi32>
    %eq3A_150 = arith.constant 10 : i32
    %eq3A_151 = vector.broadcast %eq3A_150 : i32 to vector<64x512xi32>
    %eq3A_152 = arith.cmpi eq, %get3A_9, %eq3A_151 : vector<64x512xi32>
    %jit3A_153 = arith.constant 255 : i32
    %jit3A_154 = arith.constant 0 : i32
    %broadcast_in_dim3A_155 = vector.broadcast %jit3A_153 : i32 to vector<64x512xi32>
    %broadcast_in_dim3A_156 = vector.broadcast %jit3A_154 : i32 to vector<64x512xi32>
    %select_n3A_157 = arith.select %eq3A_152, %broadcast_in_dim3A_155, %broadcast_in_dim3A_156 : vector<64x512xi1>, vector<64x512xi32>
    %xor3A_158 = arith.xori %convert_element_type3A_149, %select_n3A_157 : vector<64x512xi32>
    %select_n3A_159 = arith.select %eq3A_152, %xor3A_158, %select_n3A_145 : vector<64x512xi1>, vector<64x512xi32>
    %slice3A_160 = vector.extract_strided_slice %exp3A {offsets = [11, 0, 0], sizes = [1, 64, 512], strides = [1, 1, 1]} : vector<21x64x512xf32> to vector<1x64x512xf32>
    %squeeze3A_161 = vector.shape_cast %slice3A_160 : vector<1x64x512xf32> to vector<64x512xf32>
    %mul3A_162 = arith.mulf %squeeze3A_161, %div3A_12 : vector<64x512xf32>
    %convert_element_type3A_163 = arith.fptosi %mul3A_162 : vector<64x512xf32> to vector<64x512xi32>
    %eq3A_164 = arith.constant 11 : i32
    %eq3A_165 = vector.broadcast %eq3A_164 : i32 to vector<64x512xi32>
    %eq3A_166 = arith.cmpi eq, %get3A_9, %eq3A_165 : vector<64x512xi32>
    %jit3A_167 = arith.constant 255 : i32
    %jit3A_168 = arith.constant 0 : i32
    %broadcast_in_dim3A_169 = vector.broadcast %jit3A_167 : i32 to vector<64x512xi32>
    %broadcast_in_dim3A_170 = vector.broadcast %jit3A_168 : i32 to vector<64x512xi32>
    %select_n3A_171 = arith.select %eq3A_166, %broadcast_in_dim3A_169, %broadcast_in_dim3A_170 : vector<64x512xi1>, vector<64x512xi32>
    %xor3A_172 = arith.xori %convert_element_type3A_163, %select_n3A_171 : vector<64x512xi32>
    %select_n3A_173 = arith.select %eq3A_166, %xor3A_172, %select_n3A_159 : vector<64x512xi1>, vector<64x512xi32>
    %slice3A_174 = vector.extract_strided_slice %exp3A {offsets = [12, 0, 0], sizes = [1, 64, 512], strides = [1, 1, 1]} : vector<21x64x512xf32> to vector<1x64x512xf32>
    %squeeze3A_175 = vector.shape_cast %slice3A_174 : vector<1x64x512xf32> to vector<64x512xf32>
    %mul3A_176 = arith.mulf %squeeze3A_175, %div3A_12 : vector<64x512xf32>
    %convert_element_type3A_177 = arith.fptosi %mul3A_176 : vector<64x512xf32> to vector<64x512xi32>
    %eq3A_178 = arith.constant 12 : i32
    %eq3A_179 = vector.broadcast %eq3A_178 : i32 to vector<64x512xi32>
    %eq3A_180 = arith.cmpi eq, %get3A_9, %eq3A_179 : vector<64x512xi32>
    %jit3A_181 = arith.constant 255 : i32
    %jit3A_182 = arith.constant 0 : i32
    %broadcast_in_dim3A_183 = vector.broadcast %jit3A_181 : i32 to vector<64x512xi32>
    %broadcast_in_dim3A_184 = vector.broadcast %jit3A_182 : i32 to vector<64x512xi32>
    %select_n3A_185 = arith.select %eq3A_180, %broadcast_in_dim3A_183, %broadcast_in_dim3A_184 : vector<64x512xi1>, vector<64x512xi32>
    %xor3A_186 = arith.xori %convert_element_type3A_177, %select_n3A_185 : vector<64x512xi32>
    %select_n3A_187 = arith.select %eq3A_180, %xor3A_186, %select_n3A_173 : vector<64x512xi1>, vector<64x512xi32>
    %slice3A_188 = vector.extract_strided_slice %exp3A {offsets = [13, 0, 0], sizes = [1, 64, 512], strides = [1, 1, 1]} : vector<21x64x512xf32> to vector<1x64x512xf32>
    %squeeze3A_189 = vector.shape_cast %slice3A_188 : vector<1x64x512xf32> to vector<64x512xf32>
    %mul3A_190 = arith.mulf %squeeze3A_189, %div3A_12 : vector<64x512xf32>
    %convert_element_type3A_191 = arith.fptosi %mul3A_190 : vector<64x512xf32> to vector<64x512xi32>
    %eq3A_192 = arith.constant 13 : i32
    %eq3A_193 = vector.broadcast %eq3A_192 : i32 to vector<64x512xi32>
    %eq3A_194 = arith.cmpi eq, %get3A_9, %eq3A_193 : vector<64x512xi32>
    %jit3A_195 = arith.constant 255 : i32
    %jit3A_196 = arith.constant 0 : i32
    %broadcast_in_dim3A_197 = vector.broadcast %jit3A_195 : i32 to vector<64x512xi32>
    %broadcast_in_dim3A_198 = vector.broadcast %jit3A_196 : i32 to vector<64x512xi32>
    %select_n3A_199 = arith.select %eq3A_194, %broadcast_in_dim3A_197, %broadcast_in_dim3A_198 : vector<64x512xi1>, vector<64x512xi32>
    %xor3A_200 = arith.xori %convert_element_type3A_191, %select_n3A_199 : vector<64x512xi32>
    %select_n3A_201 = arith.select %eq3A_194, %xor3A_200, %select_n3A_187 : vector<64x512xi1>, vector<64x512xi32>
    %slice3A_202 = vector.extract_strided_slice %exp3A {offsets = [14, 0, 0], sizes = [1, 64, 512], strides = [1, 1, 1]} : vector<21x64x512xf32> to vector<1x64x512xf32>
    %squeeze3A_203 = vector.shape_cast %slice3A_202 : vector<1x64x512xf32> to vector<64x512xf32>
    %mul3A_204 = arith.mulf %squeeze3A_203, %div3A_12 : vector<64x512xf32>
    %convert_element_type3A_205 = arith.fptosi %mul3A_204 : vector<64x512xf32> to vector<64x512xi32>
    %eq3A_206 = arith.constant 14 : i32
    %eq3A_207 = vector.broadcast %eq3A_206 : i32 to vector<64x512xi32>
    %eq3A_208 = arith.cmpi eq, %get3A_9, %eq3A_207 : vector<64x512xi32>
    %jit3A_209 = arith.constant 255 : i32
    %jit3A_210 = arith.constant 0 : i32
    %broadcast_in_dim3A_211 = vector.broadcast %jit3A_209 : i32 to vector<64x512xi32>
    %broadcast_in_dim3A_212 = vector.broadcast %jit3A_210 : i32 to vector<64x512xi32>
    %select_n3A_213 = arith.select %eq3A_208, %broadcast_in_dim3A_211, %broadcast_in_dim3A_212 : vector<64x512xi1>, vector<64x512xi32>
    %xor3A_214 = arith.xori %convert_element_type3A_205, %select_n3A_213 : vector<64x512xi32>
    %select_n3A_215 = arith.select %eq3A_208, %xor3A_214, %select_n3A_201 : vector<64x512xi1>, vector<64x512xi32>
    %slice3A_216 = vector.extract_strided_slice %exp3A {offsets = [15, 0, 0], sizes = [1, 64, 512], strides = [1, 1, 1]} : vector<21x64x512xf32> to vector<1x64x512xf32>
    %squeeze3A_217 = vector.shape_cast %slice3A_216 : vector<1x64x512xf32> to vector<64x512xf32>
    %mul3A_218 = arith.mulf %squeeze3A_217, %div3A_12 : vector<64x512xf32>
    %convert_element_type3A_219 = arith.fptosi %mul3A_218 : vector<64x512xf32> to vector<64x512xi32>
    %eq3A_220 = arith.constant 15 : i32
    %eq3A_221 = vector.broadcast %eq3A_220 : i32 to vector<64x512xi32>
    %eq3A_222 = arith.cmpi eq, %get3A_9, %eq3A_221 : vector<64x512xi32>
    %jit3A_223 = arith.constant 255 : i32
    %jit3A_224 = arith.constant 0 : i32
    %broadcast_in_dim3A_225 = vector.broadcast %jit3A_223 : i32 to vector<64x512xi32>
    %broadcast_in_dim3A_226 = vector.broadcast %jit3A_224 : i32 to vector<64x512xi32>
    %select_n3A_227 = arith.select %eq3A_222, %broadcast_in_dim3A_225, %broadcast_in_dim3A_226 : vector<64x512xi1>, vector<64x512xi32>
    %xor3A_228 = arith.xori %convert_element_type3A_219, %select_n3A_227 : vector<64x512xi32>
    %select_n3A_229 = arith.select %eq3A_222, %xor3A_228, %select_n3A_215 : vector<64x512xi1>, vector<64x512xi32>
    %slice3A_230 = vector.extract_strided_slice %exp3A {offsets = [16, 0, 0], sizes = [1, 64, 512], strides = [1, 1, 1]} : vector<21x64x512xf32> to vector<1x64x512xf32>
    %squeeze3A_231 = vector.shape_cast %slice3A_230 : vector<1x64x512xf32> to vector<64x512xf32>
    %mul3A_232 = arith.mulf %squeeze3A_231, %div3A_12 : vector<64x512xf32>
    %convert_element_type3A_233 = arith.fptosi %mul3A_232 : vector<64x512xf32> to vector<64x512xi32>
    %eq3A_234 = arith.constant 16 : i32
    %eq3A_235 = vector.broadcast %eq3A_234 : i32 to vector<64x512xi32>
    %eq3A_236 = arith.cmpi eq, %get3A_9, %eq3A_235 : vector<64x512xi32>
    %jit3A_237 = arith.constant 255 : i32
    %jit3A_238 = arith.constant 0 : i32
    %broadcast_in_dim3A_239 = vector.broadcast %jit3A_237 : i32 to vector<64x512xi32>
    %broadcast_in_dim3A_240 = vector.broadcast %jit3A_238 : i32 to vector<64x512xi32>
    %select_n3A_241 = arith.select %eq3A_236, %broadcast_in_dim3A_239, %broadcast_in_dim3A_240 : vector<64x512xi1>, vector<64x512xi32>
    %xor3A_242 = arith.xori %convert_element_type3A_233, %select_n3A_241 : vector<64x512xi32>
    %select_n3A_243 = arith.select %eq3A_236, %xor3A_242, %select_n3A_229 : vector<64x512xi1>, vector<64x512xi32>
    %slice3A_244 = vector.extract_strided_slice %exp3A {offsets = [17, 0, 0], sizes = [1, 64, 512], strides = [1, 1, 1]} : vector<21x64x512xf32> to vector<1x64x512xf32>
    %squeeze3A_245 = vector.shape_cast %slice3A_244 : vector<1x64x512xf32> to vector<64x512xf32>
    %mul3A_246 = arith.mulf %squeeze3A_245, %div3A_12 : vector<64x512xf32>
    %convert_element_type3A_247 = arith.fptosi %mul3A_246 : vector<64x512xf32> to vector<64x512xi32>
    %eq3A_248 = arith.constant 17 : i32
    %eq3A_249 = vector.broadcast %eq3A_248 : i32 to vector<64x512xi32>
    %eq3A_250 = arith.cmpi eq, %get3A_9, %eq3A_249 : vector<64x512xi32>
    %jit3A_251 = arith.constant 255 : i32
    %jit3A_252 = arith.constant 0 : i32
    %broadcast_in_dim3A_253 = vector.broadcast %jit3A_251 : i32 to vector<64x512xi32>
    %broadcast_in_dim3A_254 = vector.broadcast %jit3A_252 : i32 to vector<64x512xi32>
    %select_n3A_255 = arith.select %eq3A_250, %broadcast_in_dim3A_253, %broadcast_in_dim3A_254 : vector<64x512xi1>, vector<64x512xi32>
    %xor3A_256 = arith.xori %convert_element_type3A_247, %select_n3A_255 : vector<64x512xi32>
    %select_n3A_257 = arith.select %eq3A_250, %xor3A_256, %select_n3A_243 : vector<64x512xi1>, vector<64x512xi32>
    %slice3A_258 = vector.extract_strided_slice %exp3A {offsets = [18, 0, 0], sizes = [1, 64, 512], strides = [1, 1, 1]} : vector<21x64x512xf32> to vector<1x64x512xf32>
    %squeeze3A_259 = vector.shape_cast %slice3A_258 : vector<1x64x512xf32> to vector<64x512xf32>
    %mul3A_260 = arith.mulf %squeeze3A_259, %div3A_12 : vector<64x512xf32>
    %convert_element_type3A_261 = arith.fptosi %mul3A_260 : vector<64x512xf32> to vector<64x512xi32>
    %eq3A_262 = arith.constant 18 : i32
    %eq3A_263 = vector.broadcast %eq3A_262 : i32 to vector<64x512xi32>
    %eq3A_264 = arith.cmpi eq, %get3A_9, %eq3A_263 : vector<64x512xi32>
    %jit3A_265 = arith.constant 255 : i32
    %jit3A_266 = arith.constant 0 : i32
    %broadcast_in_dim3A_267 = vector.broadcast %jit3A_265 : i32 to vector<64x512xi32>
    %broadcast_in_dim3A_268 = vector.broadcast %jit3A_266 : i32 to vector<64x512xi32>
    %select_n3A_269 = arith.select %eq3A_264, %broadcast_in_dim3A_267, %broadcast_in_dim3A_268 : vector<64x512xi1>, vector<64x512xi32>
    %xor3A_270 = arith.xori %convert_element_type3A_261, %select_n3A_269 : vector<64x512xi32>
    %select_n3A_271 = arith.select %eq3A_264, %xor3A_270, %select_n3A_257 : vector<64x512xi1>, vector<64x512xi32>
    %slice3A_272 = vector.extract_strided_slice %exp3A {offsets = [19, 0, 0], sizes = [1, 64, 512], strides = [1, 1, 1]} : vector<21x64x512xf32> to vector<1x64x512xf32>
    %squeeze3A_273 = vector.shape_cast %slice3A_272 : vector<1x64x512xf32> to vector<64x512xf32>
    %mul3A_274 = arith.mulf %squeeze3A_273, %div3A_12 : vector<64x512xf32>
    %convert_element_type3A_275 = arith.fptosi %mul3A_274 : vector<64x512xf32> to vector<64x512xi32>
    %eq3A_276 = arith.constant 19 : i32
    %eq3A_277 = vector.broadcast %eq3A_276 : i32 to vector<64x512xi32>
    %eq3A_278 = arith.cmpi eq, %get3A_9, %eq3A_277 : vector<64x512xi32>
    %jit3A_279 = arith.constant 255 : i32
    %jit3A_280 = arith.constant 0 : i32
    %broadcast_in_dim3A_281 = vector.broadcast %jit3A_279 : i32 to vector<64x512xi32>
    %broadcast_in_dim3A_282 = vector.broadcast %jit3A_280 : i32 to vector<64x512xi32>
    %select_n3A_283 = arith.select %eq3A_278, %broadcast_in_dim3A_281, %broadcast_in_dim3A_282 : vector<64x512xi1>, vector<64x512xi32>
    %xor3A_284 = arith.xori %convert_element_type3A_275, %select_n3A_283 : vector<64x512xi32>
    %select_n3A_285 = arith.select %eq3A_278, %xor3A_284, %select_n3A_271 : vector<64x512xi1>, vector<64x512xi32>
    %slice3A_286 = vector.extract_strided_slice %exp3A {offsets = [20, 0, 0], sizes = [1, 64, 512], strides = [1, 1, 1]} : vector<21x64x512xf32> to vector<1x64x512xf32>
    %squeeze3A_287 = vector.shape_cast %slice3A_286 : vector<1x64x512xf32> to vector<64x512xf32>
    %mul3A_288 = arith.mulf %squeeze3A_287, %div3A_12 : vector<64x512xf32>
    %convert_element_type3A_289 = arith.fptosi %mul3A_288 : vector<64x512xf32> to vector<64x512xi32>
    %eq3A_290 = arith.constant 20 : i32
    %eq3A_291 = vector.broadcast %eq3A_290 : i32 to vector<64x512xi32>
    %eq3A_292 = arith.cmpi eq, %get3A_9, %eq3A_291 : vector<64x512xi32>
    %jit3A_293 = arith.constant 255 : i32
    %jit3A_294 = arith.constant 0 : i32
    %broadcast_in_dim3A_295 = vector.broadcast %jit3A_293 : i32 to vector<64x512xi32>
    %broadcast_in_dim3A_296 = vector.broadcast %jit3A_294 : i32 to vector<64x512xi32>
    %select_n3A_297 = arith.select %eq3A_292, %broadcast_in_dim3A_295, %broadcast_in_dim3A_296 : vector<64x512xi1>, vector<64x512xi32>
    %xor3A_298 = arith.xori %convert_element_type3A_289, %select_n3A_297 : vector<64x512xi32>
    %select_n3A_299 = arith.select %eq3A_292, %xor3A_298, %select_n3A_285 : vector<64x512xi1>, vector<64x512xi32>
    %shift_left3A = arith.constant 8 : i32
    %shift_left3A_300 = vector.broadcast %shift_left3A : i32 to vector<64x512xi32>
    %shift_left3A_301 = arith.shli %xor3A_32, %shift_left3A_300 : vector<64x512xi32>
    %or3A = arith.ori %xor3A, %shift_left3A_301 : vector<64x512xi32>
    %shift_left3A_302 = arith.constant 16 : i32
    %shift_left3A_303 = vector.broadcast %shift_left3A_302 : i32 to vector<64x512xi32>
    %shift_left3A_304 = arith.shli %xor3A_46, %shift_left3A_303 : vector<64x512xi32>
    %or3A_305 = arith.ori %or3A, %shift_left3A_304 : vector<64x512xi32>
    %shift_left3A_306 = arith.constant 24 : i32
    %shift_left3A_307 = vector.broadcast %shift_left3A_306 : i32 to vector<64x512xi32>
    %shift_left3A_308 = arith.shli %xor3A_60, %shift_left3A_307 : vector<64x512xi32>
    %or3A_309 = arith.ori %or3A_305, %shift_left3A_308 : vector<64x512xi32>
    %reshape3A = vector.shape_cast %or3A_309 : vector<64x512xi32> to vector<32768xi32>
    %swap3A = arith.constant 0 : index
    %swap3A_310 = vector.load %arg4[%swap3A] : memref<196608xi32, #tpu.memory_space<vmem>>, vector<32768xi32>
    tpu.vector_store %arg4[%swap3A], %reshape3A {strides = array<i32>} : memref<196608xi32, #tpu.memory_space<vmem>>, vector<32768xi32>,
    %shift_left3A_311 = arith.constant 8 : i32
    %shift_left3A_312 = vector.broadcast %shift_left3A_311 : i32 to vector<64x512xi32>
    %shift_left3A_313 = arith.shli %xor3A_88, %shift_left3A_312 : vector<64x512xi32>
    %or3A_314 = arith.ori %xor3A_74, %shift_left3A_313 : vector<64x512xi32>
    %shift_left3A_315 = arith.constant 16 : i32
    %shift_left3A_316 = vector.broadcast %shift_left3A_315 : i32 to vector<64x512xi32>
    %shift_left3A_317 = arith.shli %xor3A_102, %shift_left3A_316 : vector<64x512xi32>
    %or3A_318 = arith.ori %or3A_314, %shift_left3A_317 : vector<64x512xi32>
    %shift_left3A_319 = arith.constant 24 : i32
    %shift_left3A_320 = vector.broadcast %shift_left3A_319 : i32 to vector<64x512xi32>
    %shift_left3A_321 = arith.shli %xor3A_116, %shift_left3A_320 : vector<64x512xi32>
    %or3A_322 = arith.ori %or3A_318, %shift_left3A_321 : vector<64x512xi32>
    %reshape3A_323 = vector.shape_cast %or3A_322 : vector<64x512xi32> to vector<32768xi32>
    %swap3A_324 = arith.constant 32768 : index
    %swap3A_325 = vector.load %arg4[%swap3A_324] : memref<196608xi32, #tpu.memory_space<vmem>>, vector<32768xi32>
    tpu.vector_store %arg4[%swap3A_324], %reshape3A_323 {strides = array<i32>} : memref<196608xi32, #tpu.memory_space<vmem>>, vector<32768xi32>,
    %shift_left3A_326 = arith.constant 8 : i32
    %shift_left3A_327 = vector.broadcast %shift_left3A_326 : i32 to vector<64x512xi32>
    %shift_left3A_328 = arith.shli %xor3A_144, %shift_left3A_327 : vector<64x512xi32>
    %or3A_329 = arith.ori %xor3A_130, %shift_left3A_328 : vector<64x512xi32>
    %shift_left3A_330 = arith.constant 16 : i32
    %shift_left3A_331 = vector.broadcast %shift_left3A_330 : i32 to vector<64x512xi32>
    %shift_left3A_332 = arith.shli %xor3A_158, %shift_left3A_331 : vector<64x512xi32>
    %or3A_333 = arith.ori %or3A_329, %shift_left3A_332 : vector<64x512xi32>
    %shift_left3A_334 = arith.constant 24 : i32
    %shift_left3A_335 = vector.broadcast %shift_left3A_334 : i32 to vector<64x512xi32>
    %shift_left3A_336 = arith.shli %xor3A_172, %shift_left3A_335 : vector<64x512xi32>
    %or3A_337 = arith.ori %or3A_333, %shift_left3A_336 : vector<64x512xi32>
    %reshape3A_338 = vector.shape_cast %or3A_337 : vector<64x512xi32> to vector<32768xi32>
    %swap3A_339 = arith.constant 65536 : index
    %swap3A_340 = vector.load %arg4[%swap3A_339] : memref<196608xi32, #tpu.memory_space<vmem>>, vector<32768xi32>
    tpu.vector_store %arg4[%swap3A_339], %reshape3A_338 {strides = array<i32>} : memref<196608xi32, #tpu.memory_space<vmem>>, vector<32768xi32>,
    %shift_left3A_341 = arith.constant 8 : i32
    %shift_left3A_342 = vector.broadcast %shift_left3A_341 : i32 to vector<64x512xi32>
    %shift_left3A_343 = arith.shli %xor3A_200, %shift_left3A_342 : vector<64x512xi32>
    %or3A_344 = arith.ori %xor3A_186, %shift_left3A_343 : vector<64x512xi32>
    %shift_left3A_345 = arith.constant 16 : i32
    %shift_left3A_346 = vector.broadcast %shift_left3A_345 : i32 to vector<64x512xi32>
    %shift_left3A_347 = arith.shli %xor3A_214, %shift_left3A_346 : vector<64x512xi32>
    %or3A_348 = arith.ori %or3A_344, %shift_left3A_347 : vector<64x512xi32>
    %shift_left3A_349 = arith.constant 24 : i32
    %shift_left3A_350 = vector.broadcast %shift_left3A_349 : i32 to vector<64x512xi32>
    %shift_left3A_351 = arith.shli %xor3A_228, %shift_left3A_350 : vector<64x512xi32>
    %or3A_352 = arith.ori %or3A_348, %shift_left3A_351 : vector<64x512xi32>
    %reshape3A_353 = vector.shape_cast %or3A_352 : vector<64x512xi32> to vector<32768xi32>
    %swap3A_354 = arith.constant 98304 : index
    %swap3A_355 = vector.load %arg4[%swap3A_354] : memref<196608xi32, #tpu.memory_space<vmem>>, vector<32768xi32>
    tpu.vector_store %arg4[%swap3A_354], %reshape3A_353 {strides = array<i32>} : memref<196608xi32, #tpu.memory_space<vmem>>, vector<32768xi32>,
    %shift_left3A_356 = arith.constant 8 : i32
    %shift_left3A_357 = vector.broadcast %shift_left3A_356 : i32 to vector<64x512xi32>
    %shift_left3A_358 = arith.shli %xor3A_256, %shift_left3A_357 : vector<64x512xi32>
    %or3A_359 = arith.ori %xor3A_242, %shift_left3A_358 : vector<64x512xi32>
    %shift_left3A_360 = arith.constant 16 : i32
    %shift_left3A_361 = vector.broadcast %shift_left3A_360 : i32 to vector<64x512xi32>
    %shift_left3A_362 = arith.shli %xor3A_270, %shift_left3A_361 : vector<64x512xi32>
    %or3A_363 = arith.ori %or3A_359, %shift_left3A_362 : vector<64x512xi32>
    %shift_left3A_364 = arith.constant 24 : i32
    %shift_left3A_365 = vector.broadcast %shift_left3A_364 : i32 to vector<64x512xi32>
    %shift_left3A_366 = arith.shli %xor3A_284, %shift_left3A_365 : vector<64x512xi32>
    %or3A_367 = arith.ori %or3A_363, %shift_left3A_366 : vector<64x512xi32>
    %reshape3A_368 = vector.shape_cast %or3A_367 : vector<64x512xi32> to vector<32768xi32>
    %swap3A_369 = arith.constant 131072 : index
    %swap3A_370 = vector.load %arg4[%swap3A_369] : memref<196608xi32, #tpu.memory_space<vmem>>, vector<32768xi32>
    tpu.vector_store %arg4[%swap3A_369], %reshape3A_368 {strides = array<i32>} : memref<196608xi32, #tpu.memory_space<vmem>>, vector<32768xi32>,
    %shift_left3A_371 = arith.constant 8 : i32
    %shift_left3A_372 = vector.broadcast %shift_left3A_371 : i32 to vector<64x512xi32>
    %shift_left3A_373 = arith.shli %get3A_9, %shift_left3A_372 : vector<64x512xi32>
    %or3A_374 = arith.ori %shift_left3A_373, %select_n3A_299 : vector<64x512xi32>
    %add3A = arith.constant 5376 : i32
    %add3A_375 = vector.broadcast %add3A : i32 to vector<64x512xi32>
    %add3A_376 = arith.addi %or3A_374, %add3A_375 : vector<64x512xi32>
    %shift_left3A_377 = arith.constant 8 : i32
    %shift_left3A_378 = vector.broadcast %shift_left3A_377 : i32 to vector<64x512xi32>
    %shift_left3A_379 = arith.shli %add3A_376, %shift_left3A_378 : vector<64x512xi32>
    %or3A_380 = arith.ori %xor3A_298, %shift_left3A_379 : vector<64x512xi32>
    %reshape3A_381 = vector.shape_cast %or3A_380 : vector<64x512xi32> to vector<32768xi32>
    %swap3A_382 = arith.constant 163840 : index
    %swap3A_383 = vector.load %arg4[%swap3A_382] : memref<196608xi32, #tpu.memory_space<vmem>>, vector<32768xi32>
    tpu.vector_store %arg4[%swap3A_382], %reshape3A_381 {strides = array<i32>} : memref<196608xi32, #tpu.memory_space<vmem>>, vector<32768xi32>,
    return
  }
  func.func @transform_0(%arg0: i32, %arg1: i32) -> (i32, i32, i32, i32) {
    %add3A = arith.constant 0 : i32
    %add3A_0 = arith.addi %arg0, %add3A : i32
    %c0_i32 = arith.constant 0 : i32
    %c0_i32_1 = arith.constant 0 : i32
    %c0_i32_2 = arith.constant 0 : i32
    return %add3A_0, %c0_i32, %arg1, %c0_i32_1 : i32, i32, i32, i32
  }
  func.func @transform_1(%arg0: i32, %arg1: i32) -> (i32, i32, i32) {
    %add3A = arith.constant 0 : i32
    %add3A_0 = arith.addi %arg0, %add3A : i32
    %c0_i32 = arith.constant 0 : i32
    %c0_i32_1 = arith.constant 0 : i32
    return %add3A_0, %arg1, %c0_i32 : i32, i32, i32
  }
  func.func @transform_2(%arg0: i32, %arg1: i32) -> i32 {
    %mul3A = arith.constant 8 : i32
    %mul3A_0 = arith.muli %arg0, %mul3A : i32
    %add3A = arith.addi %mul3A_0, %arg1 : i32
    %c0_i32 = arith.constant 0 : i32
    return %add3A : i32
  }
}

module attributes {stable_mosaic.version = 14 : i64} {
  func.func @_bin_body(%arg0: i32, %arg1: i32, %arg2: memref<1x21x64x512xf32, #tpu.memory_space<vmem>>, %arg3: memref<1x64x512xi32, #tpu.memory_space<vmem>>, %arg4: memref<196608xi32, #tpu.memory_space<vmem>>) attributes {dimension_semantics = [#tpu.dimension_semantics<arbitrary>, #tpu.dimension_semantics<arbitrary>], iteration_bounds = array<i64: 2, 8>, scalar_prefetch = 0 : i64, scratch_operands = 0 : i64, tpu.core_type = #tpu.core_type<tc>, window_params = [{transform_indices = @transform_0, window_bounds = array<i64: 1, 21, 64, 512>}, {transform_indices = @transform_1, window_bounds = array<i64: 1, 64, 512>}, {transform_indices = @transform_2, window_bounds = array<i64: 196608>}]} {
    %get3A = arith.constant 0 : index
    %get3A_0 = arith.constant 0 : index
    %get3A_1 = arith.constant 0 : index
    %get3A_2 = arith.constant 0 : index
    %get3A_3 = vector.load %arg2[%get3A, %get3A_0, %get3A_1, %get3A_2] : memref<1x21x64x512xf32, #tpu.memory_space<vmem>>, vector<1x21x64x512xf32>
    %get3A_4 = vector.shape_cast %get3A_3 : vector<1x21x64x512xf32> to vector<21x64x512xf32>
    %get3A_5 = arith.constant 0 : index
    %get3A_6 = arith.constant 0 : index
    %get3A_7 = arith.constant 0 : index
    %get3A_8 = vector.load %arg3[%get3A_5, %get3A_6, %get3A_7] : memref<1x64x512xi32, #tpu.memory_space<vmem>>, vector<1x64x512xi32>
    %get3A_9 = vector.shape_cast %get3A_8 : vector<1x64x512xi32> to vector<64x512xi32>
    %exp3A = math.exp %get3A_4 : vector<21x64x512xf32>
    %reduce_sum3A = arith.constant dense<0.000000e+00> : vector<64x512xf32>
    %reduce_sum3A_10 = vector.multi_reduction <add>, %exp3A, %reduce_sum3A [0] : vector<21x64x512xf32> to vector<64x512xf32>
    %div3A = arith.constant 2.560000e+02 : f32
    %div3A_11 = vector.broadcast %div3A : f32 to vector<64x512xf32>
    %div3A_12 = arith.divf %div3A_11, %reduce_sum3A_10 : vector<64x512xf32>
    %broadcast_in_dim3A = arith.constant 0 : i32
    %broadcast_in_dim3A_13 = vector.broadcast %broadcast_in_dim3A : i32 to vector<64x512xi32>
    %slice3A = vector.extract_strided_slice %exp3A {offsets = [0, 0, 0], sizes = [1, 64, 512], strides = [1, 1, 1]} : vector<21x64x512xf32> to vector<1x64x512xf32>
    %squeeze3A = vector.shape_cast %slice3A : vector<1x64x512xf32> to vector<64x512xf32>
    %mul3A = arith.mulf %squeeze3A, %div3A_12 : vector<64x512xf32>
    %convert_element_type3A = arith.fptosi %mul3A : vector<64x512xf32> to vector<64x512xi32>
    %eq3A = arith.constant 0 : i32
    %eq3A_14 = vector.broadcast %eq3A : i32 to vector<64x512xi32>
    %eq3A_15 = arith.cmpi eq, %get3A_9, %eq3A_14 : vector<64x512xi32>
    %jit3A = arith.constant 255 : i32
    %jit3A_16 = arith.constant 0 : i32
    %broadcast_in_dim3A_17 = vector.broadcast %jit3A : i32 to vector<64x512xi32>
    %broadcast_in_dim3A_18 = vector.broadcast %jit3A_16 : i32 to vector<64x512xi32>
    %select_n3A = arith.select %eq3A_15, %broadcast_in_dim3A_17, %broadcast_in_dim3A_18 : vector<64x512xi1>, vector<64x512xi32>
    %xor3A = arith.xori %convert_element_type3A, %select_n3A : vector<64x512xi32>
    %select_n3A_19 = arith.select %eq3A_15, %xor3A, %broadcast_in_dim3A_13 : vector<64x512xi1>, vector<64x512xi32>
    %slice3A_20 = vector.extract_strided_slice %exp3A {offsets = [1, 0, 0], sizes = [1, 64, 512], strides = [1, 1, 1]} : vector<21x64x512xf32> to vector<1x64x512xf32>
    %squeeze3A_21 = vector.shape_cast %slice3A_20 : vector<1x64x512xf32> to vector<64x512xf32>
    %mul3A_22 = arith.mulf %squeeze3A_21, %div3A_12 : vector<64x512xf32>
    %convert_element_type3A_23 = arith.fptosi %mul3A_22 : vector<64x512xf32> to vector<64x512xi32>
    %eq3A_24 = arith.constant 1 : i32
    %eq3A_25 = vector.broadcast %eq3A_24 : i32 to vector<64x512xi32>
    %eq3A_26 = arith.cmpi eq, %get3A_9, %eq3A_25 : vector<64x512xi32>
    %jit3A_27 = arith.constant 255 : i32
    %jit3A_28 = arith.constant 0 : i32
    %broadcast_in_dim3A_29 = vector.broadcast %jit3A_27 : i32 to vector<64x512xi32>
    %broadcast_in_dim3A_30 = vector.broadcast %jit3A_28 : i32 to vector<64x512xi32>
    %select_n3A_31 = arith.select %eq3A_26, %broadcast_in_dim3A_29, %broadcast_in_dim3A_30 : vector<64x512xi1>, vector<64x512xi32>
    %xor3A_32 = arith.xori %convert_element_type3A_23, %select_n3A_31 : vector<64x512xi32>
    %select_n3A_33 = arith.select %eq3A_26, %xor3A_32, %select_n3A_19 : vector<64x512xi1>, vector<64x512xi32>
    %slice3A_34 = vector.extract_strided_slice %exp3A {offsets = [2, 0, 0], sizes = [1, 64, 512], strides = [1, 1, 1]} : vector<21x64x512xf32> to vector<1x64x512xf32>
    %squeeze3A_35 = vector.shape_cast %slice3A_34 : vector<1x64x512xf32> to vector<64x512xf32>
    %mul3A_36 = arith.mulf %squeeze3A_35, %div3A_12 : vector<64x512xf32>
    %convert_element_type3A_37 = arith.fptosi %mul3A_36 : vector<64x512xf32> to vector<64x512xi32>
    %eq3A_38 = arith.constant 2 : i32
    %eq3A_39 = vector.broadcast %eq3A_38 : i32 to vector<64x512xi32>
    %eq3A_40 = arith.cmpi eq, %get3A_9, %eq3A_39 : vector<64x512xi32>
    %jit3A_41 = arith.constant 255 : i32
    %jit3A_42 = arith.constant 0 : i32
    %broadcast_in_dim3A_43 = vector.broadcast %jit3A_41 : i32 to vector<64x512xi32>
    %broadcast_in_dim3A_44 = vector.broadcast %jit3A_42 : i32 to vector<64x512xi32>
    %select_n3A_45 = arith.select %eq3A_40, %broadcast_in_dim3A_43, %broadcast_in_dim3A_44 : vector<64x512xi1>, vector<64x512xi32>
    %xor3A_46 = arith.xori %convert_element_type3A_37, %select_n3A_45 : vector<64x512xi32>
    %select_n3A_47 = arith.select %eq3A_40, %xor3A_46, %select_n3A_33 : vector<64x512xi1>, vector<64x512xi32>
    %slice3A_48 = vector.extract_strided_slice %exp3A {offsets = [3, 0, 0], sizes = [1, 64, 512], strides = [1, 1, 1]} : vector<21x64x512xf32> to vector<1x64x512xf32>
    %squeeze3A_49 = vector.shape_cast %slice3A_48 : vector<1x64x512xf32> to vector<64x512xf32>
    %mul3A_50 = arith.mulf %squeeze3A_49, %div3A_12 : vector<64x512xf32>
    %convert_element_type3A_51 = arith.fptosi %mul3A_50 : vector<64x512xf32> to vector<64x512xi32>
    %eq3A_52 = arith.constant 3 : i32
    %eq3A_53 = vector.broadcast %eq3A_52 : i32 to vector<64x512xi32>
    %eq3A_54 = arith.cmpi eq, %get3A_9, %eq3A_53 : vector<64x512xi32>
    %jit3A_55 = arith.constant 255 : i32
    %jit3A_56 = arith.constant 0 : i32
    %broadcast_in_dim3A_57 = vector.broadcast %jit3A_55 : i32 to vector<64x512xi32>
    %broadcast_in_dim3A_58 = vector.broadcast %jit3A_56 : i32 to vector<64x512xi32>
    %select_n3A_59 = arith.select %eq3A_54, %broadcast_in_dim3A_57, %broadcast_in_dim3A_58 : vector<64x512xi1>, vector<64x512xi32>
    %xor3A_60 = arith.xori %convert_element_type3A_51, %select_n3A_59 : vector<64x512xi32>
    %select_n3A_61 = arith.select %eq3A_54, %xor3A_60, %select_n3A_47 : vector<64x512xi1>, vector<64x512xi32>
    %slice3A_62 = vector.extract_strided_slice %exp3A {offsets = [4, 0, 0], sizes = [1, 64, 512], strides = [1, 1, 1]} : vector<21x64x512xf32> to vector<1x64x512xf32>
    %squeeze3A_63 = vector.shape_cast %slice3A_62 : vector<1x64x512xf32> to vector<64x512xf32>
    %mul3A_64 = arith.mulf %squeeze3A_63, %div3A_12 : vector<64x512xf32>
    %convert_element_type3A_65 = arith.fptosi %mul3A_64 : vector<64x512xf32> to vector<64x512xi32>
    %eq3A_66 = arith.constant 4 : i32
    %eq3A_67 = vector.broadcast %eq3A_66 : i32 to vector<64x512xi32>
    %eq3A_68 = arith.cmpi eq, %get3A_9, %eq3A_67 : vector<64x512xi32>
    %jit3A_69 = arith.constant 255 : i32
    %jit3A_70 = arith.constant 0 : i32
    %broadcast_in_dim3A_71 = vector.broadcast %jit3A_69 : i32 to vector<64x512xi32>
    %broadcast_in_dim3A_72 = vector.broadcast %jit3A_70 : i32 to vector<64x512xi32>
    %select_n3A_73 = arith.select %eq3A_68, %broadcast_in_dim3A_71, %broadcast_in_dim3A_72 : vector<64x512xi1>, vector<64x512xi32>
    %xor3A_74 = arith.xori %convert_element_type3A_65, %select_n3A_73 : vector<64x512xi32>
    %select_n3A_75 = arith.select %eq3A_68, %xor3A_74, %select_n3A_61 : vector<64x512xi1>, vector<64x512xi32>
    %slice3A_76 = vector.extract_strided_slice %exp3A {offsets = [5, 0, 0], sizes = [1, 64, 512], strides = [1, 1, 1]} : vector<21x64x512xf32> to vector<1x64x512xf32>
    %squeeze3A_77 = vector.shape_cast %slice3A_76 : vector<1x64x512xf32> to vector<64x512xf32>
    %mul3A_78 = arith.mulf %squeeze3A_77, %div3A_12 : vector<64x512xf32>
    %convert_element_type3A_79 = arith.fptosi %mul3A_78 : vector<64x512xf32> to vector<64x512xi32>
    %eq3A_80 = arith.constant 5 : i32
    %eq3A_81 = vector.broadcast %eq3A_80 : i32 to vector<64x512xi32>
    %eq3A_82 = arith.cmpi eq, %get3A_9, %eq3A_81 : vector<64x512xi32>
    %jit3A_83 = arith.constant 255 : i32
    %jit3A_84 = arith.constant 0 : i32
    %broadcast_in_dim3A_85 = vector.broadcast %jit3A_83 : i32 to vector<64x512xi32>
    %broadcast_in_dim3A_86 = vector.broadcast %jit3A_84 : i32 to vector<64x512xi32>
    %select_n3A_87 = arith.select %eq3A_82, %broadcast_in_dim3A_85, %broadcast_in_dim3A_86 : vector<64x512xi1>, vector<64x512xi32>
    %xor3A_88 = arith.xori %convert_element_type3A_79, %select_n3A_87 : vector<64x512xi32>
    %select_n3A_89 = arith.select %eq3A_82, %xor3A_88, %select_n3A_75 : vector<64x512xi1>, vector<64x512xi32>
    %slice3A_90 = vector.extract_strided_slice %exp3A {offsets = [6, 0, 0], sizes = [1, 64, 512], strides = [1, 1, 1]} : vector<21x64x512xf32> to vector<1x64x512xf32>
    %squeeze3A_91 = vector.shape_cast %slice3A_90 : vector<1x64x512xf32> to vector<64x512xf32>
    %mul3A_92 = arith.mulf %squeeze3A_91, %div3A_12 : vector<64x512xf32>
    %convert_element_type3A_93 = arith.fptosi %mul3A_92 : vector<64x512xf32> to vector<64x512xi32>
    %eq3A_94 = arith.constant 6 : i32
    %eq3A_95 = vector.broadcast %eq3A_94 : i32 to vector<64x512xi32>
    %eq3A_96 = arith.cmpi eq, %get3A_9, %eq3A_95 : vector<64x512xi32>
    %jit3A_97 = arith.constant 255 : i32
    %jit3A_98 = arith.constant 0 : i32
    %broadcast_in_dim3A_99 = vector.broadcast %jit3A_97 : i32 to vector<64x512xi32>
    %broadcast_in_dim3A_100 = vector.broadcast %jit3A_98 : i32 to vector<64x512xi32>
    %select_n3A_101 = arith.select %eq3A_96, %broadcast_in_dim3A_99, %broadcast_in_dim3A_100 : vector<64x512xi1>, vector<64x512xi32>
    %xor3A_102 = arith.xori %convert_element_type3A_93, %select_n3A_101 : vector<64x512xi32>
    %select_n3A_103 = arith.select %eq3A_96, %xor3A_102, %select_n3A_89 : vector<64x512xi1>, vector<64x512xi32>
    %slice3A_104 = vector.extract_strided_slice %exp3A {offsets = [7, 0, 0], sizes = [1, 64, 512], strides = [1, 1, 1]} : vector<21x64x512xf32> to vector<1x64x512xf32>
    %squeeze3A_105 = vector.shape_cast %slice3A_104 : vector<1x64x512xf32> to vector<64x512xf32>
    %mul3A_106 = arith.mulf %squeeze3A_105, %div3A_12 : vector<64x512xf32>
    %convert_element_type3A_107 = arith.fptosi %mul3A_106 : vector<64x512xf32> to vector<64x512xi32>
    %eq3A_108 = arith.constant 7 : i32
    %eq3A_109 = vector.broadcast %eq3A_108 : i32 to vector<64x512xi32>
    %eq3A_110 = arith.cmpi eq, %get3A_9, %eq3A_109 : vector<64x512xi32>
    %jit3A_111 = arith.constant 255 : i32
    %jit3A_112 = arith.constant 0 : i32
    %broadcast_in_dim3A_113 = vector.broadcast %jit3A_111 : i32 to vector<64x512xi32>
    %broadcast_in_dim3A_114 = vector.broadcast %jit3A_112 : i32 to vector<64x512xi32>
    %select_n3A_115 = arith.select %eq3A_110, %broadcast_in_dim3A_113, %broadcast_in_dim3A_114 : vector<64x512xi1>, vector<64x512xi32>
    %xor3A_116 = arith.xori %convert_element_type3A_107, %select_n3A_115 : vector<64x512xi32>
    %select_n3A_117 = arith.select %eq3A_110, %xor3A_116, %select_n3A_103 : vector<64x512xi1>, vector<64x512xi32>
    %slice3A_118 = vector.extract_strided_slice %exp3A {offsets = [8, 0, 0], sizes = [1, 64, 512], strides = [1, 1, 1]} : vector<21x64x512xf32> to vector<1x64x512xf32>
    %squeeze3A_119 = vector.shape_cast %slice3A_118 : vector<1x64x512xf32> to vector<64x512xf32>
    %mul3A_120 = arith.mulf %squeeze3A_119, %div3A_12 : vector<64x512xf32>
    %convert_element_type3A_121 = arith.fptosi %mul3A_120 : vector<64x512xf32> to vector<64x512xi32>
    %eq3A_122 = arith.constant 8 : i32
    %eq3A_123 = vector.broadcast %eq3A_122 : i32 to vector<64x512xi32>
    %eq3A_124 = arith.cmpi eq, %get3A_9, %eq3A_123 : vector<64x512xi32>
    %jit3A_125 = arith.constant 255 : i32
    %jit3A_126 = arith.constant 0 : i32
    %broadcast_in_dim3A_127 = vector.broadcast %jit3A_125 : i32 to vector<64x512xi32>
    %broadcast_in_dim3A_128 = vector.broadcast %jit3A_126 : i32 to vector<64x512xi32>
    %select_n3A_129 = arith.select %eq3A_124, %broadcast_in_dim3A_127, %broadcast_in_dim3A_128 : vector<64x512xi1>, vector<64x512xi32>
    %xor3A_130 = arith.xori %convert_element_type3A_121, %select_n3A_129 : vector<64x512xi32>
    %select_n3A_131 = arith.select %eq3A_124, %xor3A_130, %select_n3A_117 : vector<64x512xi1>, vector<64x512xi32>
    %slice3A_132 = vector.extract_strided_slice %exp3A {offsets = [9, 0, 0], sizes = [1, 64, 512], strides = [1, 1, 1]} : vector<21x64x512xf32> to vector<1x64x512xf32>
    %squeeze3A_133 = vector.shape_cast %slice3A_132 : vector<1x64x512xf32> to vector<64x512xf32>
    %mul3A_134 = arith.mulf %squeeze3A_133, %div3A_12 : vector<64x512xf32>
    %convert_element_type3A_135 = arith.fptosi %mul3A_134 : vector<64x512xf32> to vector<64x512xi32>
    %eq3A_136 = arith.constant 9 : i32
    %eq3A_137 = vector.broadcast %eq3A_136 : i32 to vector<64x512xi32>
    %eq3A_138 = arith.cmpi eq, %get3A_9, %eq3A_137 : vector<64x512xi32>
    %jit3A_139 = arith.constant 255 : i32
    %jit3A_140 = arith.constant 0 : i32
    %broadcast_in_dim3A_141 = vector.broadcast %jit3A_139 : i32 to vector<64x512xi32>
    %broadcast_in_dim3A_142 = vector.broadcast %jit3A_140 : i32 to vector<64x512xi32>
    %select_n3A_143 = arith.select %eq3A_138, %broadcast_in_dim3A_141, %broadcast_in_dim3A_142 : vector<64x512xi1>, vector<64x512xi32>
    %xor3A_144 = arith.xori %convert_element_type3A_135, %select_n3A_143 : vector<64x512xi32>
    %select_n3A_145 = arith.select %eq3A_138, %xor3A_144, %select_n3A_131 : vector<64x512xi1>, vector<64x512xi32>
    %slice3A_146 = vector.extract_strided_slice %exp3A {offsets = [10, 0, 0], sizes = [1, 64, 512], strides = [1, 1, 1]} : vector<21x64x512xf32> to vector<1x64x512xf32>
    %squeeze3A_147 = vector.shape_cast %slice3A_146 : vector<1x64x512xf32> to vector<64x512xf32>
    %mul3A_148 = arith.mulf %squeeze3A_147, %div3A_12 : vector<64x512xf32>
    %convert_element_type3A_149 = arith.fptosi %mul3A_148 : vector<64x512xf32> to vector<64x512xi32>
    %eq3A_150 = arith.constant 10 : i32
    %eq3A_151 = vector.broadcast %eq3A_150 : i32 to vector<64x512xi32>
    %eq3A_152 = arith.cmpi eq, %get3A_9, %eq3A_151 : vector<64x512xi32>
    %jit3A_153 = arith.constant 255 : i32
    %jit3A_154 = arith.constant 0 : i32
    %broadcast_in_dim3A_155 = vector.broadcast %jit3A_153 : i32 to vector<64x512xi32>
    %broadcast_in_dim3A_156 = vector.broadcast %jit3A_154 : i32 to vector<64x512xi32>
    %select_n3A_157 = arith.select %eq3A_152, %broadcast_in_dim3A_155, %broadcast_in_dim3A_156 : vector<64x512xi1>, vector<64x512xi32>
    %xor3A_158 = arith.xori %convert_element_type3A_149, %select_n3A_157 : vector<64x512xi32>
    %select_n3A_159 = arith.select %eq3A_152, %xor3A_158, %select_n3A_145 : vector<64x512xi1>, vector<64x512xi32>
    %slice3A_160 = vector.extract_strided_slice %exp3A {offsets = [11, 0, 0], sizes = [1, 64, 512], strides = [1, 1, 1]} : vector<21x64x512xf32> to vector<1x64x512xf32>
    %squeeze3A_161 = vector.shape_cast %slice3A_160 : vector<1x64x512xf32> to vector<64x512xf32>
    %mul3A_162 = arith.mulf %squeeze3A_161, %div3A_12 : vector<64x512xf32>
    %convert_element_type3A_163 = arith.fptosi %mul3A_162 : vector<64x512xf32> to vector<64x512xi32>
    %eq3A_164 = arith.constant 11 : i32
    %eq3A_165 = vector.broadcast %eq3A_164 : i32 to vector<64x512xi32>
    %eq3A_166 = arith.cmpi eq, %get3A_9, %eq3A_165 : vector<64x512xi32>
    %jit3A_167 = arith.constant 255 : i32
    %jit3A_168 = arith.constant 0 : i32
    %broadcast_in_dim3A_169 = vector.broadcast %jit3A_167 : i32 to vector<64x512xi32>
    %broadcast_in_dim3A_170 = vector.broadcast %jit3A_168 : i32 to vector<64x512xi32>
    %select_n3A_171 = arith.select %eq3A_166, %broadcast_in_dim3A_169, %broadcast_in_dim3A_170 : vector<64x512xi1>, vector<64x512xi32>
    %xor3A_172 = arith.xori %convert_element_type3A_163, %select_n3A_171 : vector<64x512xi32>
    %select_n3A_173 = arith.select %eq3A_166, %xor3A_172, %select_n3A_159 : vector<64x512xi1>, vector<64x512xi32>
    %slice3A_174 = vector.extract_strided_slice %exp3A {offsets = [12, 0, 0], sizes = [1, 64, 512], strides = [1, 1, 1]} : vector<21x64x512xf32> to vector<1x64x512xf32>
    %squeeze3A_175 = vector.shape_cast %slice3A_174 : vector<1x64x512xf32> to vector<64x512xf32>
    %mul3A_176 = arith.mulf %squeeze3A_175, %div3A_12 : vector<64x512xf32>
    %convert_element_type3A_177 = arith.fptosi %mul3A_176 : vector<64x512xf32> to vector<64x512xi32>
    %eq3A_178 = arith.constant 12 : i32
    %eq3A_179 = vector.broadcast %eq3A_178 : i32 to vector<64x512xi32>
    %eq3A_180 = arith.cmpi eq, %get3A_9, %eq3A_179 : vector<64x512xi32>
    %jit3A_181 = arith.constant 255 : i32
    %jit3A_182 = arith.constant 0 : i32
    %broadcast_in_dim3A_183 = vector.broadcast %jit3A_181 : i32 to vector<64x512xi32>
    %broadcast_in_dim3A_184 = vector.broadcast %jit3A_182 : i32 to vector<64x512xi32>
    %select_n3A_185 = arith.select %eq3A_180, %broadcast_in_dim3A_183, %broadcast_in_dim3A_184 : vector<64x512xi1>, vector<64x512xi32>
    %xor3A_186 = arith.xori %convert_element_type3A_177, %select_n3A_185 : vector<64x512xi32>
    %select_n3A_187 = arith.select %eq3A_180, %xor3A_186, %select_n3A_173 : vector<64x512xi1>, vector<64x512xi32>
    %slice3A_188 = vector.extract_strided_slice %exp3A {offsets = [13, 0, 0], sizes = [1, 64, 512], strides = [1, 1, 1]} : vector<21x64x512xf32> to vector<1x64x512xf32>
    %squeeze3A_189 = vector.shape_cast %slice3A_188 : vector<1x64x512xf32> to vector<64x512xf32>
    %mul3A_190 = arith.mulf %squeeze3A_189, %div3A_12 : vector<64x512xf32>
    %convert_element_type3A_191 = arith.fptosi %mul3A_190 : vector<64x512xf32> to vector<64x512xi32>
    %eq3A_192 = arith.constant 13 : i32
    %eq3A_193 = vector.broadcast %eq3A_192 : i32 to vector<64x512xi32>
    %eq3A_194 = arith.cmpi eq, %get3A_9, %eq3A_193 : vector<64x512xi32>
    %jit3A_195 = arith.constant 255 : i32
    %jit3A_196 = arith.constant 0 : i32
    %broadcast_in_dim3A_197 = vector.broadcast %jit3A_195 : i32 to vector<64x512xi32>
    %broadcast_in_dim3A_198 = vector.broadcast %jit3A_196 : i32 to vector<64x512xi32>
    %select_n3A_199 = arith.select %eq3A_194, %broadcast_in_dim3A_197, %broadcast_in_dim3A_198 : vector<64x512xi1>, vector<64x512xi32>
    %xor3A_200 = arith.xori %convert_element_type3A_191, %select_n3A_199 : vector<64x512xi32>
    %select_n3A_201 = arith.select %eq3A_194, %xor3A_200, %select_n3A_187 : vector<64x512xi1>, vector<64x512xi32>
    %slice3A_202 = vector.extract_strided_slice %exp3A {offsets = [14, 0, 0], sizes = [1, 64, 512], strides = [1, 1, 1]} : vector<21x64x512xf32> to vector<1x64x512xf32>
    %squeeze3A_203 = vector.shape_cast %slice3A_202 : vector<1x64x512xf32> to vector<64x512xf32>
    %mul3A_204 = arith.mulf %squeeze3A_203, %div3A_12 : vector<64x512xf32>
    %convert_element_type3A_205 = arith.fptosi %mul3A_204 : vector<64x512xf32> to vector<64x512xi32>
    %eq3A_206 = arith.constant 14 : i32
    %eq3A_207 = vector.broadcast %eq3A_206 : i32 to vector<64x512xi32>
    %eq3A_208 = arith.cmpi eq, %get3A_9, %eq3A_207 : vector<64x512xi32>
    %jit3A_209 = arith.constant 255 : i32
    %jit3A_210 = arith.constant 0 : i32
    %broadcast_in_dim3A_211 = vector.broadcast %jit3A_209 : i32 to vector<64x512xi32>
    %broadcast_in_dim3A_212 = vector.broadcast %jit3A_210 : i32 to vector<64x512xi32>
    %select_n3A_213 = arith.select %eq3A_208, %broadcast_in_dim3A_211, %broadcast_in_dim3A_212 : vector<64x512xi1>, vector<64x512xi32>
    %xor3A_214 = arith.xori %convert_element_type3A_205, %select_n3A_213 : vector<64x512xi32>
    %select_n3A_215 = arith.select %eq3A_208, %xor3A_214, %select_n3A_201 : vector<64x512xi1>, vector<64x512xi32>
    %slice3A_216 = vector.extract_strided_slice %exp3A {offsets = [15, 0, 0], sizes = [1, 64, 512], strides = [1, 1, 1]} : vector<21x64x512xf32> to vector<1x64x512xf32>
    %squeeze3A_217 = vector.shape_cast %slice3A_216 : vector<1x64x512xf32> to vector<64x512xf32>
    %mul3A_218 = arith.mulf %squeeze3A_217, %div3A_12 : vector<64x512xf32>
    %convert_element_type3A_219 = arith.fptosi %mul3A_218 : vector<64x512xf32> to vector<64x512xi32>
    %eq3A_220 = arith.constant 15 : i32
    %eq3A_221 = vector.broadcast %eq3A_220 : i32 to vector<64x512xi32>
    %eq3A_222 = arith.cmpi eq, %get3A_9, %eq3A_221 : vector<64x512xi32>
    %jit3A_223 = arith.constant 255 : i32
    %jit3A_224 = arith.constant 0 : i32
    %broadcast_in_dim3A_225 = vector.broadcast %jit3A_223 : i32 to vector<64x512xi32>
    %broadcast_in_dim3A_226 = vector.broadcast %jit3A_224 : i32 to vector<64x512xi32>
    %select_n3A_227 = arith.select %eq3A_222, %broadcast_in_dim3A_225, %broadcast_in_dim3A_226 : vector<64x512xi1>, vector<64x512xi32>
    %xor3A_228 = arith.xori %convert_element_type3A_219, %select_n3A_227 : vector<64x512xi32>
    %select_n3A_229 = arith.select %eq3A_222, %xor3A_228, %select_n3A_215 : vector<64x512xi1>, vector<64x512xi32>
    %slice3A_230 = vector.extract_strided_slice %exp3A {offsets = [16, 0, 0], sizes = [1, 64, 512], strides = [1, 1, 1]} : vector<21x64x512xf32> to vector<1x64x512xf32>
    %squeeze3A_231 = vector.shape_cast %slice3A_230 : vector<1x64x512xf32> to vector<64x512xf32>
    %mul3A_232 = arith.mulf %squeeze3A_231, %div3A_12 : vector<64x512xf32>
    %convert_element_type3A_233 = arith.fptosi %mul3A_232 : vector<64x512xf32> to vector<64x512xi32>
    %eq3A_234 = arith.constant 16 : i32
    %eq3A_235 = vector.broadcast %eq3A_234 : i32 to vector<64x512xi32>
    %eq3A_236 = arith.cmpi eq, %get3A_9, %eq3A_235 : vector<64x512xi32>
    %jit3A_237 = arith.constant 255 : i32
    %jit3A_238 = arith.constant 0 : i32
    %broadcast_in_dim3A_239 = vector.broadcast %jit3A_237 : i32 to vector<64x512xi32>
    %broadcast_in_dim3A_240 = vector.broadcast %jit3A_238 : i32 to vector<64x512xi32>
    %select_n3A_241 = arith.select %eq3A_236, %broadcast_in_dim3A_239, %broadcast_in_dim3A_240 : vector<64x512xi1>, vector<64x512xi32>
    %xor3A_242 = arith.xori %convert_element_type3A_233, %select_n3A_241 : vector<64x512xi32>
    %select_n3A_243 = arith.select %eq3A_236, %xor3A_242, %select_n3A_229 : vector<64x512xi1>, vector<64x512xi32>
    %slice3A_244 = vector.extract_strided_slice %exp3A {offsets = [17, 0, 0], sizes = [1, 64, 512], strides = [1, 1, 1]} : vector<21x64x512xf32> to vector<1x64x512xf32>
    %squeeze3A_245 = vector.shape_cast %slice3A_244 : vector<1x64x512xf32> to vector<64x512xf32>
    %mul3A_246 = arith.mulf %squeeze3A_245, %div3A_12 : vector<64x512xf32>
    %convert_element_type3A_247 = arith.fptosi %mul3A_246 : vector<64x512xf32> to vector<64x512xi32>
    %eq3A_248 = arith.constant 17 : i32
    %eq3A_249 = vector.broadcast %eq3A_248 : i32 to vector<64x512xi32>
    %eq3A_250 = arith.cmpi eq, %get3A_9, %eq3A_249 : vector<64x512xi32>
    %jit3A_251 = arith.constant 255 : i32
    %jit3A_252 = arith.constant 0 : i32
    %broadcast_in_dim3A_253 = vector.broadcast %jit3A_251 : i32 to vector<64x512xi32>
    %broadcast_in_dim3A_254 = vector.broadcast %jit3A_252 : i32 to vector<64x512xi32>
    %select_n3A_255 = arith.select %eq3A_250, %broadcast_in_dim3A_253, %broadcast_in_dim3A_254 : vector<64x512xi1>, vector<64x512xi32>
    %xor3A_256 = arith.xori %convert_element_type3A_247, %select_n3A_255 : vector<64x512xi32>
    %select_n3A_257 = arith.select %eq3A_250, %xor3A_256, %select_n3A_243 : vector<64x512xi1>, vector<64x512xi32>
    %slice3A_258 = vector.extract_strided_slice %exp3A {offsets = [18, 0, 0], sizes = [1, 64, 512], strides = [1, 1, 1]} : vector<21x64x512xf32> to vector<1x64x512xf32>
    %squeeze3A_259 = vector.shape_cast %slice3A_258 : vector<1x64x512xf32> to vector<64x512xf32>
    %mul3A_260 = arith.mulf %squeeze3A_259, %div3A_12 : vector<64x512xf32>
    %convert_element_type3A_261 = arith.fptosi %mul3A_260 : vector<64x512xf32> to vector<64x512xi32>
    %eq3A_262 = arith.constant 18 : i32
    %eq3A_263 = vector.broadcast %eq3A_262 : i32 to vector<64x512xi32>
    %eq3A_264 = arith.cmpi eq, %get3A_9, %eq3A_263 : vector<64x512xi32>
    %jit3A_265 = arith.constant 255 : i32
    %jit3A_266 = arith.constant 0 : i32
    %broadcast_in_dim3A_267 = vector.broadcast %jit3A_265 : i32 to vector<64x512xi32>
    %broadcast_in_dim3A_268 = vector.broadcast %jit3A_266 : i32 to vector<64x512xi32>
    %select_n3A_269 = arith.select %eq3A_264, %broadcast_in_dim3A_267, %broadcast_in_dim3A_268 : vector<64x512xi1>, vector<64x512xi32>
    %xor3A_270 = arith.xori %convert_element_type3A_261, %select_n3A_269 : vector<64x512xi32>
    %select_n3A_271 = arith.select %eq3A_264, %xor3A_270, %select_n3A_257 : vector<64x512xi1>, vector<64x512xi32>
    %slice3A_272 = vector.extract_strided_slice %exp3A {offsets = [19, 0, 0], sizes = [1, 64, 512], strides = [1, 1, 1]} : vector<21x64x512xf32> to vector<1x64x512xf32>
    %squeeze3A_273 = vector.shape_cast %slice3A_272 : vector<1x64x512xf32> to vector<64x512xf32>
    %mul3A_274 = arith.mulf %squeeze3A_273, %div3A_12 : vector<64x512xf32>
    %convert_element_type3A_275 = arith.fptosi %mul3A_274 : vector<64x512xf32> to vector<64x512xi32>
    %eq3A_276 = arith.constant 19 : i32
    %eq3A_277 = vector.broadcast %eq3A_276 : i32 to vector<64x512xi32>
    %eq3A_278 = arith.cmpi eq, %get3A_9, %eq3A_277 : vector<64x512xi32>
    %jit3A_279 = arith.constant 255 : i32
    %jit3A_280 = arith.constant 0 : i32
    %broadcast_in_dim3A_281 = vector.broadcast %jit3A_279 : i32 to vector<64x512xi32>
    %broadcast_in_dim3A_282 = vector.broadcast %jit3A_280 : i32 to vector<64x512xi32>
    %select_n3A_283 = arith.select %eq3A_278, %broadcast_in_dim3A_281, %broadcast_in_dim3A_282 : vector<64x512xi1>, vector<64x512xi32>
    %xor3A_284 = arith.xori %convert_element_type3A_275, %select_n3A_283 : vector<64x512xi32>
    %select_n3A_285 = arith.select %eq3A_278, %xor3A_284, %select_n3A_271 : vector<64x512xi1>, vector<64x512xi32>
    %slice3A_286 = vector.extract_strided_slice %exp3A {offsets = [20, 0, 0], sizes = [1, 64, 512], strides = [1, 1, 1]} : vector<21x64x512xf32> to vector<1x64x512xf32>
    %squeeze3A_287 = vector.shape_cast %slice3A_286 : vector<1x64x512xf32> to vector<64x512xf32>
    %mul3A_288 = arith.mulf %squeeze3A_287, %div3A_12 : vector<64x512xf32>
    %convert_element_type3A_289 = arith.fptosi %mul3A_288 : vector<64x512xf32> to vector<64x512xi32>
    %eq3A_290 = arith.constant 20 : i32
    %eq3A_291 = vector.broadcast %eq3A_290 : i32 to vector<64x512xi32>
    %eq3A_292 = arith.cmpi eq, %get3A_9, %eq3A_291 : vector<64x512xi32>
    %jit3A_293 = arith.constant 255 : i32
    %jit3A_294 = arith.constant 0 : i32
    %broadcast_in_dim3A_295 = vector.broadcast %jit3A_293 : i32 to vector<64x512xi32>
    %broadcast_in_dim3A_296 = vector.broadcast %jit3A_294 : i32 to vector<64x512xi32>
    %select_n3A_297 = arith.select %eq3A_292, %broadcast_in_dim3A_295, %broadcast_in_dim3A_296 : vector<64x512xi1>, vector<64x512xi32>
    %xor3A_298 = arith.xori %convert_element_type3A_289, %select_n3A_297 : vector<64x512xi32>
    %select_n3A_299 = arith.select %eq3A_292, %xor3A_298, %select_n3A_285 : vector<64x512xi1>, vector<64x512xi32>
    %shift_left3A = arith.constant 8 : i32
    %shift_left3A_300 = vector.broadcast %shift_left3A : i32 to vector<64x512xi32>
    %shift_left3A_301 = arith.shli %xor3A_32, %shift_left3A_300 : vector<64x512xi32>
    %or3A = arith.ori %xor3A, %shift_left3A_301 : vector<64x512xi32>
    %shift_left3A_302 = arith.constant 16 : i32
    %shift_left3A_303 = vector.broadcast %shift_left3A_302 : i32 to vector<64x512xi32>
    %shift_left3A_304 = arith.shli %xor3A_46, %shift_left3A_303 : vector<64x512xi32>
    %or3A_305 = arith.ori %or3A, %shift_left3A_304 : vector<64x512xi32>
    %shift_left3A_306 = arith.constant 24 : i32
    %shift_left3A_307 = vector.broadcast %shift_left3A_306 : i32 to vector<64x512xi32>
    %shift_left3A_308 = arith.shli %xor3A_60, %shift_left3A_307 : vector<64x512xi32>
    %or3A_309 = arith.ori %or3A_305, %shift_left3A_308 : vector<64x512xi32>
    %reshape3A = vector.shape_cast %or3A_309 : vector<64x512xi32> to vector<32768xi32>
    %swap3A = arith.constant 0 : index
    %swap3A_310 = vector.load %arg4[%swap3A] : memref<196608xi32, #tpu.memory_space<vmem>>, vector<32768xi32>
    tpu.vector_store %arg4[%swap3A], %reshape3A {strides = array<i32>} : memref<196608xi32, #tpu.memory_space<vmem>>, vector<32768xi32>,
    %shift_left3A_311 = arith.constant 8 : i32
    %shift_left3A_312 = vector.broadcast %shift_left3A_311 : i32 to vector<64x512xi32>
    %shift_left3A_313 = arith.shli %xor3A_88, %shift_left3A_312 : vector<64x512xi32>
    %or3A_314 = arith.ori %xor3A_74, %shift_left3A_313 : vector<64x512xi32>
    %shift_left3A_315 = arith.constant 16 : i32
    %shift_left3A_316 = vector.broadcast %shift_left3A_315 : i32 to vector<64x512xi32>
    %shift_left3A_317 = arith.shli %xor3A_102, %shift_left3A_316 : vector<64x512xi32>
    %or3A_318 = arith.ori %or3A_314, %shift_left3A_317 : vector<64x512xi32>
    %shift_left3A_319 = arith.constant 24 : i32
    %shift_left3A_320 = vector.broadcast %shift_left3A_319 : i32 to vector<64x512xi32>
    %shift_left3A_321 = arith.shli %xor3A_116, %shift_left3A_320 : vector<64x512xi32>
    %or3A_322 = arith.ori %or3A_318, %shift_left3A_321 : vector<64x512xi32>
    %reshape3A_323 = vector.shape_cast %or3A_322 : vector<64x512xi32> to vector<32768xi32>
    %swap3A_324 = arith.constant 32768 : index
    %swap3A_325 = vector.load %arg4[%swap3A_324] : memref<196608xi32, #tpu.memory_space<vmem>>, vector<32768xi32>
    tpu.vector_store %arg4[%swap3A_324], %reshape3A_323 {strides = array<i32>} : memref<196608xi32, #tpu.memory_space<vmem>>, vector<32768xi32>,
    %shift_left3A_326 = arith.constant 8 : i32
    %shift_left3A_327 = vector.broadcast %shift_left3A_326 : i32 to vector<64x512xi32>
    %shift_left3A_328 = arith.shli %xor3A_144, %shift_left3A_327 : vector<64x512xi32>
    %or3A_329 = arith.ori %xor3A_130, %shift_left3A_328 : vector<64x512xi32>
    %shift_left3A_330 = arith.constant 16 : i32
    %shift_left3A_331 = vector.broadcast %shift_left3A_330 : i32 to vector<64x512xi32>
    %shift_left3A_332 = arith.shli %xor3A_158, %shift_left3A_331 : vector<64x512xi32>
    %or3A_333 = arith.ori %or3A_329, %shift_left3A_332 : vector<64x512xi32>
    %shift_left3A_334 = arith.constant 24 : i32
    %shift_left3A_335 = vector.broadcast %shift_left3A_334 : i32 to vector<64x512xi32>
    %shift_left3A_336 = arith.shli %xor3A_172, %shift_left3A_335 : vector<64x512xi32>
    %or3A_337 = arith.ori %or3A_333, %shift_left3A_336 : vector<64x512xi32>
    %reshape3A_338 = vector.shape_cast %or3A_337 : vector<64x512xi32> to vector<32768xi32>
    %swap3A_339 = arith.constant 65536 : index
    %swap3A_340 = vector.load %arg4[%swap3A_339] : memref<196608xi32, #tpu.memory_space<vmem>>, vector<32768xi32>
    tpu.vector_store %arg4[%swap3A_339], %reshape3A_338 {strides = array<i32>} : memref<196608xi32, #tpu.memory_space<vmem>>, vector<32768xi32>,
    %shift_left3A_341 = arith.constant 8 : i32
    %shift_left3A_342 = vector.broadcast %shift_left3A_341 : i32 to vector<64x512xi32>
    %shift_left3A_343 = arith.shli %xor3A_200, %shift_left3A_342 : vector<64x512xi32>
    %or3A_344 = arith.ori %xor3A_186, %shift_left3A_343 : vector<64x512xi32>
    %shift_left3A_345 = arith.constant 16 : i32
    %shift_left3A_346 = vector.broadcast %shift_left3A_345 : i32 to vector<64x512xi32>
    %shift_left3A_347 = arith.shli %xor3A_214, %shift_left3A_346 : vector<64x512xi32>
    %or3A_348 = arith.ori %or3A_344, %shift_left3A_347 : vector<64x512xi32>
    %shift_left3A_349 = arith.constant 24 : i32
    %shift_left3A_350 = vector.broadcast %shift_left3A_349 : i32 to vector<64x512xi32>
    %shift_left3A_351 = arith.shli %xor3A_228, %shift_left3A_350 : vector<64x512xi32>
    %or3A_352 = arith.ori %or3A_348, %shift_left3A_351 : vector<64x512xi32>
    %reshape3A_353 = vector.shape_cast %or3A_352 : vector<64x512xi32> to vector<32768xi32>
    %swap3A_354 = arith.constant 98304 : index
    %swap3A_355 = vector.load %arg4[%swap3A_354] : memref<196608xi32, #tpu.memory_space<vmem>>, vector<32768xi32>
    tpu.vector_store %arg4[%swap3A_354], %reshape3A_353 {strides = array<i32>} : memref<196608xi32, #tpu.memory_space<vmem>>, vector<32768xi32>,
    %shift_left3A_356 = arith.constant 8 : i32
    %shift_left3A_357 = vector.broadcast %shift_left3A_356 : i32 to vector<64x512xi32>
    %shift_left3A_358 = arith.shli %xor3A_256, %shift_left3A_357 : vector<64x512xi32>
    %or3A_359 = arith.ori %xor3A_242, %shift_left3A_358 : vector<64x512xi32>
    %shift_left3A_360 = arith.constant 16 : i32
    %shift_left3A_361 = vector.broadcast %shift_left3A_360 : i32 to vector<64x512xi32>
    %shift_left3A_362 = arith.shli %xor3A_270, %shift_left3A_361 : vector<64x512xi32>
    %or3A_363 = arith.ori %or3A_359, %shift_left3A_362 : vector<64x512xi32>
    %shift_left3A_364 = arith.constant 24 : i32
    %shift_left3A_365 = vector.broadcast %shift_left3A_364 : i32 to vector<64x512xi32>
    %shift_left3A_366 = arith.shli %xor3A_284, %shift_left3A_365 : vector<64x512xi32>
    %or3A_367 = arith.ori %or3A_363, %shift_left3A_366 : vector<64x512xi32>
    %reshape3A_368 = vector.shape_cast %or3A_367 : vector<64x512xi32> to vector<32768xi32>
    %swap3A_369 = arith.constant 131072 : index
    %swap3A_370 = vector.load %arg4[%swap3A_369] : memref<196608xi32, #tpu.memory_space<vmem>>, vector<32768xi32>
    tpu.vector_store %arg4[%swap3A_369], %reshape3A_368 {strides = array<i32>} : memref<196608xi32, #tpu.memory_space<vmem>>, vector<32768xi32>,
    %shift_left3A_371 = arith.constant 8 : i32
    %shift_left3A_372 = vector.broadcast %shift_left3A_371 : i32 to vector<64x512xi32>
    %shift_left3A_373 = arith.shli %get3A_9, %shift_left3A_372 : vector<64x512xi32>
    %or3A_374 = arith.ori %shift_left3A_373, %select_n3A_299 : vector<64x512xi32>
    %add3A = arith.constant 5376 : i32
    %add3A_375 = vector.broadcast %add3A : i32 to vector<64x512xi32>
    %add3A_376 = arith.addi %or3A_374, %add3A_375 : vector<64x512xi32>
    %shift_left3A_377 = arith.constant 8 : i32
    %shift_left3A_378 = vector.broadcast %shift_left3A_377 : i32 to vector<64x512xi32>
    %shift_left3A_379 = arith.shli %add3A_376, %shift_left3A_378 : vector<64x512xi32>
    %or3A_380 = arith.ori %xor3A_298, %shift_left3A_379 : vector<64x512xi32>
    %reshape3A_381 = vector.shape_cast %or3A_380 : vector<64x512xi32> to vector<32768xi32>
    %swap3A_382 = arith.constant 163840 : index
    %swap3A_383 = vector.load %arg4[%swap3A_382] : memref<196608xi32, #tpu.memory_space<vmem>>, vector<32768xi32>
    tpu.vector_store %arg4[%swap3A_382], %reshape3A_381 {strides = array<i32>} : memref<196608xi32, #tpu.memory_space<vmem>>, vector<32768xi32>,
    return
  }
  func.func @transform_0(%arg0: i32, %arg1: i32) -> (i32, i32, i32, i32) {
    %add3A = arith.constant 2 : i32
    %add3A_0 = arith.addi %arg0, %add3A : i32
    %c0_i32 = arith.constant 0 : i32
    %c0_i32_1 = arith.constant 0 : i32
    %c0_i32_2 = arith.constant 0 : i32
    return %add3A_0, %c0_i32, %arg1, %c0_i32_1 : i32, i32, i32, i32
  }
  func.func @transform_1(%arg0: i32, %arg1: i32) -> (i32, i32, i32) {
    %add3A = arith.constant 2 : i32
    %add3A_0 = arith.addi %arg0, %add3A : i32
    %c0_i32 = arith.constant 0 : i32
    %c0_i32_1 = arith.constant 0 : i32
    return %add3A_0, %arg1, %c0_i32 : i32, i32, i32
  }
  func.func @transform_2(%arg0: i32, %arg1: i32) -> i32 {
    %mul3A = arith.constant 8 : i32
    %mul3A_0 = arith.muli %arg0, %mul3A : i32
    %add3A = arith.addi %mul3A_0, %arg1 : i32
    %c0_i32 = arith.constant 0 : i32
    return %add3A : i32
  }
}

module attributes {stable_mosaic.version = 14 : i64} {
  func.func @_reduce_body(%arg0: memref<32x42x256xi32, #tpu.memory_space<vmem>>, %arg1: memref<32x42x256xi32, #tpu.memory_space<vmem>>, %arg2: memref<8x128xf32, #tpu.memory_space<vmem>>) attributes {dimension_semantics = [], scalar_prefetch = 0 : i64, scratch_operands = 0 : i64, tpu.core_type = #tpu.core_type<tc>} {
    %get3A = arith.constant 0 : index
    %get3A_0 = arith.constant 0 : index
    %get3A_1 = arith.constant 0 : index
    %get3A_2 = vector.load %arg0[%get3A, %get3A_0, %get3A_1] : memref<32x42x256xi32, #tpu.memory_space<vmem>>, vector<32x42x256xi32>
    %get3A_3 = arith.constant 0 : index
    %get3A_4 = arith.constant 0 : index
    %get3A_5 = arith.constant 0 : index
    %get3A_6 = vector.load %arg1[%get3A_3, %get3A_4, %get3A_5] : memref<32x42x256xi32, #tpu.memory_space<vmem>>, vector<32x42x256xi32>
    %add3A = arith.addi %get3A_2, %get3A_6 : vector<32x42x256xi32>
    %reduce_sum3A = arith.constant dense<0> : vector<42x256xi32>
    %reduce_sum3A_7 = vector.multi_reduction <add>, %add3A, %reduce_sum3A [0] : vector<32x42x256xi32> to vector<42x256xi32>
    %convert_element_type3A = arith.sitofp %reduce_sum3A_7 : vector<42x256xi32> to vector<42x256xf32>
    %slice3A = vector.extract_strided_slice %convert_element_type3A {offsets = [0, 0], sizes = [21, 256], strides = [1, 1]} : vector<42x256xf32> to vector<21x256xf32>
    %slice3A_8 = vector.extract_strided_slice %convert_element_type3A {offsets = [21, 0], sizes = [21, 256], strides = [1, 1]} : vector<42x256xf32> to vector<21x256xf32>
    %jit3A = arith.constant 0 : i32
    %convert_element_type3A_9 = arith.sitofp %jit3A : i32 to f32
    %pad3A = vector.broadcast %convert_element_type3A_9 : f32 to vector<21x1xf32>
    %pad3A_10 = tpu.concatenate %slice3A, %pad3A in 1 : vector<21x256xf32>, vector<21x1xf32> -> vector<21x257xf32>
    %slice3A_11 = vector.extract_strided_slice %pad3A_10 {offsets = [0, 1], sizes = [21, 256], strides = [1, 1]} : vector<21x257xf32> to vector<21x256xf32>
    %add3A_12 = arith.addf %slice3A, %slice3A_11 : vector<21x256xf32>
    %jit3A_13 = arith.constant 0 : i32
    %convert_element_type3A_14 = arith.sitofp %jit3A_13 : i32 to f32
    %pad3A_15 = vector.broadcast %convert_element_type3A_14 : f32 to vector<21x2xf32>
    %pad3A_16 = tpu.concatenate %add3A_12, %pad3A_15 in 1 : vector<21x256xf32>, vector<21x2xf32> -> vector<21x258xf32>
    %slice3A_17 = vector.extract_strided_slice %pad3A_16 {offsets = [0, 2], sizes = [21, 256], strides = [1, 1]} : vector<21x258xf32> to vector<21x256xf32>
    %add3A_18 = arith.addf %add3A_12, %slice3A_17 : vector<21x256xf32>
    %jit3A_19 = arith.constant 0 : i32
    %convert_element_type3A_20 = arith.sitofp %jit3A_19 : i32 to f32
    %pad3A_21 = vector.broadcast %convert_element_type3A_20 : f32 to vector<21x4xf32>
    %pad3A_22 = tpu.concatenate %add3A_18, %pad3A_21 in 1 : vector<21x256xf32>, vector<21x4xf32> -> vector<21x260xf32>
    %slice3A_23 = vector.extract_strided_slice %pad3A_22 {offsets = [0, 4], sizes = [21, 256], strides = [1, 1]} : vector<21x260xf32> to vector<21x256xf32>
    %add3A_24 = arith.addf %add3A_18, %slice3A_23 : vector<21x256xf32>
    %jit3A_25 = arith.constant 0 : i32
    %convert_element_type3A_26 = arith.sitofp %jit3A_25 : i32 to f32
    %pad3A_27 = vector.broadcast %convert_element_type3A_26 : f32 to vector<21x8xf32>
    %pad3A_28 = tpu.concatenate %add3A_24, %pad3A_27 in 1 : vector<21x256xf32>, vector<21x8xf32> -> vector<21x264xf32>
    %slice3A_29 = vector.extract_strided_slice %pad3A_28 {offsets = [0, 8], sizes = [21, 256], strides = [1, 1]} : vector<21x264xf32> to vector<21x256xf32>
    %add3A_30 = arith.addf %add3A_24, %slice3A_29 : vector<21x256xf32>
    %jit3A_31 = arith.constant 0 : i32
    %convert_element_type3A_32 = arith.sitofp %jit3A_31 : i32 to f32
    %pad3A_33 = vector.broadcast %convert_element_type3A_32 : f32 to vector<21x16xf32>
    %pad3A_34 = tpu.concatenate %add3A_30, %pad3A_33 in 1 : vector<21x256xf32>, vector<21x16xf32> -> vector<21x272xf32>
    %slice3A_35 = vector.extract_strided_slice %pad3A_34 {offsets = [0, 16], sizes = [21, 256], strides = [1, 1]} : vector<21x272xf32> to vector<21x256xf32>
    %add3A_36 = arith.addf %add3A_30, %slice3A_35 : vector<21x256xf32>
    %jit3A_37 = arith.constant 0 : i32
    %convert_element_type3A_38 = arith.sitofp %jit3A_37 : i32 to f32
    %pad3A_39 = vector.broadcast %convert_element_type3A_38 : f32 to vector<21x32xf32>
    %pad3A_40 = tpu.concatenate %add3A_36, %pad3A_39 in 1 : vector<21x256xf32>, vector<21x32xf32> -> vector<21x288xf32>
    %slice3A_41 = vector.extract_strided_slice %pad3A_40 {offsets = [0, 32], sizes = [21, 256], strides = [1, 1]} : vector<21x288xf32> to vector<21x256xf32>
    %add3A_42 = arith.addf %add3A_36, %slice3A_41 : vector<21x256xf32>
    %jit3A_43 = arith.constant 0 : i32
    %convert_element_type3A_44 = arith.sitofp %jit3A_43 : i32 to f32
    %pad3A_45 = vector.broadcast %convert_element_type3A_44 : f32 to vector<21x64xf32>
    %pad3A_46 = tpu.concatenate %add3A_42, %pad3A_45 in 1 : vector<21x256xf32>, vector<21x64xf32> -> vector<21x320xf32>
    %slice3A_47 = vector.extract_strided_slice %pad3A_46 {offsets = [0, 64], sizes = [21, 256], strides = [1, 1]} : vector<21x320xf32> to vector<21x256xf32>
    %add3A_48 = arith.addf %add3A_42, %slice3A_47 : vector<21x256xf32>
    %jit3A_49 = arith.constant 0 : i32
    %convert_element_type3A_50 = arith.sitofp %jit3A_49 : i32 to f32
    %pad3A_51 = vector.broadcast %convert_element_type3A_50 : f32 to vector<21x128xf32>
    %pad3A_52 = tpu.concatenate %add3A_48, %pad3A_51 in 1 : vector<21x256xf32>, vector<21x128xf32> -> vector<21x384xf32>
    %slice3A_53 = vector.extract_strided_slice %pad3A_52 {offsets = [0, 128], sizes = [21, 256], strides = [1, 1]} : vector<21x384xf32> to vector<21x256xf32>
    %add3A_54 = arith.addf %add3A_48, %slice3A_53 : vector<21x256xf32>
    %jit3A_55 = arith.constant 0 : i32
    %convert_element_type3A_56 = arith.sitofp %jit3A_55 : i32 to f32
    %pad3A_57 = vector.broadcast %convert_element_type3A_56 : f32 to vector<21x1xf32>
    %pad3A_58 = tpu.concatenate %slice3A_8, %pad3A_57 in 1 : vector<21x256xf32>, vector<21x1xf32> -> vector<21x257xf32>
    %slice3A_59 = vector.extract_strided_slice %pad3A_58 {offsets = [0, 1], sizes = [21, 256], strides = [1, 1]} : vector<21x257xf32> to vector<21x256xf32>
    %add3A_60 = arith.addf %slice3A_8, %slice3A_59 : vector<21x256xf32>
    %jit3A_61 = arith.constant 0 : i32
    %convert_element_type3A_62 = arith.sitofp %jit3A_61 : i32 to f32
    %pad3A_63 = vector.broadcast %convert_element_type3A_62 : f32 to vector<21x2xf32>
    %pad3A_64 = tpu.concatenate %add3A_60, %pad3A_63 in 1 : vector<21x256xf32>, vector<21x2xf32> -> vector<21x258xf32>
    %slice3A_65 = vector.extract_strided_slice %pad3A_64 {offsets = [0, 2], sizes = [21, 256], strides = [1, 1]} : vector<21x258xf32> to vector<21x256xf32>
    %add3A_66 = arith.addf %add3A_60, %slice3A_65 : vector<21x256xf32>
    %jit3A_67 = arith.constant 0 : i32
    %convert_element_type3A_68 = arith.sitofp %jit3A_67 : i32 to f32
    %pad3A_69 = vector.broadcast %convert_element_type3A_68 : f32 to vector<21x4xf32>
    %pad3A_70 = tpu.concatenate %add3A_66, %pad3A_69 in 1 : vector<21x256xf32>, vector<21x4xf32> -> vector<21x260xf32>
    %slice3A_71 = vector.extract_strided_slice %pad3A_70 {offsets = [0, 4], sizes = [21, 256], strides = [1, 1]} : vector<21x260xf32> to vector<21x256xf32>
    %add3A_72 = arith.addf %add3A_66, %slice3A_71 : vector<21x256xf32>
    %jit3A_73 = arith.constant 0 : i32
    %convert_element_type3A_74 = arith.sitofp %jit3A_73 : i32 to f32
    %pad3A_75 = vector.broadcast %convert_element_type3A_74 : f32 to vector<21x8xf32>
    %pad3A_76 = tpu.concatenate %add3A_72, %pad3A_75 in 1 : vector<21x256xf32>, vector<21x8xf32> -> vector<21x264xf32>
    %slice3A_77 = vector.extract_strided_slice %pad3A_76 {offsets = [0, 8], sizes = [21, 256], strides = [1, 1]} : vector<21x264xf32> to vector<21x256xf32>
    %add3A_78 = arith.addf %add3A_72, %slice3A_77 : vector<21x256xf32>
    %jit3A_79 = arith.constant 0 : i32
    %convert_element_type3A_80 = arith.sitofp %jit3A_79 : i32 to f32
    %pad3A_81 = vector.broadcast %convert_element_type3A_80 : f32 to vector<21x16xf32>
    %pad3A_82 = tpu.concatenate %add3A_78, %pad3A_81 in 1 : vector<21x256xf32>, vector<21x16xf32> -> vector<21x272xf32>
    %slice3A_83 = vector.extract_strided_slice %pad3A_82 {offsets = [0, 16], sizes = [21, 256], strides = [1, 1]} : vector<21x272xf32> to vector<21x256xf32>
    %add3A_84 = arith.addf %add3A_78, %slice3A_83 : vector<21x256xf32>
    %jit3A_85 = arith.constant 0 : i32
    %convert_element_type3A_86 = arith.sitofp %jit3A_85 : i32 to f32
    %pad3A_87 = vector.broadcast %convert_element_type3A_86 : f32 to vector<21x32xf32>
    %pad3A_88 = tpu.concatenate %add3A_84, %pad3A_87 in 1 : vector<21x256xf32>, vector<21x32xf32> -> vector<21x288xf32>
    %slice3A_89 = vector.extract_strided_slice %pad3A_88 {offsets = [0, 32], sizes = [21, 256], strides = [1, 1]} : vector<21x288xf32> to vector<21x256xf32>
    %add3A_90 = arith.addf %add3A_84, %slice3A_89 : vector<21x256xf32>
    %jit3A_91 = arith.constant 0 : i32
    %convert_element_type3A_92 = arith.sitofp %jit3A_91 : i32 to f32
    %pad3A_93 = vector.broadcast %convert_element_type3A_92 : f32 to vector<21x64xf32>
    %pad3A_94 = tpu.concatenate %add3A_90, %pad3A_93 in 1 : vector<21x256xf32>, vector<21x64xf32> -> vector<21x320xf32>
    %slice3A_95 = vector.extract_strided_slice %pad3A_94 {offsets = [0, 64], sizes = [21, 256], strides = [1, 1]} : vector<21x320xf32> to vector<21x256xf32>
    %add3A_96 = arith.addf %add3A_90, %slice3A_95 : vector<21x256xf32>
    %jit3A_97 = arith.constant 0 : i32
    %convert_element_type3A_98 = arith.sitofp %jit3A_97 : i32 to f32
    %pad3A_99 = vector.broadcast %convert_element_type3A_98 : f32 to vector<21x128xf32>
    %pad3A_100 = tpu.concatenate %add3A_96, %pad3A_99 in 1 : vector<21x256xf32>, vector<21x128xf32> -> vector<21x384xf32>
    %slice3A_101 = vector.extract_strided_slice %pad3A_100 {offsets = [0, 128], sizes = [21, 256], strides = [1, 1]} : vector<21x384xf32> to vector<21x256xf32>
    %add3A_102 = arith.addf %add3A_96, %slice3A_101 : vector<21x256xf32>
    %slice3A_103 = vector.extract_strided_slice %add3A_102 {offsets = [0, 0], sizes = [21, 1], strides = [1, 1]} : vector<21x256xf32> to vector<21x1xf32>
    %sub3A = vector.broadcast %slice3A_103 : vector<21x1xf32> to vector<21x256xf32>
    %sub3A_104 = arith.subf %sub3A, %add3A_102 : vector<21x256xf32>
    %add3A_105 = vector.broadcast %slice3A_103 : vector<21x1xf32> to vector<21x256xf32>
    %add3A_106 = arith.addf %add3A_105, %add3A_54 : vector<21x256xf32>
    %sub3A_107 = arith.subf %add3A_106, %add3A_102 : vector<21x256xf32>
    %max3A = arith.constant 1.000000e+00 : f32
    %max3A_108 = vector.broadcast %max3A : f32 to vector<21x256xf32>
    %max3A_109 = arith.maximumf %sub3A_107, %max3A_108 : vector<21x256xf32>
    %div3A = arith.divf %sub3A_104, %max3A_109 : vector<21x256xf32>
    %sub3A_110 = arith.constant 1.000000e+00 : f32
    %sub3A_111 = vector.broadcast %sub3A_110 : f32 to vector<21x256xf32>
    %sub3A_112 = arith.subf %sub3A_111, %div3A : vector<21x256xf32>
    %reduce_sum3A_113 = arith.constant dense<0.000000e+00> : vector<21xf32>
    %reduce_sum3A_114 = vector.multi_reduction <add>, %sub3A_112, %reduce_sum3A_113 [1] : vector<21x256xf32> to vector<21xf32>
    %broadcast_in_dim3A = vector.shape_cast %reduce_sum3A_114 : vector<21xf32> to vector<21x1xf32>
    %div3A_115 = arith.constant 2.560000e+02 : f32
    %div3A_116 = vector.broadcast %div3A_115 : f32 to vector<21x1xf32>
    %div3A_117 = arith.divf %broadcast_in_dim3A, %div3A_116 : vector<21x1xf32>
    %sub3A_118 = arith.constant 0.001953125 : f32
    %sub3A_119 = vector.broadcast %sub3A_118 : f32 to vector<21x1xf32>
    %sub3A_120 = arith.subf %div3A_117, %sub3A_119 : vector<21x1xf32>
    %gt3A = arith.constant 0.000000e+00 : f32
    %gt3A_121 = vector.broadcast %gt3A : f32 to vector<21x1xf32>
    %gt3A_122 = arith.cmpf ogt, %slice3A_103, %gt3A_121 : vector<21x1xf32>
    %convert_element_type3A_123 = arith.extui %gt3A_122 : vector<21x1xi1> to vector<21x1xi32>
    %convert_element_type3A_124 = arith.sitofp %convert_element_type3A_123 : vector<21x1xi32> to vector<21x1xf32>
    %mul3A = arith.mulf %sub3A_120, %convert_element_type3A_124 : vector<21x1xf32>
    %reduce_sum3A_125 = vector.shape_cast %mul3A : vector<21x1xf32> to vector<1x21x1xf32>
    %reduce_sum3A_126 = arith.constant dense<0.000000e+00> : vector<1xf32>
    %reduce_sum3A_127 = vector.multi_reduction <add>, %reduce_sum3A_125, %reduce_sum3A_126 [1, 2] : vector<1x21x1xf32> to vector<1xf32>
    %reduce_sum3A_128 = vector.shape_cast %reduce_sum3A_127 : vector<1xf32> to vector<1x1x1xf32>
    %reduce_sum3A_129 = vector.extract %reduce_sum3A_128[0, 0, 0] : f32 from vector<1x1x1xf32>
    %reduce_sum3A_130 = vector.shape_cast %convert_element_type3A_124 : vector<21x1xf32> to vector<1x21x1xf32>
    %reduce_sum3A_131 = arith.constant dense<0.000000e+00> : vector<1xf32>
    %reduce_sum3A_132 = vector.multi_reduction <add>, %reduce_sum3A_130, %reduce_sum3A_131 [1, 2] : vector<1x21x1xf32> to vector<1xf32>
    %reduce_sum3A_133 = vector.shape_cast %reduce_sum3A_132 : vector<1xf32> to vector<1x1x1xf32>
    %reduce_sum3A_134 = vector.extract %reduce_sum3A_133[0, 0, 0] : f32 from vector<1x1x1xf32>
    %div3A_135 = arith.divf %reduce_sum3A_129, %reduce_sum3A_134 : f32
    %broadcast_in_dim3A_136 = vector.broadcast %div3A_135 : f32 to vector<8x128xf32>
    %swap3A = arith.constant 0 : index
    %swap3A_137 = arith.constant 0 : index
    %swap3A_138 = vector.load %arg2[%swap3A, %swap3A_137] : memref<8x128xf32, #tpu.memory_space<vmem>>, vector<8x128xf32>
    tpu.vector_store %arg2[%swap3A, %swap3A_137], %broadcast_in_dim3A_136 {strides = array<i32>} : memref<8x128xf32, #tpu.memory_space<vmem>>, vector<8x128xf32>,
    return
  }
}

</mosaic_0001>

<sc_bundles>
// kernel: kernel.10.cloned.1.call-start
scs
__scs_entry_jumppad:
0x0: {  	(pc) =	sbr.rel $0x88, $3  }
0x1: {  	(tag) =	ssettag $0x0;
	lr =	simm.s32 $0x1  }
0x2: {  	[smem:$0x3F9F] =	sst lr;
	_ =	strace $0xD0000000  }
0x3: {  	_ = 	snop  }
0x4: {  	_ = 	snop  }
0x5: {  	_ = 	snop  }
0x6: {  	_ = 	snop  }
0x7: {  	_ = 	snop  }
__scs_overlays_trampoline_lowered:
0x8: {  	[smem:$0x3FAE] =	sst s0  }
0x9: {  	[smem:$0x3FAF] =	sst s1  }
0xa: {  	[smem:$0x3FB0] =	sst s2  }
0xb: {  	[smem:$0x3FB1] =	sst s3  }
0xc: {  	[smem:$0x3FB2] =	sst s4  }
0xd: {  	[smem:$0x3FB3] =	sst s5  }
0xe: {  	[smem:$0x3FB4] =	sst s6  }
0xf: {  	[smem:$0x3FB5] =	sst s7  }
0x10: {  	[smem:$0x3FB6] =	sst s8  }
0x11: {  	[smem:$0x3FB7] =	sst s9;
	s0 =	simm.s32 @!p0 $0x0  }
0x12: {  	s1 =	sld [smem:$0x3F9D];
	s0 =	simm.s32 @p0 $0x1  }
0x13: {  	[smem:$0x3FB8] =	sst s0;
	s0 =	simm.s32 @!p1 $0x0  }
0x14: {  	s2 =	sld [smem:$0x3F9C];
	s0 =	simm.s32 @p1 $0x1  }
0x15: {  	[smem:$0x3FB9] =	sst s0;
	s0 =	simm.s32 @!p2 $0x0  }
0x16: {  	s3 =	sld [smem:$0x3FDB];
	s0 =	simm.s32 @p2 $0x1  }
0x17: {  	s4 =	simm.s32 $0x1BF5;
	[smem:$0x3FBB] =	sst s0  }
0x18: {  	s0 =	sld [smem:$0x3F9E];
	_ =	swait.ge [sflag:s4], $0x0  }
0x19: {  	s7 =	sld [smem:$0x3F9F]  }
0x1a: {  	s8 =	sadd.s32 $0xFFFFE003, lr  }
0x1b: {  	s9 =	sadd.s32 $0xFFFFFEF7, lr;
	s5 =	simm.s32 $0xFFFFFFFF;
	p2 =	slt.u32 s8, $0xFFFFF086  }
0x1c: {  	p1 =	slt.u32 s9, $0xF7A;
	s5 =	simm.s32 @!p2 $0x0  }
0x1d: {  	s5 =	simm.s32 @p1 $0x1;
	p0 =	seq.s32 s7, s2  }
0x1e: {  	s7 =	smul.u32 @!p0 $0xF7A, s2;
	p2 =	seq.s32 @!p0 s5, $0x0  }
0x1f: {  	s9 =	smul.u32 $0xF7A, s1;
	s8 =	simm.s32 @!p0 $0x1BF5;
	p2 =	por !p2, p0  }
0x20: {  	[sflag:s8] =	ssyncset.s32 @!p0 $0xFFFFF086;
	s6 =	sadd.s32 @!p0 s3, s7;
	s7 =	simm.s32 @!p0 $0x108  }
0x21: {  	s3 =	sadd.s32 s3, s9;
	s6 =	sadd.s32 @!p0 $0x88, s6;
	s7 =	simm.s32 @p2 $0x1082  }
0x22: {  	[simem:s7], [sflag:s8] =	dma.local @!p0 [hbm:s6], $0xF7A  }
0x23: {  	s9 =	sor.u32 $0xD0000000, s2;
	s6 =	simm.s32 $0x108;
	_ =	swait.ge @!p0 [sflag:s8], $0x0  }
0x24: {  	s3 =	sadd.s32 $0x88, s3;
	s6 =	simm.s32 @!p1 $0x1082;
	[sflag:s4] =	ssyncset.s32 $0xFFFFF086  }
0x25: {  	[simem:s6], [sflag:s4] =	dma.local [hbm:s3], $0xF7A  }
0x26: {  	[smem:$0x3F9F] =	sst s1;
	(tag) =	ssettag s2;
	_ =	strace s9  }
0x27: {  	s1 =	sld [smem:$0x3FAF]  }
0x28: {  	s2 =	sld [smem:$0x3FB0]  }
0x29: {  	s4 =	sld [smem:$0x3FB2]  }
0x2a: {  	p0 =	seq.s32 s5, $0x0;
	s5 =	sld [smem:$0x3FB3]  }
0x2b: {  	s6 =	sld [smem:$0x3FB4]  }
0x2c: {  	s7 =	sld [smem:$0x3FB5]  }
0x2d: {  	s3 =	simm.s32 $0x108;
	s8 =	sld [smem:$0x3FB6]  }
0x2e: {  	s3 =	simm.s32 @!p0 $0x1082;
	s9 =	sld [smem:$0x3FB7]  }
0x2f: {  	lr =	sadd.s32 s0, s3;
	s0 =	sld [smem:$0x3FAE]  }
0x30: {  	s3 =	sld [smem:$0x3FB1]  }
0x31: {  	[smem:$0x3FBA] =	sst s10  }
0x32: {  	s10 =	sld [smem:$0x3FB8];
	_ =	sdelay $0x3  }
0x33: {  	p0 =	seq.s32 s10, $0x1;
	s10 =	sld [smem:$0x3FBA];
	_ =	sdelay $0x3  }
0x34: {  	[smem:$0x3FBA] =	sst s10  }
0x35: {  	s10 =	sld [smem:$0x3FB9];
	_ =	sdelay $0x3  }
0x36: {  	p1 =	seq.s32 s10, $0x1;
	s10 =	sld [smem:$0x3FBA];
	_ =	sdelay $0x3  }
0x37: {  	[smem:$0x3FBA] =	sst s10  }
0x38: {  	s10 =	sld [smem:$0x3FBB]  }
0x39: {  	_ = 	snop;
	(pc) =	sbr.ind lr, $3  }
0x3a: {  	_ = 	snop  }
0x3b: {  	_ = 	snop  }
0x3c: {  	p2 =	seq.s32 s10, $0x1;
	s10 =	sld [smem:$0x3FBA]  }
0x3d: {  	_ =	shalt  }
0x3e: {  	_ =	shalt  }
0x3f: {  	_ =	shalt  }
0x40: {  	_ =	shalt  }
0x41: {  	_ =	shalt  }
0x42: {  	_ =	shalt  }
0x43: {  	_ =	shalt  }
0x44: {  	_ =	shalt  }
0x45: {  	_ =	shalt  }
0x46: {  	_ =	shalt  }
0x47: {  	_ =	shalt  }
0x48: {  	_ =	shalt  }
0x49: {  	_ =	shalt  }
0x4a: {  	_ =	shalt  }
0x4b: {  	_ =	shalt  }
0x4c: {  	_ =	shalt  }
0x4d: {  	_ =	shalt  }
0x4e: {  	_ =	shalt  }
0x4f: {  	_ =	shalt  }
0x50: {  	_ =	shalt  }
0x51: {  	_ =	shalt  }
0x52: {  	_ =	shalt  }
0x53: {  	_ =	shalt  }
0x54: {  	_ =	shalt  }
0x55: {  	_ =	shalt  }
0x56: {  	_ =	shalt  }
0x57: {  	_ =	shalt  }
0x58: {  	_ =	shalt  }
0x59: {  	_ =	shalt  }
0x5a: {  	_ =	shalt  }
0x5b: {  	_ =	shalt  }
0x5c: {  	_ =	shalt  }
0x5d: {  	_ =	shalt  }
0x5e: {  	_ =	shalt  }
0x5f: {  	_ =	shalt  }
0x60: {  	_ =	shalt  }
0x61: {  	_ =	shalt  }
0x62: {  	_ =	shalt  }
0x63: {  	_ =	shalt  }
0x64: {  	_ =	shalt  }
0x65: {  	_ =	shalt  }
0x66: {  	_ =	shalt  }
0x67: {  	_ =	shalt  }
0x68: {  	_ =	shalt  }
0x69: {  	_ =	shalt  }
0x6a: {  	_ =	shalt  }
0x6b: {  	_ =	shalt  }
0x6c: {  	_ =	shalt  }
0x6d: {  	_ =	shalt  }
0x6e: {  	_ =	shalt  }
0x6f: {  	_ =	shalt  }
0x70: {  	_ =	shalt  }
0x71: {  	_ =	shalt  }
0x72: {  	_ =	shalt  }
0x73: {  	_ =	shalt  }
0x74: {  	_ =	shalt  }
0x75: {  	_ =	shalt  }
0x76: {  	_ =	shalt  }
0x77: {  	_ =	shalt  }
0x78: {  	_ =	shalt  }
0x79: {  	_ =	shalt  }
0x7a: {  	_ =	shalt  }
0x7b: {  	_ =	shalt  }
0x7c: {  	_ =	shalt  }
0x7d: {  	_ =	shalt  }
0x7e: {  	_ =	shalt  }
0x7f: {  	_ =	shalt  }
0x80: {  	_ =	shalt  }
0x81: {  	_ =	shalt  }
0x82: {  	_ =	shalt  }
0x83: {  	_ =	shalt  }
0x84: {  	_ =	shalt  }
0x85: {  	_ =	shalt  }
0x86: {  	_ =	shalt  }
0x87: {  	_ =	shalt  }
.Lfunc_end0:
.L_simem_size_0:
called_computation.1_lowered:
.L_overlay_start_0:
0x88: {  	s2 =	sld [smem:$0x3FD9]  }
0x89: {  	s3 =	sld [smem:$0x3FFE];
	_ =	sdelay $0x1  }
0x8a: {  	s1 =	srdreg.scid  }
0x8b: {  	s0 =	sand.u32 $0x1, s1  }
0x8c: {  	s16 =	sshll.u32 s0, $0xA;
	s2 =	sadd.s32 s3, s2  }
0x8d: {  	s2 =	sadd.s32 s2, s16  }
0x8e: {  	[smem:$0x3FC6] =	sst s2  }
0x8f: {  	_ = 	snop  }
0x90: {  	(tm) =	ssettm $0x1  }
0x91: {  	s17 =	sld [smem:$0x3FFB];
	_ =	sdelay $0x3  }
0x92: {  	_ =	strace s17  }
0x93: {  	s2 =	sld [smem:$0x3FFC];
	_ =	sdelay $0x3  }
0x94: {  	_ =	strace s2  }
0x95: {  	s2 =	sld [smem:$0x3FFD];
	_ =	sdelay $0x3  }
0x96: {  	_ =	strace s2  }
0x97: {  	_ =	strace $0x8FFFFFFF  }
0x98: {  	s18 =	sld [smem:$0x3FDB];
	_ =	sdelay $0x1  }
0x99: {  	s19 =	simm.s32 $_scs_section_size  }
0x9a: {  	s4 =	simm.s32 $_size__tile_overlayer_lowered;
	s5 =	simm.s32 $_tile_overlayer_lowered  }
0x9b: {  	s22 =	simm.s32 $0x1BFF;
	s21 =	sshll.u32 s5, $0x1;
	s2 =	sadd.s32 s19, s18  }
0x9c: {  	s6 =	simm.s32 $0x0;
	s20 =	sshll.u32 s4, $0x1;
	s4 =	sadd.s32 s21, s2  }
0x9d: {  	[timem:s6], [sflag:s22] =	dma.local [hbm:s4], s20  }
0x9e: {  	_ =	swait.ge [sflag:s22], s20  }
0x9f: {  	s3 =	ssub.s32 $0x0, s20;
	[sflag:s22] =	ssyncset.done $0x0  }
0xa0: {  	[sflag:s22] =	ssyncadd.s32 s3;
	_ =	sdelay $0x1  }
0xa1: {  	s23 =	simm.s32 $0x1B8B  }
0xa2: {  	_ =	swait.ge [sflag:s23], $0x1  }
0xa3: {  	[sflag:s23] =	ssyncset.done $0x0  }
0xa4: {  	s25 =	simm.s32 $0x1B8E;
	s24 =	sld [smem:$0x3FFE];
	[sflag:s23] =	ssyncadd.s32 $0xFFFFFFFF  }
0xa5: {  	s26 =	simm.s32 $execute0_lowered;
	[smem:$0x3FD2] =	sst s25  }
0xa6: {  	s4 =	sshll.u32 s26, $0x1;
	_ =	strace $0x80000046;
	[dreg:$0x1] =	wrdreg $0xFFFFFFFF  }
0xa7: {  	s28 =	simm.s32 $_size_execute0_lowered;
	s2 =	sadd.s32 s2, s4;
	[dreg:$0x0] =	wrdreg $0x0  }
0xa8: {  	s4 =	sshll.u32 s28, $0x1;
	[dreg:$0x2] =	wrdreg s2  }
0xa9: {  	[dreg:$0x3] =	wrdreg s4  }
0xaa: {  	[dreg:$0x4] =	wrdreg $0xC0  }
0xab: {  	_ =	task [dreg:s6], $0x5FFFF  }
0xac: {  	[dreg:$0x1] =	wrdreg $0xFFFFFFFF  }
0xad: {  	[dreg:$0x0] =	wrdreg $0x60  }
0xae: {  	[dreg:$0x2] =	wrdreg s24  }
0xaf: {  	[dreg:$0x3] =	wrdreg $0xA  }
0xb0: {  	_ =	task.clear_ibuf [dreg:s6], $0x4FFFF;
	_ =	strace $0x90000046  }
0xb1: {  	s29 =	simm.s32 $0xA;
	_ =	strace $0x80000048  }
0xb2: {  	_ =	swait.ge [sflag:s29], $0x1  }
0xb3: {  	[sflag:s29] =	ssyncadd.s32 $0xFFFFFFFF  }
0xb4: {  	_ =	strace $0x90000048  }
0xb5: {  	_ =	sfence  }
0xb6: {  	s30 =	sld [smem:$0x0];
	_ =	sdelay $0x2  }
0xb7: {  	s31 =	sshll.u32 s1, $0xD;
	s1 =	sshrl.u32 s1, $0x2  }
0xb8: {  	s3 =	sand.u32 $0x4000, s31;
	s1 =	sadd.s32 s1, s30  }
0xb9: {  	s0 =	sor.u32 s3, s0;
	s1 =	sshll.u32 s1, $0x11  }
0xba: {  	s0 =	sor.u32 s1, s0  }
0xbb: {  	s0 =	sadd.s32 $0x8F2B, s0  }
0xbc: {  	[sflag:s0] =	ssyncadd.remote.s32 $0x1  }
0xbd: {  	_ =	sfence.sel $0xFFFF  }
0xbe: {  	[dreg:$0x0] =	wrdreg $0xFFFFFFFF;
	(pc) =	sbr.abs _section_cstart, $3  }
0xbf: {  	[dreg:$0x1] =	wrdreg $0xFFFFFFFF  }
0xc0: {  	_ =	task.clear_ibuf [dreg:s6], $0x2FFFF;
	_ =	strace $0x9FFFFFFF  }
0xc1: {  	(tm) =	ssettm $0x7FFFFFFF  }
tec
execute0_lowered:
.L_overlay_start_1:
0x0: {  	(tag) =	ssettag $0x1  }
0x1: {  	s5 =	rddreg [dreg:$0x0]  }
0x2: {  	s2 =	srdreg.scid;
	s1 =	stileid.u32  }
0x3: {  	s0 =	rddreg [dreg:$0x1];
	s10 =	simm.s32 $0x4A00;
	s11 =	simm.s32 $0x1  }
0x4: {  	s12 =	simm.s32 $0x2;
	s13 =	simm.s32 $0x80;
	s14 =	simm.s32 $0x400  }
0x5: {  	s15 =	simm.s32 $0x3;
	s16 =	simm.s32 $0x0;
	s3 =	sand.u32 $0x1, s2  }
0x6: {  	s4 =	sshll.u32 s1, $0x1;
	s2 =	simm.s32 $0x0;
	s6 =	sshrl.u32 s1, $0x2  }
0x7: {  	s4 =	sor.u32 s3, s4;
	[smem:$0x7FF] =	sst s2;
	s6 =	smul.u32 $0x15000, s6  }
0x8: {  	s30 =	ssub.s32 $0x2, s3;
	s7 =	sshll.u32 s4, $0x7;
	s3 =	smul.u32 $0x18000, s4  }
.Ltmp0:
0x9: {  	_ =	strace $0x80000047;
	s7 =	sand.u32 $0x380, s7;
	(pc) =	sbr.rel .LBB2_1-.Ltmp0, $4  }
0xa: {  	s4 =	sadd.s32 $0xE00, s5;
	s8 =	sshrl.u32 s30, $0x1;
	s6 =	sor.u32 s6, s7  }
0xb: {  	s8 =	ssub.s32 s30, s8;
	s31 =	sshrl.u32 s3, $0x3;
	s6 =	sshrl.u32 s6, $0x3  }
0xc: {  	s8 =	smax.u32 s8, $0x1;
	s9 =	sadd.s32 s6, s5;
	s5 =	sadd.s32 s4, s31  }
0xd: {  	v0 =	vimm.s32 $0x0;
	v1 =	vimm.s32 $0x1;
	s6 =	sor.u32 $0x4000, s3;
	s7 =	sadd.s32 $0x60E00, s9;
	s9 =	simm.s32 $0x2A00  }
.LBB2_19:
0xe: {  	s16 =	sadd.s32 $0x1, s16  }
0xf: {  	p0 =	sne.s32 s16, s8  }
.Ltmp1:
0x10: {  	_ = 	snop;
	(pc) =	sbr.rel @!p0 .LBB2_20-.Ltmp1, $4  }
0x11: {  	[hbm4b:s7+s13] =	stream.strided.scatter [tilespmem:s2], [sflag:$0x3], $0x2A00, s14, s13, $0x38;
	[tilespmem:$0x6A00] =	vst v63  }
0x12: {  	_ =	swait.ge [sflag:s15], $0x2A00  }
0x13: {  	[sflag:s15] =	ssyncset.done $0x0  }
0x14: {  	[sflag:s15] =	ssyncadd.s32 $0xFFFFD600  }
.LBB2_1:
0x15: {  	s17 =	simm.s32 $0x40  }
0x16: {  	[tilespmem:s17+$0xFFFFFFC0] =	vst v0  }
0x17: {  	[tilespmem:s17+$0x30] =	vst v0  }
0x18: {  	[tilespmem:s17+$0x20] =	vst v0  }
0x19: {  	[tilespmem:s17+$0x10] =	vst v0  }
0x1a: {  	[tilespmem:s17+$0x0] =	vst v0  }
0x1b: {  	[tilespmem:s17+$0xFFFFFFF0] =	vst v0  }
0x1c: {  	s18 =	simm.s32 $0x0;
	[tilespmem:s17+$0xFFFFFFE0] =	vst v0  }
.LBB2_2:
0x1d: {  	s18 =	sadd.s32 $0x8, s18;
	[tilespmem:s17+$0xFFFFFFD0] =	vst v0;
	s17 =	sadd.s32 $0x80, s17  }
0x1e: {  	[tilespmem:s17+$0xFFFFFFC0] =	vst v0;
	p0 =	slt.u32 s18, $0x298  }
0x1f: {  	[tilespmem:s17+$0x30] =	vst v0  }
.Ltmp2:
0x20: {  	[tilespmem:s17+$0x20] =	vst v0;
	(pc) =	sbr.rel @p0 .LBB2_2-.Ltmp2, $4  }
0x21: {  	[tilespmem:s17+$0x10] =	vst v0  }
0x22: {  	[tilespmem:s17+$0x0] =	vst v0  }
0x23: {  	[tilespmem:s17+$0xFFFFFFF0] =	vst v0  }
0x24: {  	[tilespmem:s17+$0xFFFFFFE0] =	vst v0  }
.Ltmp3:
0x25: {  	(pc) =	sbr.rel .LBB2_4-.Ltmp3, $3  }
0x26: {  	_ =	sdelay $0x1  }
0x27: {  	[tilespmem:s17+$0xFFFFFFD0] =	vst v0;
	s17 =	simm.s32 $0x0  }
0x28: {  	[tilespmem:s9], [sflag:$0x1] =	stream.linear.gather [hbm4b:s5+s17], $0x2000, $0x38;
	[tilespmem:$0x6A00] =	vst v63  }
.LBB2_17:
0x29: {  	_ =	sdelay $0x3  }
0x2a: {  	[tilespmem:v17+s2+$0x0] =	vst.idx.add.s32.msk $0xffff, v1  }
0x2b: {  	[tilespmem:v27+s2+$0x0] =	vst.idx.add.s32.msk $0xffff, v1  }
0x2c: {  	[tilespmem:v22+s2+$0x0] =	vst.idx.add.s32.msk $0xffff, v1  }
0x2d: {  	[tilespmem:v28+s2+$0x0] =	vst.idx.add.s32.msk $0xffff, v1  }
0x2e: {  	[tilespmem:v24+s2+$0x0] =	vst.idx.add.s32.msk $0xffff, v1  }
0x2f: {  	[tilespmem:v23+s2+$0x0] =	vst.idx.add.s32.msk $0xffff, v1  }
0x30: {  	[tilespmem:v19+s2+$0x0] =	vst.idx.add.s32.msk $0xffff, v1  }
0x31: {  	v11 =	vor.u32 v8, v26;
	[tilespmem:v18+s2+$0x0] =	vst.idx.add.s32.msk $0xffff, v1  }
0x32: {  	v60 =	vor.u32 v8, v30;
	[tilespmem:v21+s2+$0x0] =	vst.idx.add.s32.msk $0xffff, v1  }
0x33: {  	v61 =	vor.u32 v3, v29;
	[tilespmem:v13+s2+$0x0] =	vst.idx.add.s32.msk $0xffff, v1  }
0x34: {  	v62 =	vor.u32 v3, v9;
	[tilespmem:v14+s2+$0x0] =	vst.idx.add.s32.msk $0xffff, v1  }
0x35: {  	v4 =	vor.u32 v2, v4;
	[tilespmem:v15+s2+$0x0] =	vst.idx.add.s32.msk $0xffff, v1  }
0x36: {  	v3 =	vor.u32 v3, v10;
	[tilespmem:v11+s2+$0x0] =	vst.idx.add.s32.msk $0xffff, v1  }
0x37: {  	[tilespmem:v60+s2+$0x0] =	vst.idx.add.s32.msk $0xffff, v1  }
0x38: {  	v63 =	vshrl.u32 v12, $0x18;
	[tilespmem:v61+s2+$0x0] =	vst.idx.add.s32.msk $0xffff, v1  }
0x39: {  	v9 =	vor.u32 v2, v63;
	[tilespmem:v62+s2+$0x0] =	vst.idx.add.s32.msk $0xffff, v1  }
0x3a: {  	v16 =	vor.u32 v2, v16;
	v6 =	vor.u32 v2, v6;
	[tilespmem:v4+s2+$0x0] =	vst.idx.add.s32.msk $0xffff, v1  }
0x3b: {  	v7 =	vor.u32 v2, v7;
	v2 =	vor.u32 v2, v5;
	[tilespmem:v3+s2+$0x0] =	vst.idx.add.s32.msk $0xffff, v1  }
0x3c: {  	[tilespmem:v20+s2+$0x0] =	vst.idx.add.s32.msk $0xffff, v1  }
0x3d: {  	[tilespmem:v25+s2+$0x0] =	vst.idx.add.s32.msk $0xffff, v1  }
0x3e: {  	[tilespmem:v9+s2+$0x0] =	vst.idx.add.s32.msk $0xffff, v1  }
0x3f: {  	[tilespmem:v6+s2+$0x0] =	vst.idx.add.s32.msk $0xffff, v1  }
0x40: {  	[tilespmem:v2+s2+$0x0] =	vst.idx.add.s32.msk $0xffff, v1  }
0x41: {  	[tilespmem:v16+s2+$0x0] =	vst.idx.add.s32.msk $0xffff, v1  }
0x42: {  	[tilespmem:v7+s2+$0x0] =	vst.idx.add.s32.msk $0xffff, v1  }
.LBB2_18:
0x43: {  	s17 =	sadd.s32 $0x1, s17  }
0x44: {  	p0 =	sne.s32 s17, $0x6  }
.Ltmp4:
0x45: {  	_ = 	snop;
	(pc) =	sbr.rel @!p0 .LBB2_19-.Ltmp4, $1  }
0x46: {  	_ =	sdelay $0x3  }
.LBB2_4:
0x47: {  	s18 =	sshll.u32 s17, $0xE  }
0x48: {  	s19 =	sadd.s32 s3, s18  }
0x49: {  	s20 =	sshrl.u32 s19, $0xF  }
0x4a: {  	s21 =	smulhi.u32 $0x2AAAAAAB, s20;
	_ =	sdelay $0x1  }
0x4b: {  	s21 =	smul.u32 $0x6, s21;
	_ =	sdelay $0x1  }
0x4c: {  	s19 =	sadd.s32 $0x2000, s19;
	s20 =	ssub.s32 s20, s21  }
0x4d: {  	s22 =	sshrl.u32 s19, $0x3;
	p0 =	sne.s32 s20, $0x5  }
.Ltmp5:
0x4e: {  	s22 =	sadd.s32 s4, s22;
	(pc) =	sbr.rel @p0 .LBB2_8-.Ltmp5, $4  }
0x4f: {  	[tilespmem:s10], [sflag:$0x2] =	stream.linear.gather [hbm4b:s22+s2], $0x2000, $0x38;
	[tilespmem:$0x6A00] =	vst v63  }
0x50: {  	_ =	swait.ge [sflag:s11], $0x2000  }
0x51: {  	[sflag:s11] =	ssyncset.done $0x0  }
0x52: {  	[sflag:s11] =	ssyncadd.s32 $0xFFFFE000  }
0x53: {  	s20 =	simm.s32 $0x2A40  }
0x54: {  	v2 =	vld [tilespmem:s20+$0x30]  }
0x55: {  	v3 =	vld [tilespmem:s20+$0xFFFFFFD0];
	_ =	sdelay $0x2  }
0x56: {  	v4 =	vld [tilespmem:s20+$0xFFFFFFE0]  }
0x57: {  	v5 =	vand.u32 $0xFF, v2  }
0x58: {  	v6 =	vld [tilespmem:s20+$0xFFFFFFF0];
	v7 =	vand.u32 $0xFF, v3;
	v5 =	vor.u32 $0x1400, v5  }
0x59: {  	v8 =	vld [tilespmem:s20+$0xFFFFFFC0];
	v7 =	vor.u32 $0x1400, v7  }
0x5a: {  	v9 =	vld [tilespmem:s20+$0x0];
	v2 =	vshrl.u32 v2, $0x8  }
0x5b: {  	v10 =	vld [tilespmem:s20+$0x10];
	v3 =	vshrl.u32 v3, $0x8;
	v11 =	vand.u32 $0xFF, v4  }
0x5c: {  	v12 =	vld [tilespmem:s20+$0x20];
	v11 =	vor.u32 $0x1400, v11  }
0x5d: {  	v4 =	vshrl.u32 v4, $0x8;
	v13 =	vand.u32 $0xFF, v6;
	[tilespmem:v5+s2+$0x0] =	vst.idx.add.s32.msk $0xffff, v1  }
0x5e: {  	v62 =	vand.u32 $0xFF, v8;
	v5 =	vor.u32 $0x1400, v13;
	[tilespmem:v7+s2+$0x0] =	vst.idx.add.s32.msk $0xffff, v1  }
0x5f: {  	[tilespmem:v2+s2+$0x0] =	vst.idx.add.s32.msk $0xffff, v1;
	v2 =	vor.u32 $0x1400, v62  }
0x60: {  	[tilespmem:v3+s2+$0x0] =	vst.idx.add.s32.msk $0xffff, v1;
	v3 =	vshrl.u32 v6, $0x8  }
0x61: {  	v7 =	vshrl.u32 v8, $0x8;
	[tilespmem:v11+s2+$0x0] =	vst.idx.add.s32.msk $0xffff, v1;
	v6 =	vand.u32 $0xFF, v9  }
0x62: {  	[tilespmem:v4+s2+$0x0] =	vst.idx.add.s32.msk $0xffff, v1;
	v6 =	vor.u32 $0x1400, v6  }
0x63: {  	v63 =	vand.u32 $0xFF, v10;
	v4 =	vshrl.u32 v9, $0x8;
	[tilespmem:v5+s2+$0x0] =	vst.idx.add.s32.msk $0xffff, v1  }
0x64: {  	v5 =	vor.u32 $0x1400, v63;
	[tilespmem:v2+s2+$0x0] =	vst.idx.add.s32.msk $0xffff, v1  }
0x65: {  	[tilespmem:v3+s2+$0x0] =	vst.idx.add.s32.msk $0xffff, v1  }
0x66: {  	[tilespmem:v7+s2+$0x0] =	vst.idx.add.s32.msk $0xffff, v1  }
0x67: {  	[tilespmem:v6+s2+$0x0] =	vst.idx.add.s32.msk $0xffff, v1  }
0x68: {  	v3 =	vand.u32 $0xFF, v12;
	[tilespmem:v4+s2+$0x0] =	vst.idx.add.s32.msk $0xffff, v1  }
0x69: {  	s21 =	simm.s32 $0x2AC0;
	s20 =	simm.s32 $0x0;
	v2 =	vshrl.u32 v10, $0x8;
	v3 =	vor.u32 $0x1400, v3;
	v4 =	vshrl.u32 v12, $0x8;
	[tilespmem:v5+s2+$0x0] =	vst.idx.add.s32.msk $0xffff, v1  }
.LBB2_6:
0x6a: {  	v5 =	vld [tilespmem:s21+$0x30]  }
0x6b: {  	s20 =	sadd.s32 $0x8, s20;
	v6 =	vld [tilespmem:s21+$0xFFFFFFD0]  }
0x6c: {  	p0 =	slt.u32 s20, $0x1F8;
	v7 =	vld [tilespmem:s21+$0xFFFFFFE0]  }
0x6d: {  	v8 =	vld [tilespmem:s21+$0xFFFFFFF0]  }
0x6e: {  	v9 =	vld [tilespmem:s21+$0x0]  }
0x6f: {  	v10 =	vld [tilespmem:s21+$0x10];
	v11 =	vand.u32 $0xFF, v5  }
0x70: {  	v12 =	vshrl.u32 v6, $0x8;
	v6 =	vand.u32 $0xFF, v6;
	v13 =	vld [tilespmem:s21+$0x20];
	v11 =	vor.u32 $0x1400, v11  }
0x71: {  	v5 =	vshrl.u32 v5, $0x8;
	v14 =	vld [tilespmem:s21+$0xFFFFFFC0];
	v6 =	vor.u32 $0x1400, v6;
	v15 =	vand.u32 $0xFF, v7  }
0x72: {  	v7 =	vshrl.u32 v7, $0x8;
	v15 =	vor.u32 $0x1400, v15;
	v16 =	vand.u32 $0xFF, v8;
	[tilespmem:v2+s2+$0x0] =	vst.idx.add.s32.msk $0xffff, v1  }
0x73: {  	v8 =	vshrl.u32 v8, $0x8;
	v16 =	vor.u32 $0x1400, v16;
	v2 =	vand.u32 $0xFF, v9;
	[tilespmem:v3+s2+$0x0] =	vst.idx.add.s32.msk $0xffff, v1  }
0x74: {  	v9 =	vshrl.u32 v9, $0x8;
	v17 =	vor.u32 $0x1400, v2;
	v3 =	vand.u32 $0xFF, v10;
	[tilespmem:v4+s2+$0x0] =	vst.idx.add.s32.msk $0xffff, v1  }
0x75: {  	v2 =	vshrl.u32 v10, $0x8;
	v10 =	vor.u32 $0x1400, v3;
	v3 =	vand.u32 $0xFF, v13;
	[tilespmem:v11+s2+$0x0] =	vst.idx.add.s32.msk $0xffff, v1  }
0x76: {  	v11 =	vshrl.u32 v14, $0x8;
	v4 =	vand.u32 $0xFF, v14;
	v3 =	vor.u32 $0x1400, v3;
	[tilespmem:v5+s2+$0x0] =	vst.idx.add.s32.msk $0xffff, v1  }
0x77: {  	v5 =	vor.u32 $0x1400, v4;
	[tilespmem:v6+s2+$0x0] =	vst.idx.add.s32.msk $0xffff, v1;
	v4 =	vshrl.u32 v13, $0x8  }
0x78: {  	[tilespmem:v12+s2+$0x0] =	vst.idx.add.s32.msk $0xffff, v1  }
0x79: {  	[tilespmem:v15+s2+$0x0] =	vst.idx.add.s32.msk $0xffff, v1  }
0x7a: {  	[tilespmem:v7+s2+$0x0] =	vst.idx.add.s32.msk $0xffff, v1  }
0x7b: {  	[tilespmem:v16+s2+$0x0] =	vst.idx.add.s32.msk $0xffff, v1  }
0x7c: {  	[tilespmem:v5+s2+$0x0] =	vst.idx.add.s32.msk $0xffff, v1  }
.Ltmp6:
0x7d: {  	[tilespmem:v11+s2+$0x0] =	vst.idx.add.s32.msk $0xffff, v1;
	(pc) =	sbr.rel @p0 .LBB2_6-.Ltmp6, $4  }
0x7e: {  	[tilespmem:v8+s2+$0x0] =	vst.idx.add.s32.msk $0xffff, v1  }
0x7f: {  	[tilespmem:v17+s2+$0x0] =	vst.idx.add.s32.msk $0xffff, v1  }
0x80: {  	[tilespmem:v9+s2+$0x0] =	vst.idx.add.s32.msk $0xffff, v1  }
0x81: {  	s21 =	sadd.s32 $0x80, s21;
	[tilespmem:v10+s2+$0x0] =	vst.idx.add.s32.msk $0xffff, v1  }
0x82: {  	_ =	sdelay $0x1  }
.Ltmp7:
0x83: {  	_ = 	snop;
	(pc) =	sbr.rel .LBB2_11-.Ltmp7, $4  }
0x84: {  	_ = 	snop  }
0x85: {  	[tilespmem:v2+s2+$0x0] =	vst.idx.add.s32.msk $0xffff, v1  }
0x86: {  	[tilespmem:v3+s2+$0x0] =	vst.idx.add.s32.msk $0xffff, v1  }
0x87: {  	[tilespmem:v4+s2+$0x0] =	vst.idx.add.s32.msk $0xffff, v1  }
.LBB2_8:
0x88: {  	s21 =	simm.s32 $0x2A40  }
0x89: {  	v14 =	vld [tilespmem:s21+$0xFFFFFFD0]  }
0x8a: {  	v12 =	vld [tilespmem:s21+$0xFFFFFFE0]  }
0x8b: {  	v13 =	vld [tilespmem:s21+$0x0]  }
0x8c: {  	v15 =	vld [tilespmem:s21+$0x10]  }
0x8d: {  	v16 =	vld [tilespmem:s21+$0x30]  }
0x8e: {  	s20 =	sshll.u32 s20, $0xA;
	v18 =	vld [tilespmem:s21+$0xFFFFFFC0]  }
0x8f: {  	v11 =	vmov s20;
	v21 =	vld [tilespmem:s21+$0x20]  }
0x90: {  	v8 =	vor.u32 $0x100, v11;
	v3 =	vor.u32 $0x200, v11  }
0x91: {  	v2 =	vor.u32 $0x300, v11;
	v4 =	vshrl.u32 v14, $0x18;
	v7 =	vshrl.u32 v12, $0x10  }
0x92: {  	v5 =	vshrl.u32 v12, $0x18;
	v9 =	vshrl.u32 v13, $0x10;
	v6 =	vshrl.u32 v13, $0x18  }
0x93: {  	v17 =	vshrl.u32 v16, $0x8;
	v19 =	vshrl.u32 v16, $0x10;
	v20 =	vshrl.u32 v18, $0x10  }
0x94: {  	v22 =	vshrl.u32 v16, $0x18;
	v30 =	vshrl.u32 v15, $0x8;
	v26 =	vshrl.u32 v21, $0x8  }
0x95: {  	v27 =	vand.u32 $0xFF, v21;
	v31 =	vshrl.u32 v15, $0x10;
	v33 =	vshrl.u32 v12, $0x8  }
0x96: {  	v34 =	vand.u32 $0xFF, v12;
	v10 =	vand.u32 $0xFF, v7;
	v9 =	vand.u32 $0xFF, v9  }
0x97: {  	v7 =	vshrl.u32 v15, $0x18;
	v23 =	vand.u32 $0xFF, v17;
	v17 =	vand.u32 $0xFF, v20  }
0x98: {  	v19 =	vand.u32 $0xFF, v19;
	v25 =	vor.u32 v2, v22;
	v20 =	vshrl.u32 v18, $0x18  }
0x99: {  	v15 =	vand.u32 $0xFF, v15;
	v22 =	vshrl.u32 v13, $0x8;
	v13 =	vand.u32 $0xFF, v13  }
0x9a: {  	v26 =	vand.u32 $0xFF, v26;
	v27 =	vor.u32 v11, v27;
	v31 =	vand.u32 $0xFF, v31  }
0x9b: {  	v17 =	vor.u32 v3, v17;
	v23 =	vor.u32 v8, v23;
	v28 =	vor.u32 v3, v19  }
0x9c: {  	v19 =	vshrl.u32 v18, $0x8;
	v18 =	vand.u32 $0xFF, v18;
	v29 =	vor.u32 v11, v13  }
0x9d: {  	v24 =	vor.u32 v11, v18;
	v18 =	vor.u32 v2, v20;
	v20 =	vand.u32 $0xFF, v16  }
0x9e: {  	v32 =	vand.u32 $0xFF, v22;
	v19 =	vand.u32 $0xFF, v19;
	v35 =	vor.u32 v11, v20  }
0x9f: {  	v12 =	vld [tilespmem:s21+$0xFFFFFFF0];
	v13 =	vshrl.u32 v14, $0x8;
	v22 =	vand.u32 $0xFF, v14;
	v36 =	vor.u32 v8, v19  }
0xa0: {  	v14 =	vshrl.u32 v14, $0x10;
	v16 =	vshrl.u32 v21, $0x18;
	v21 =	vshrl.u32 v21, $0x10  }
0xa1: {  	v22 =	vor.u32 v11, v22;
	v13 =	vand.u32 $0xFF, v13;
	v21 =	vand.u32 $0xFF, v21;
	[tilespmem:v29+s2+$0x0] =	vst.idx.add.s32.msk $0xffff, v1  }
0xa2: {  	v13 =	vor.u32 v8, v13;
	v20 =	vor.u32 v3, v21;
	v21 =	vand.u32 $0xFF, v33;
	[tilespmem:v24+s2+$0x0] =	vst.idx.add.s32.msk $0xffff, v1  }
0xa3: {  	v62 =	vand.u32 $0xFF, v14;
	v19 =	vor.u32 v11, v34;
	v14 =	vor.u32 v8, v21;
	[tilespmem:v35+s2+$0x0] =	vst.idx.add.s32.msk $0xffff, v1  }
0xa4: {  	v21 =	vshrl.u32 v12, $0x10;
	v24 =	vor.u32 v11, v15;
	v15 =	vshrl.u32 v12, $0x8;
	[tilespmem:v36+s2+$0x0] =	vst.idx.add.s32.msk $0xffff, v1  }
0xa5: {  	v29 =	vand.u32 $0xFF, v12;
	v63 =	vand.u32 $0xFF, v15;
	v15 =	vor.u32 v3, v62;
	[tilespmem:v23+s2+$0x0] =	vst.idx.add.s32.msk $0xffff, v1  }
0xa6: {  	v23 =	vor.u32 v11, v29;
	v29 =	vand.u32 $0xFF, v21;
	v21 =	vor.u32 v8, v63;
	[tilespmem:v28+s2+$0x0] =	vst.idx.add.s32.msk $0xffff, v1  }
0xa7: {  	s20 =	simm.s32 $0x0;
	s21 =	simm.s32 $0x2AC0;
	v30 =	vand.u32 $0xFF, v30;
	v28 =	vor.u32 v8, v32;
	[tilespmem:v25+s2+$0x0] =	vst.idx.add.s32.msk $0xffff, v1;
	v25 =	vor.u32 v3, v31  }
.LBB2_9:
0xa8: {  	s20 =	sadd.s32 $0x8, s20;
	[tilespmem:v17+s2+$0x0] =	vst.idx.add.s32.msk $0xffff, v1;
	v17 =	vor.u32 v8, v30  }
0xa9: {  	v30 =	vshrl.u32 v12, $0x18;
	v29 =	vor.u32 v3, v29;
	p0 =	slt.u32 s20, $0x1F8;
	v12 =	vld [tilespmem:s21+$0xFFFFFFF0]  }
0xaa: {  	v30 =	vor.u32 v2, v30;
	[tilespmem:v27+s2+$0x0] =	vst.idx.add.s32.msk $0xffff, v1  }
0xab: {  	[tilespmem:v18+s2+$0x0] =	vst.idx.add.s32.msk $0xffff, v1  }
0xac: {  	v27 =	vld [tilespmem:s21+$0xFFFFFFD0]  }
0xad: {  	v31 =	vld [tilespmem:s21+$0xFFFFFFE0]  }
0xae: {  	v18 =	vor.u32 v8, v26;
	v32 =	vld [tilespmem:s21+$0x0]  }
0xaf: {  	v26 =	vld [tilespmem:s21+$0x10]  }
0xb0: {  	v33 =	vld [tilespmem:s21+$0x20]  }
0xb1: {  	v34 =	vshrl.u32 v27, $0x18;
	v35 =	vld [tilespmem:s21+$0x30]  }
0xb2: {  	v36 =	vld [tilespmem:s21+$0xFFFFFFC0];
	v37 =	vshrl.u32 v31, $0x10;
	v38 =	vshrl.u32 v31, $0x18  }
0xb3: {  	v16 =	vor.u32 v2, v16;
	v39 =	vshrl.u32 v32, $0x10;
	v40 =	vshrl.u32 v32, $0x18;
	[tilespmem:v22+s2+$0x0] =	vst.idx.add.s32.msk $0xffff, v1  }
0xb4: {  	v22 =	vand.u32 $0xFF, v37;
	v37 =	vand.u32 $0xFF, v39;
	v39 =	vshrl.u32 v26, $0x18;
	[tilespmem:v18+s2+$0x0] =	vst.idx.add.s32.msk $0xffff, v1  }
0xb5: {  	[tilespmem:v28+s2+$0x0] =	vst.idx.add.s32.msk $0xffff, v1  }
0xb6: {  	v18 =	vshrl.u32 v35, $0x8;
	v28 =	vshrl.u32 v35, $0x10;
	v41 =	vshrl.u32 v35, $0x18;
	[tilespmem:v20+s2+$0x0] =	vst.idx.add.s32.msk $0xffff, v1  }
0xb7: {  	v20 =	vshrl.u32 v36, $0x10;
	v18 =	vand.u32 $0xFF, v18;
	v28 =	vand.u32 $0xFF, v28;
	[tilespmem:v24+s2+$0x0] =	vst.idx.add.s32.msk $0xffff, v1  }
0xb8: {  	v20 =	vand.u32 $0xFF, v20;
	[tilespmem:v16+s2+$0x0] =	vst.idx.add.s32.msk $0xffff, v1  }
0xb9: {  	[tilespmem:v17+s2+$0x0] =	vst.idx.add.s32.msk $0xffff, v1  }
0xba: {  	v16 =	vor.u32 v3, v9;
	v9 =	vmov v37;
	[tilespmem:v25+s2+$0x0] =	vst.idx.add.s32.msk $0xffff, v1  }
0xbb: {  	[tilespmem:v23+s2+$0x0] =	vst.idx.add.s32.msk $0xffff, v1;
	v23 =	vor.u32 v2, v7;
	v7 =	vmov v39  }
0xbc: {  	v24 =	vor.u32 v2, v4;
	v4 =	vmov v34;
	[tilespmem:v19+s2+$0x0] =	vst.idx.add.s32.msk $0xffff, v1;
	v19 =	vor.u32 v2, v5  }
0xbd: {  	v25 =	vor.u32 v3, v10;
	v5 =	vmov v38;
	[tilespmem:v21+s2+$0x0] =	vst.idx.add.s32.msk $0xffff, v1;
	v21 =	vor.u32 v2, v6  }
0xbe: {  	v34 =	vor.u32 v2, v41;
	v17 =	vor.u32 v3, v20;
	v6 =	vmov v40;
	[tilespmem:v29+s2+$0x0] =	vst.idx.add.s32.msk $0xffff, v1  }
0xbf: {  	v37 =	vshrl.u32 v26, $0x8;
	v28 =	vor.u32 v3, v28;
	v29 =	vor.u32 v8, v18;
	[tilespmem:v16+s2+$0x0] =	vst.idx.add.s32.msk $0xffff, v1  }
0xc0: {  	v20 =	vshrl.u32 v36, $0x8;
	v10 =	vmovc v22;
	v18 =	vand.u32 $0xFF, v36;
	v16 =	vshrl.u32 v36, $0x18;
	[tilespmem:v23+s2+$0x0] =	vst.idx.add.s32.msk $0xffff, v1  }
0xc1: {  	v22 =	vand.u32 $0xFF, v35;
	v23 =	vor.u32 v11, v18;
	v18 =	vor.u32 v2, v16;
	[tilespmem:v30+s2+$0x0] =	vst.idx.add.s32.msk $0xffff, v1  }
0xc2: {  	v35 =	vand.u32 $0xFF, v33;
	v16 =	vshrl.u32 v33, $0x18;
	v30 =	vshrl.u32 v33, $0x8;
	[tilespmem:v13+s2+$0x0] =	vst.idx.add.s32.msk $0xffff, v1  }
0xc3: {  	v38 =	vand.u32 $0xFF, v26;
	v36 =	vshrl.u32 v26, $0x10;
	v13 =	vshrl.u32 v33, $0x10;
	[tilespmem:v21+s2+$0x0] =	vst.idx.add.s32.msk $0xffff, v1  }
0xc4: {  	v26 =	vand.u32 $0xFF, v32;
	v21 =	vshrl.u32 v32, $0x8;
	v13 =	vand.u32 $0xFF, v13;
	[tilespmem:v14+s2+$0x0] =	vst.idx.add.s32.msk $0xffff, v1  }
0xc5: {  	v32 =	vor.u32 v11, v26;
	v14 =	vand.u32 $0xFF, v20;
	v33 =	vand.u32 $0xFF, v21;
	[tilespmem:v15+s2+$0x0] =	vst.idx.add.s32.msk $0xffff, v1  }
0xc6: {  	v21 =	vand.u32 $0xFF, v31;
	v15 =	vshrl.u32 v31, $0x8;
	v31 =	vor.u32 v11, v22;
	[tilespmem:v24+s2+$0x0] =	vst.idx.add.s32.msk $0xffff, v1  }
0xc7: {  	v20 =	vor.u32 v3, v13;
	v22 =	vand.u32 $0xFF, v27;
	v24 =	vshrl.u32 v27, $0x8;
	[tilespmem:v25+s2+$0x0] =	vst.idx.add.s32.msk $0xffff, v1  }
0xc8: {  	v22 =	vor.u32 v11, v22;
	v25 =	vor.u32 v8, v14;
	v13 =	vand.u32 $0xFF, v24;
	[tilespmem:v19+s2+$0x0] =	vst.idx.add.s32.msk $0xffff, v1  }
0xc9: {  	v26 =	vand.u32 $0xFF, v30;
	v14 =	vand.u32 $0xFF, v15;
	v13 =	vor.u32 v8, v13;
	[tilespmem:v23+s2+$0x0] =	vst.idx.add.s32.msk $0xffff, v1  }
0xca: {  	v15 =	vshrl.u32 v27, $0x10;
	v27 =	vor.u32 v11, v35;
	v19 =	vor.u32 v11, v21;
	[tilespmem:v32+s2+$0x0] =	vst.idx.add.s32.msk $0xffff, v1  }
.Ltmp8:
0xcb: {  	v24 =	vor.u32 v11, v38;
	v15 =	vand.u32 $0xFF, v15;
	v14 =	vor.u32 v8, v14;
	[tilespmem:v31+s2+$0x0] =	vst.idx.add.s32.msk $0xffff, v1;
	(pc) =	sbr.rel @p0 .LBB2_9-.Ltmp8, $4  }
0xcc: {  	v30 =	vshrl.u32 v12, $0x10;
	v21 =	vshrl.u32 v12, $0x8;
	v23 =	vand.u32 $0xFF, v12;
	[tilespmem:v29+s2+$0x0] =	vst.idx.add.s32.msk $0xffff, v1  }
0xcd: {  	v21 =	vand.u32 $0xFF, v21;
	v23 =	vor.u32 v11, v23;
	v29 =	vand.u32 $0xFF, v30;
	[tilespmem:v28+s2+$0x0] =	vst.idx.add.s32.msk $0xffff, v1  }
0xce: {  	v15 =	vor.u32 v3, v15;
	v21 =	vor.u32 v8, v21;
	v31 =	vand.u32 $0xFF, v36;
	[tilespmem:v34+s2+$0x0] =	vst.idx.add.s32.msk $0xffff, v1  }
0xcf: {  	s21 =	sadd.s32 $0x80, s21;
	v30 =	vand.u32 $0xFF, v37;
	v28 =	vor.u32 v8, v33;
	[tilespmem:v25+s2+$0x0] =	vst.idx.add.s32.msk $0xffff, v1;
	v25 =	vor.u32 v3, v31  }
0xd0: {  	_ =	sdelay $0x3  }
0xd1: {  	[tilespmem:v17+s2+$0x0] =	vst.idx.add.s32.msk $0xffff, v1  }
0xd2: {  	[tilespmem:v27+s2+$0x0] =	vst.idx.add.s32.msk $0xffff, v1  }
0xd3: {  	[tilespmem:v22+s2+$0x0] =	vst.idx.add.s32.msk $0xffff, v1  }
0xd4: {  	[tilespmem:v28+s2+$0x0] =	vst.idx.add.s32.msk $0xffff, v1  }
0xd5: {  	[tilespmem:v24+s2+$0x0] =	vst.idx.add.s32.msk $0xffff, v1  }
0xd6: {  	[tilespmem:v23+s2+$0x0] =	vst.idx.add.s32.msk $0xffff, v1  }
0xd7: {  	[tilespmem:v19+s2+$0x0] =	vst.idx.add.s32.msk $0xffff, v1  }
0xd8: {  	v11 =	vor.u32 v8, v26;
	[tilespmem:v18+s2+$0x0] =	vst.idx.add.s32.msk $0xffff, v1  }
0xd9: {  	v60 =	vor.u32 v8, v30;
	[tilespmem:v21+s2+$0x0] =	vst.idx.add.s32.msk $0xffff, v1  }
0xda: {  	v61 =	vor.u32 v3, v29;
	[tilespmem:v13+s2+$0x0] =	vst.idx.add.s32.msk $0xffff, v1  }
0xdb: {  	v62 =	vor.u32 v3, v9;
	[tilespmem:v14+s2+$0x0] =	vst.idx.add.s32.msk $0xffff, v1  }
0xdc: {  	v4 =	vor.u32 v2, v4;
	[tilespmem:v15+s2+$0x0] =	vst.idx.add.s32.msk $0xffff, v1  }
0xdd: {  	v3 =	vor.u32 v3, v10;
	[tilespmem:v11+s2+$0x0] =	vst.idx.add.s32.msk $0xffff, v1  }
0xde: {  	[tilespmem:v60+s2+$0x0] =	vst.idx.add.s32.msk $0xffff, v1  }
0xdf: {  	v63 =	vshrl.u32 v12, $0x18;
	[tilespmem:v61+s2+$0x0] =	vst.idx.add.s32.msk $0xffff, v1  }
0xe0: {  	v9 =	vor.u32 v2, v63;
	[tilespmem:v62+s2+$0x0] =	vst.idx.add.s32.msk $0xffff, v1  }
0xe1: {  	v16 =	vor.u32 v2, v16;
	v6 =	vor.u32 v2, v6;
	[tilespmem:v4+s2+$0x0] =	vst.idx.add.s32.msk $0xffff, v1  }
0xe2: {  	v7 =	vor.u32 v2, v7;
	v2 =	vor.u32 v2, v5;
	[tilespmem:v3+s2+$0x0] =	vst.idx.add.s32.msk $0xffff, v1  }
0xe3: {  	[tilespmem:v20+s2+$0x0] =	vst.idx.add.s32.msk $0xffff, v1  }
0xe4: {  	[tilespmem:v25+s2+$0x0] =	vst.idx.add.s32.msk $0xffff, v1  }
0xe5: {  	[tilespmem:v9+s2+$0x0] =	vst.idx.add.s32.msk $0xffff, v1  }
0xe6: {  	[tilespmem:v6+s2+$0x0] =	vst.idx.add.s32.msk $0xffff, v1  }
0xe7: {  	[tilespmem:v2+s2+$0x0] =	vst.idx.add.s32.msk $0xffff, v1  }
0xe8: {  	[tilespmem:v16+s2+$0x0] =	vst.idx.add.s32.msk $0xffff, v1  }
0xe9: {  	[tilespmem:v7+s2+$0x0] =	vst.idx.add.s32.msk $0xffff, v1  }
.LBB2_11:
0xea: {  	p0 =	seq.s32 s17, $0x5;
	s19 =	sshrl.u32 s19, $0xF  }
0xeb: {  	s18 =	sadd.s32 @!p0 s18, s6;
	s20 =	smulhi.u32 $0x2AAAAAAB, s19  }
0xec: {  	s21 =	simm.s32 @!p0 $0x0;
	s18 =	sshrl.u32 @!p0 s18, $0x3  }
0xed: {  	s22 =	simm.s32 @!p0 $0x2A00;
	s18 =	sadd.s32 @!p0 s4, s18;
	s20 =	smul.u32 $0x6, s20  }
0xee: {  	[tilespmem:s22], [sflag:$0x1] =	stream.linear.gather @!p0 [hbm4b:s18+s21], $0x2000, $0x38;
	[tilespmem:$0x6A00] =	vst v63  }
0xef: {  	s18 =	ssub.s32 s19, s20  }
0xf0: {  	p0 =	sne.s32 s18, $0x5  }
.Ltmp9:
0xf1: {  	_ = 	snop;
	(pc) =	sbr.rel @p0 .LBB2_15-.Ltmp9, $4  }
0xf2: {  	_ = 	snop  }
0xf3: {  	_ =	swait.ge [sflag:s12], $0x2000  }
0xf4: {  	[sflag:s12] =	ssyncset.done $0x0  }
0xf5: {  	[sflag:s12] =	ssyncadd.s32 $0xFFFFE000  }
0xf6: {  	s18 =	simm.s32 $0x4A40  }
0xf7: {  	v2 =	vld [tilespmem:s18+$0x30]  }
0xf8: {  	v3 =	vld [tilespmem:s18+$0xFFFFFFD0];
	_ =	sdelay $0x2  }
0xf9: {  	v4 =	vld [tilespmem:s18+$0xFFFFFFE0]  }
0xfa: {  	v5 =	vand.u32 $0xFF, v2  }
0xfb: {  	v6 =	vld [tilespmem:s18+$0xFFFFFFF0];
	v7 =	vand.u32 $0xFF, v3;
	v5 =	vor.u32 $0x1400, v5  }
0xfc: {  	v8 =	vld [tilespmem:s18+$0xFFFFFFC0];
	v7 =	vor.u32 $0x1400, v7  }
0xfd: {  	v9 =	vld [tilespmem:s18+$0x0];
	v2 =	vshrl.u32 v2, $0x8  }
0xfe: {  	v10 =	vld [tilespmem:s18+$0x10];
	v3 =	vshrl.u32 v3, $0x8;
	v11 =	vand.u32 $0xFF, v4  }
0xff: {  	v12 =	vld [tilespmem:s18+$0x20];
	v11 =	vor.u32 $0x1400, v11  }
0x100: {  	v4 =	vshrl.u32 v4, $0x8;
	v13 =	vand.u32 $0xFF, v6;
	[tilespmem:v5+s2+$0x0] =	vst.idx.add.s32.msk $0xffff, v1  }
0x101: {  	v62 =	vand.u32 $0xFF, v8;
	v5 =	vor.u32 $0x1400, v13;
	[tilespmem:v7+s2+$0x0] =	vst.idx.add.s32.msk $0xffff, v1  }
0x102: {  	[tilespmem:v2+s2+$0x0] =	vst.idx.add.s32.msk $0xffff, v1;
	v2 =	vor.u32 $0x1400, v62  }
0x103: {  	[tilespmem:v3+s2+$0x0] =	vst.idx.add.s32.msk $0xffff, v1;
	v3 =	vshrl.u32 v6, $0x8  }
0x104: {  	v7 =	vshrl.u32 v8, $0x8;
	[tilespmem:v11+s2+$0x0] =	vst.idx.add.s32.msk $0xffff, v1;
	v6 =	vand.u32 $0xFF, v9  }
0x105: {  	[tilespmem:v4+s2+$0x0] =	vst.idx.add.s32.msk $0xffff, v1;
	v6 =	vor.u32 $0x1400, v6  }
0x106: {  	v63 =	vand.u32 $0xFF, v10;
	v4 =	vshrl.u32 v9, $0x8;
	[tilespmem:v5+s2+$0x0] =	vst.idx.add.s32.msk $0xffff, v1  }
0x107: {  	v5 =	vor.u32 $0x1400, v63;
	[tilespmem:v2+s2+$0x0] =	vst.idx.add.s32.msk $0xffff, v1  }
0x108: {  	[tilespmem:v3+s2+$0x0] =	vst.idx.add.s32.msk $0xffff, v1  }
0x109: {  	[tilespmem:v7+s2+$0x0] =	vst.idx.add.s32.msk $0xffff, v1  }
0x10a: {  	[tilespmem:v6+s2+$0x0] =	vst.idx.add.s32.msk $0xffff, v1  }
0x10b: {  	v3 =	vand.u32 $0xFF, v12;
	[tilespmem:v4+s2+$0x0] =	vst.idx.add.s32.msk $0xffff, v1  }
0x10c: {  	s19 =	simm.s32 $0x4AC0;
	s18 =	simm.s32 $0x0;
	v2 =	vshrl.u32 v10, $0x8;
	v3 =	vor.u32 $0x1400, v3;
	v4 =	vshrl.u32 v12, $0x8;
	[tilespmem:v5+s2+$0x0] =	vst.idx.add.s32.msk $0xffff, v1  }
.LBB2_13:
0x10d: {  	v5 =	vld [tilespmem:s19+$0x30]  }
0x10e: {  	s18 =	sadd.s32 $0x8, s18;
	v6 =	vld [tilespmem:s19+$0xFFFFFFD0]  }
0x10f: {  	p0 =	slt.u32 s18, $0x1F8;
	v7 =	vld [tilespmem:s19+$0xFFFFFFE0]  }
0x110: {  	v8 =	vld [tilespmem:s19+$0xFFFFFFF0]  }
0x111: {  	v9 =	vld [tilespmem:s19+$0x0]  }
0x112: {  	v10 =	vld [tilespmem:s19+$0x10];
	v11 =	vand.u32 $0xFF, v5  }
0x113: {  	v12 =	vshrl.u32 v6, $0x8;
	v6 =	vand.u32 $0xFF, v6;
	v13 =	vld [tilespmem:s19+$0x20];
	v11 =	vor.u32 $0x1400, v11  }
0x114: {  	v5 =	vshrl.u32 v5, $0x8;
	v14 =	vld [tilespmem:s19+$0xFFFFFFC0];
	v6 =	vor.u32 $0x1400, v6;
	v15 =	vand.u32 $0xFF, v7  }
0x115: {  	v7 =	vshrl.u32 v7, $0x8;
	v15 =	vor.u32 $0x1400, v15;
	v16 =	vand.u32 $0xFF, v8;
	[tilespmem:v2+s2+$0x0] =	vst.idx.add.s32.msk $0xffff, v1  }
0x116: {  	v8 =	vshrl.u32 v8, $0x8;
	v16 =	vor.u32 $0x1400, v16;
	v2 =	vand.u32 $0xFF, v9;
	[tilespmem:v3+s2+$0x0] =	vst.idx.add.s32.msk $0xffff, v1  }
0x117: {  	v9 =	vshrl.u32 v9, $0x8;
	v17 =	vor.u32 $0x1400, v2;
	v3 =	vand.u32 $0xFF, v10;
	[tilespmem:v4+s2+$0x0] =	vst.idx.add.s32.msk $0xffff, v1  }
0x118: {  	v2 =	vshrl.u32 v10, $0x8;
	v10 =	vor.u32 $0x1400, v3;
	v3 =	vand.u32 $0xFF, v13;
	[tilespmem:v11+s2+$0x0] =	vst.idx.add.s32.msk $0xffff, v1  }
0x119: {  	v11 =	vshrl.u32 v14, $0x8;
	v4 =	vand.u32 $0xFF, v14;
	v3 =	vor.u32 $0x1400, v3;
	[tilespmem:v5+s2+$0x0] =	vst.idx.add.s32.msk $0xffff, v1  }
0x11a: {  	v5 =	vor.u32 $0x1400, v4;
	[tilespmem:v6+s2+$0x0] =	vst.idx.add.s32.msk $0xffff, v1;
	v4 =	vshrl.u32 v13, $0x8  }
0x11b: {  	[tilespmem:v12+s2+$0x0] =	vst.idx.add.s32.msk $0xffff, v1  }
0x11c: {  	[tilespmem:v15+s2+$0x0] =	vst.idx.add.s32.msk $0xffff, v1  }
0x11d: {  	[tilespmem:v7+s2+$0x0] =	vst.idx.add.s32.msk $0xffff, v1  }
0x11e: {  	[tilespmem:v16+s2+$0x0] =	vst.idx.add.s32.msk $0xffff, v1  }
0x11f: {  	[tilespmem:v5+s2+$0x0] =	vst.idx.add.s32.msk $0xffff, v1  }
.Ltmp10:
0x120: {  	[tilespmem:v11+s2+$0x0] =	vst.idx.add.s32.msk $0xffff, v1;
	(pc) =	sbr.rel @p0 .LBB2_13-.Ltmp10, $4  }
0x121: {  	[tilespmem:v8+s2+$0x0] =	vst.idx.add.s32.msk $0xffff, v1  }
0x122: {  	[tilespmem:v17+s2+$0x0] =	vst.idx.add.s32.msk $0xffff, v1  }
0x123: {  	[tilespmem:v9+s2+$0x0] =	vst.idx.add.s32.msk $0xffff, v1  }
0x124: {  	s19 =	sadd.s32 $0x80, s19;
	[tilespmem:v10+s2+$0x0] =	vst.idx.add.s32.msk $0xffff, v1  }
0x125: {  	_ =	sdelay $0x1  }
.Ltmp11:
0x126: {  	_ = 	snop;
	(pc) =	sbr.rel .LBB2_18-.Ltmp11, $4  }
0x127: {  	_ = 	snop  }
0x128: {  	[tilespmem:v2+s2+$0x0] =	vst.idx.add.s32.msk $0xffff, v1  }
0x129: {  	[tilespmem:v3+s2+$0x0] =	vst.idx.add.s32.msk $0xffff, v1  }
0x12a: {  	[tilespmem:v4+s2+$0x0] =	vst.idx.add.s32.msk $0xffff, v1  }
.LBB2_15:
0x12b: {  	s19 =	simm.s32 $0x4A40  }
0x12c: {  	v14 =	vld [tilespmem:s19+$0xFFFFFFD0]  }
0x12d: {  	v12 =	vld [tilespmem:s19+$0xFFFFFFE0]  }
0x12e: {  	v13 =	vld [tilespmem:s19+$0x0]  }
0x12f: {  	v15 =	vld [tilespmem:s19+$0x10]  }
0x130: {  	v16 =	vld [tilespmem:s19+$0x30]  }
0x131: {  	s18 =	sshll.u32 s18, $0xA;
	v18 =	vld [tilespmem:s19+$0xFFFFFFC0]  }
0x132: {  	v11 =	vmov s18;
	v21 =	vld [tilespmem:s19+$0x20]  }
0x133: {  	v8 =	vor.u32 $0x100, v11;
	v3 =	vor.u32 $0x200, v11  }
0x134: {  	v2 =	vor.u32 $0x300, v11;
	v4 =	vshrl.u32 v14, $0x18;
	v7 =	vshrl.u32 v12, $0x10  }
0x135: {  	v5 =	vshrl.u32 v12, $0x18;
	v9 =	vshrl.u32 v13, $0x10;
	v6 =	vshrl.u32 v13, $0x18  }
0x136: {  	v17 =	vshrl.u32 v16, $0x8;
	v19 =	vshrl.u32 v16, $0x10;
	v20 =	vshrl.u32 v18, $0x10  }
0x137: {  	v22 =	vshrl.u32 v16, $0x18;
	v30 =	vshrl.u32 v15, $0x8;
	v26 =	vshrl.u32 v21, $0x8  }
0x138: {  	v27 =	vand.u32 $0xFF, v21;
	v31 =	vshrl.u32 v15, $0x10;
	v33 =	vshrl.u32 v12, $0x8  }
0x139: {  	v34 =	vand.u32 $0xFF, v12;
	v10 =	vand.u32 $0xFF, v7;
	v9 =	vand.u32 $0xFF, v9  }
0x13a: {  	v7 =	vshrl.u32 v15, $0x18;
	v23 =	vand.u32 $0xFF, v17;
	v17 =	vand.u32 $0xFF, v20  }
0x13b: {  	v19 =	vand.u32 $0xFF, v19;
	v25 =	vor.u32 v2, v22;
	v20 =	vshrl.u32 v18, $0x18  }
0x13c: {  	v15 =	vand.u32 $0xFF, v15;
	v22 =	vshrl.u32 v13, $0x8;
	v13 =	vand.u32 $0xFF, v13  }
0x13d: {  	v26 =	vand.u32 $0xFF, v26;
	v27 =	vor.u32 v11, v27;
	v31 =	vand.u32 $0xFF, v31  }
0x13e: {  	v17 =	vor.u32 v3, v17;
	v23 =	vor.u32 v8, v23;
	v28 =	vor.u32 v3, v19  }
0x13f: {  	v19 =	vshrl.u32 v18, $0x8;
	v18 =	vand.u32 $0xFF, v18;
	v29 =	vor.u32 v11, v13  }
0x140: {  	v24 =	vor.u32 v11, v18;
	v18 =	vor.u32 v2, v20;
	v20 =	vand.u32 $0xFF, v16  }
0x141: {  	v32 =	vand.u32 $0xFF, v22;
	v19 =	vand.u32 $0xFF, v19;
	v35 =	vor.u32 v11, v20  }
0x142: {  	v12 =	vld [tilespmem:s19+$0xFFFFFFF0];
	v13 =	vshrl.u32 v14, $0x8;
	v22 =	vand.u32 $0xFF, v14;
	v36 =	vor.u32 v8, v19  }
0x143: {  	v14 =	vshrl.u32 v14, $0x10;
	v16 =	vshrl.u32 v21, $0x18;
	v21 =	vshrl.u32 v21, $0x10  }
0x144: {  	v22 =	vor.u32 v11, v22;
	v13 =	vand.u32 $0xFF, v13;
	v21 =	vand.u32 $0xFF, v21;
	[tilespmem:v29+s2+$0x0] =	vst.idx.add.s32.msk $0xffff, v1  }
0x145: {  	v13 =	vor.u32 v8, v13;
	v20 =	vor.u32 v3, v21;
	v21 =	vand.u32 $0xFF, v33;
	[tilespmem:v24+s2+$0x0] =	vst.idx.add.s32.msk $0xffff, v1  }
0x146: {  	v62 =	vand.u32 $0xFF, v14;
	v19 =	vor.u32 v11, v34;
	v14 =	vor.u32 v8, v21;
	[tilespmem:v35+s2+$0x0] =	vst.idx.add.s32.msk $0xffff, v1  }
0x147: {  	v21 =	vshrl.u32 v12, $0x10;
	v24 =	vor.u32 v11, v15;
	v15 =	vshrl.u32 v12, $0x8;
	[tilespmem:v36+s2+$0x0] =	vst.idx.add.s32.msk $0xffff, v1  }
0x148: {  	v29 =	vand.u32 $0xFF, v12;
	v63 =	vand.u32 $0xFF, v15;
	v15 =	vor.u32 v3, v62;
	[tilespmem:v23+s2+$0x0] =	vst.idx.add.s32.msk $0xffff, v1  }
0x149: {  	v23 =	vor.u32 v11, v29;
	v29 =	vand.u32 $0xFF, v21;
	v21 =	vor.u32 v8, v63;
	[tilespmem:v28+s2+$0x0] =	vst.idx.add.s32.msk $0xffff, v1  }
0x14a: {  	s18 =	simm.s32 $0x0;
	s19 =	simm.s32 $0x4AC0;
	v30 =	vand.u32 $0xFF, v30;
	v28 =	vor.u32 v8, v32;
	[tilespmem:v25+s2+$0x0] =	vst.idx.add.s32.msk $0xffff, v1;
	v25 =	vor.u32 v3, v31  }
.LBB2_16:
0x14b: {  	s18 =	sadd.s32 $0x8, s18;
	[tilespmem:v17+s2+$0x0] =	vst.idx.add.s32.msk $0xffff, v1;
	v17 =	vor.u32 v8, v30  }
0x14c: {  	v30 =	vshrl.u32 v12, $0x18;
	v29 =	vor.u32 v3, v29;
	p0 =	slt.u32 s18, $0x1F8;
	v12 =	vld [tilespmem:s19+$0xFFFFFFF0]  }
0x14d: {  	v30 =	vor.u32 v2, v30;
	[tilespmem:v27+s2+$0x0] =	vst.idx.add.s32.msk $0xffff, v1  }
0x14e: {  	[tilespmem:v18+s2+$0x0] =	vst.idx.add.s32.msk $0xffff, v1  }
0x14f: {  	v27 =	vld [tilespmem:s19+$0xFFFFFFD0]  }
0x150: {  	v31 =	vld [tilespmem:s19+$0xFFFFFFE0]  }
0x151: {  	v18 =	vor.u32 v8, v26;
	v32 =	vld [tilespmem:s19+$0x0]  }
0x152: {  	v26 =	vld [tilespmem:s19+$0x10]  }
0x153: {  	v33 =	vld [tilespmem:s19+$0x20]  }
0x154: {  	v34 =	vshrl.u32 v27, $0x18;
	v35 =	vld [tilespmem:s19+$0x30]  }
0x155: {  	v36 =	vld [tilespmem:s19+$0xFFFFFFC0];
	v37 =	vshrl.u32 v31, $0x10;
	v38 =	vshrl.u32 v31, $0x18  }
0x156: {  	v16 =	vor.u32 v2, v16;
	v39 =	vshrl.u32 v32, $0x10;
	v40 =	vshrl.u32 v32, $0x18;
	[tilespmem:v22+s2+$0x0] =	vst.idx.add.s32.msk $0xffff, v1  }
0x157: {  	v22 =	vand.u32 $0xFF, v37;
	v37 =	vand.u32 $0xFF, v39;
	v39 =	vshrl.u32 v26, $0x18;
	[tilespmem:v18+s2+$0x0] =	vst.idx.add.s32.msk $0xffff, v1  }
0x158: {  	[tilespmem:v28+s2+$0x0] =	vst.idx.add.s32.msk $0xffff, v1  }
0x159: {  	v18 =	vshrl.u32 v35, $0x8;
	v28 =	vshrl.u32 v35, $0x10;
	v41 =	vshrl.u32 v35, $0x18;
	[tilespmem:v20+s2+$0x0] =	vst.idx.add.s32.msk $0xffff, v1  }
0x15a: {  	v20 =	vshrl.u32 v36, $0x10;
	v18 =	vand.u32 $0xFF, v18;
	v28 =	vand.u32 $0xFF, v28;
	[tilespmem:v24+s2+$0x0] =	vst.idx.add.s32.msk $0xffff, v1  }
0x15b: {  	v20 =	vand.u32 $0xFF, v20;
	[tilespmem:v16+s2+$0x0] =	vst.idx.add.s32.msk $0xffff, v1  }
0x15c: {  	[tilespmem:v17+s2+$0x0] =	vst.idx.add.s32.msk $0xffff, v1  }
0x15d: {  	v16 =	vor.u32 v3, v9;
	v9 =	vmov v37;
	[tilespmem:v25+s2+$0x0] =	vst.idx.add.s32.msk $0xffff, v1  }
0x15e: {  	[tilespmem:v23+s2+$0x0] =	vst.idx.add.s32.msk $0xffff, v1;
	v23 =	vor.u32 v2, v7;
	v7 =	vmov v39  }
0x15f: {  	v24 =	vor.u32 v2, v4;
	v4 =	vmov v34;
	[tilespmem:v19+s2+$0x0] =	vst.idx.add.s32.msk $0xffff, v1;
	v19 =	vor.u32 v2, v5  }
0x160: {  	v25 =	vor.u32 v3, v10;
	v5 =	vmov v38;
	[tilespmem:v21+s2+$0x0] =	vst.idx.add.s32.msk $0xffff, v1;
	v21 =	vor.u32 v2, v6  }
0x161: {  	v34 =	vor.u32 v2, v41;
	v17 =	vor.u32 v3, v20;
	v6 =	vmov v40;
	[tilespmem:v29+s2+$0x0] =	vst.idx.add.s32.msk $0xffff, v1  }
0x162: {  	v37 =	vshrl.u32 v26, $0x8;
	v28 =	vor.u32 v3, v28;
	v29 =	vor.u32 v8, v18;
	[tilespmem:v16+s2+$0x0] =	vst.idx.add.s32.msk $0xffff, v1  }
0x163: {  	v20 =	vshrl.u32 v36, $0x8;
	v10 =	vmovc v22;
	v18 =	vand.u32 $0xFF, v36;
	v16 =	vshrl.u32 v36, $0x18;
	[tilespmem:v23+s2+$0x0] =	vst.idx.add.s32.msk $0xffff, v1  }
0x164: {  	v22 =	vand.u32 $0xFF, v35;
	v23 =	vor.u32 v11, v18;
	v18 =	vor.u32 v2, v16;
	[tilespmem:v30+s2+$0x0] =	vst.idx.add.s32.msk $0xffff, v1  }
0x165: {  	v35 =	vand.u32 $0xFF, v33;
	v16 =	vshrl.u32 v33, $0x18;
	v30 =	vshrl.u32 v33, $0x8;
	[tilespmem:v13+s2+$0x0] =	vst.idx.add.s32.msk $0xffff, v1  }
0x166: {  	v38 =	vand.u32 $0xFF, v26;
	v36 =	vshrl.u32 v26, $0x10;
	v13 =	vshrl.u32 v33, $0x10;
	[tilespmem:v21+s2+$0x0] =	vst.idx.add.s32.msk $0xffff, v1  }
0x167: {  	v26 =	vand.u32 $0xFF, v32;
	v21 =	vshrl.u32 v32, $0x8;
	v13 =	vand.u32 $0xFF, v13;
	[tilespmem:v14+s2+$0x0] =	vst.idx.add.s32.msk $0xffff, v1  }
0x168: {  	v32 =	vor.u32 v11, v26;
	v14 =	vand.u32 $0xFF, v20;
	v33 =	vand.u32 $0xFF, v21;
	[tilespmem:v15+s2+$0x0] =	vst.idx.add.s32.msk $0xffff, v1  }
0x169: {  	v21 =	vand.u32 $0xFF, v31;
	v15 =	vshrl.u32 v31, $0x8;
	v31 =	vor.u32 v11, v22;
	[tilespmem:v24+s2+$0x0] =	vst.idx.add.s32.msk $0xffff, v1  }
0x16a: {  	v20 =	vor.u32 v3, v13;
	v22 =	vand.u32 $0xFF, v27;
	v24 =	vshrl.u32 v27, $0x8;
	[tilespmem:v25+s2+$0x0] =	vst.idx.add.s32.msk $0xffff, v1  }
0x16b: {  	v22 =	vor.u32 v11, v22;
	v25 =	vor.u32 v8, v14;
	v13 =	vand.u32 $0xFF, v24;
	[tilespmem:v19+s2+$0x0] =	vst.idx.add.s32.msk $0xffff, v1  }
0x16c: {  	v26 =	vand.u32 $0xFF, v30;
	v14 =	vand.u32 $0xFF, v15;
	v13 =	vor.u32 v8, v13;
	[tilespmem:v23+s2+$0x0] =	vst.idx.add.s32.msk $0xffff, v1  }
0x16d: {  	v15 =	vshrl.u32 v27, $0x10;
	v27 =	vor.u32 v11, v35;
	v19 =	vor.u32 v11, v21;
	[tilespmem:v32+s2+$0x0] =	vst.idx.add.s32.msk $0xffff, v1  }
.Ltmp12:
0x16e: {  	v24 =	vor.u32 v11, v38;
	v15 =	vand.u32 $0xFF, v15;
	v14 =	vor.u32 v8, v14;
	[tilespmem:v31+s2+$0x0] =	vst.idx.add.s32.msk $0xffff, v1;
	(pc) =	sbr.rel @p0 .LBB2_16-.Ltmp12, $4  }
0x16f: {  	v30 =	vshrl.u32 v12, $0x10;
	v21 =	vshrl.u32 v12, $0x8;
	v23 =	vand.u32 $0xFF, v12;
	[tilespmem:v29+s2+$0x0] =	vst.idx.add.s32.msk $0xffff, v1  }
0x170: {  	v21 =	vand.u32 $0xFF, v21;
	v23 =	vor.u32 v11, v23;
	v29 =	vand.u32 $0xFF, v30;
	[tilespmem:v28+s2+$0x0] =	vst.idx.add.s32.msk $0xffff, v1  }
0x171: {  	v15 =	vor.u32 v3, v15;
	v21 =	vor.u32 v8, v21;
	v31 =	vand.u32 $0xFF, v36;
	[tilespmem:v34+s2+$0x0] =	vst.idx.add.s32.msk $0xffff, v1  }
0x172: {  	s19 =	sadd.s32 $0x80, s19;
	v30 =	vand.u32 $0xFF, v37;
	v28 =	vor.u32 v8, v33;
	[tilespmem:v25+s2+$0x0] =	vst.idx.add.s32.msk $0xffff, v1;
	v25 =	vor.u32 v3, v31  }
.Ltmp13:
0x173: {  	_ = 	snop;
	(pc) =	sbr.rel .LBB2_17-.Ltmp13, $1  }
0x174: {  	_ =	sdelay $0x3  }
.LBB2_20:
0x175: {  	_ =	sfence.sel $0x180000  }
0x176: {  	[bflag:$0x0] =	sbarrier.arrive $0xFFFF  }
0x177: {  	p0 =	sne.s32 s1, $0x0;
	_ =	strace $0x90000047  }
0x178: {  	s0 =	sadd.s32 @!p0 $0x100000, s0;
	[bflag:$0x2] =	sbarrier.arrive $0xFFFF  }
0x179: {  	[sflag:s0] =	ssyncadd.tile.s32 @!p0 $0x1;
	_ =	shalt  }
.Lfunc_end2:
_tile_overlayer_lowered:
.L_overlay_start_2:
0x17a: {  	(tag) =	ssettag $0x2  }
0x17b: {  	s0 =	rddreg [dreg:$0x0];
	s2 =	stileid.u32  }
0x17c: {  	s1 =	rddreg [dreg:$0x1];
	p0 =	sne.s32 s2, $0x0  }
0x17d: {  	s3 =	rddreg [dreg:$0x2];
	[bflag:$0x3] =	sbarrier.arrive $0xFFFF;
	s2 =	simm.s32 @!p0 $0x1C03  }
0x17e: {  	[timem:s3], [sflag:s2] =	dma.local @!p0 [hbm:s0], s1  }
0x17f: {  	s0 =	simm.s32 @!p0 $0x3  }
0x180: {  	_ =	swait.ge @!p0 [sflag:s0], s1  }
0x181: {  	s1 =	ssub.s32 @!p0 $0x0, s1;
	[sflag:s0] =	ssyncset.done @!p0 $0x0  }
0x182: {  	[sflag:s0] =	ssyncadd.s32 @!p0 s1  }
0x183: {  	[bflag:$0x3] =	sbarrier.arrive $0xFFFF  }
0x184: {  	_ =	shalt  }

// kernel: kernel.7.cloned.1.call-start
scs
__scs_entry_jumppad:
0x0: {  	(pc) =	sbr.rel $0x88, $3  }
0x1: {  	(tag) =	ssettag $0x0;
	lr =	simm.s32 $0x1  }
0x2: {  	[smem:$0x3F9F] =	sst lr;
	_ =	strace $0xD0000000  }
0x3: {  	_ = 	snop  }
0x4: {  	_ = 	snop  }
0x5: {  	_ = 	snop  }
0x6: {  	_ = 	snop  }
0x7: {  	_ = 	snop  }
__scs_overlays_trampoline_lowered:
0x8: {  	[smem:$0x3FAE] =	sst s0  }
0x9: {  	[smem:$0x3FAF] =	sst s1  }
0xa: {  	[smem:$0x3FB0] =	sst s2  }
0xb: {  	[smem:$0x3FB1] =	sst s3  }
0xc: {  	[smem:$0x3FB2] =	sst s4  }
0xd: {  	[smem:$0x3FB3] =	sst s5  }
0xe: {  	[smem:$0x3FB4] =	sst s6  }
0xf: {  	[smem:$0x3FB5] =	sst s7  }
0x10: {  	[smem:$0x3FB6] =	sst s8  }
0x11: {  	[smem:$0x3FB7] =	sst s9;
	s0 =	simm.s32 @!p0 $0x0  }
0x12: {  	s1 =	sld [smem:$0x3F9D];
	s0 =	simm.s32 @p0 $0x1  }
0x13: {  	[smem:$0x3FB8] =	sst s0;
	s0 =	simm.s32 @!p1 $0x0  }
0x14: {  	s2 =	sld [smem:$0x3F9C];
	s0 =	simm.s32 @p1 $0x1  }
0x15: {  	[smem:$0x3FB9] =	sst s0;
	s0 =	simm.s32 @!p2 $0x0  }
0x16: {  	s3 =	sld [smem:$0x3FDB];
	s0 =	simm.s32 @p2 $0x1  }
0x17: {  	s4 =	simm.s32 $0x1BF5;
	[smem:$0x3FBB] =	sst s0  }
0x18: {  	s0 =	sld [smem:$0x3F9E];
	_ =	swait.ge [sflag:s4], $0x0  }
0x19: {  	s7 =	sld [smem:$0x3F9F]  }
0x1a: {  	s8 =	sadd.s32 $0xFFFFE003, lr  }
0x1b: {  	s9 =	sadd.s32 $0xFFFFFEF7, lr;
	s5 =	simm.s32 $0xFFFFFFFF;
	p2 =	slt.u32 s8, $0xFFFFF086  }
0x1c: {  	p1 =	slt.u32 s9, $0xF7A;
	s5 =	simm.s32 @!p2 $0x0  }
0x1d: {  	s5 =	simm.s32 @p1 $0x1;
	p0 =	seq.s32 s7, s2  }
0x1e: {  	s7 =	smul.u32 @!p0 $0xF7A, s2;
	p2 =	seq.s32 @!p0 s5, $0x0  }
0x1f: {  	s9 =	smul.u32 $0xF7A, s1;
	s8 =	simm.s32 @!p0 $0x1BF5;
	p2 =	por !p2, p0  }
0x20: {  	[sflag:s8] =	ssyncset.s32 @!p0 $0xFFFFF086;
	s6 =	sadd.s32 @!p0 s3, s7;
	s7 =	simm.s32 @!p0 $0x108  }
0x21: {  	s3 =	sadd.s32 s3, s9;
	s6 =	sadd.s32 @!p0 $0x88, s6;
	s7 =	simm.s32 @p2 $0x1082  }
0x22: {  	[simem:s7], [sflag:s8] =	dma.local @!p0 [hbm:s6], $0xF7A  }
0x23: {  	s9 =	sor.u32 $0xD0000000, s2;
	s6 =	simm.s32 $0x108;
	_ =	swait.ge @!p0 [sflag:s8], $0x0  }
0x24: {  	s3 =	sadd.s32 $0x88, s3;
	s6 =	simm.s32 @!p1 $0x1082;
	[sflag:s4] =	ssyncset.s32 $0xFFFFF086  }
0x25: {  	[simem:s6], [sflag:s4] =	dma.local [hbm:s3], $0xF7A  }
0x26: {  	[smem:$0x3F9F] =	sst s1;
	(tag) =	ssettag s2;
	_ =	strace s9  }
0x27: {  	s1 =	sld [smem:$0x3FAF]  }
0x28: {  	s2 =	sld [smem:$0x3FB0]  }
0x29: {  	s4 =	sld [smem:$0x3FB2]  }
0x2a: {  	p0 =	seq.s32 s5, $0x0;
	s5 =	sld [smem:$0x3FB3]  }
0x2b: {  	s6 =	sld [smem:$0x3FB4]  }
0x2c: {  	s7 =	sld [smem:$0x3FB5]  }
0x2d: {  	s3 =	simm.s32 $0x108;
	s8 =	sld [smem:$0x3FB6]  }
0x2e: {  	s3 =	simm.s32 @!p0 $0x1082;
	s9 =	sld [smem:$0x3FB7]  }
0x2f: {  	lr =	sadd.s32 s0, s3;
	s0 =	sld [smem:$0x3FAE]  }
0x30: {  	s3 =	sld [smem:$0x3FB1]  }
0x31: {  	[smem:$0x3FBA] =	sst s10  }
0x32: {  	s10 =	sld [smem:$0x3FB8];
	_ =	sdelay $0x3  }
0x33: {  	p0 =	seq.s32 s10, $0x1;
	s10 =	sld [smem:$0x3FBA];
	_ =	sdelay $0x3  }
0x34: {  	[smem:$0x3FBA] =	sst s10  }
0x35: {  	s10 =	sld [smem:$0x3FB9];
	_ =	sdelay $0x3  }
0x36: {  	p1 =	seq.s32 s10, $0x1;
	s10 =	sld [smem:$0x3FBA];
	_ =	sdelay $0x3  }
0x37: {  	[smem:$0x3FBA] =	sst s10  }
0x38: {  	s10 =	sld [smem:$0x3FBB]  }
0x39: {  	_ = 	snop;
	(pc) =	sbr.ind lr, $3  }
0x3a: {  	_ = 	snop  }
0x3b: {  	_ = 	snop  }
0x3c: {  	p2 =	seq.s32 s10, $0x1;
	s10 =	sld [smem:$0x3FBA]  }
0x3d: {  	_ =	shalt  }
0x3e: {  	_ =	shalt  }
0x3f: {  	_ =	shalt  }
0x40: {  	_ =	shalt  }
0x41: {  	_ =	shalt  }
0x42: {  	_ =	shalt  }
0x43: {  	_ =	shalt  }
0x44: {  	_ =	shalt  }
0x45: {  	_ =	shalt  }
0x46: {  	_ =	shalt  }
0x47: {  	_ =	shalt  }
0x48: {  	_ =	shalt  }
0x49: {  	_ =	shalt  }
0x4a: {  	_ =	shalt  }
0x4b: {  	_ =	shalt  }
0x4c: {  	_ =	shalt  }
0x4d: {  	_ =	shalt  }
0x4e: {  	_ =	shalt  }
0x4f: {  	_ =	shalt  }
0x50: {  	_ =	shalt  }
0x51: {  	_ =	shalt  }
0x52: {  	_ =	shalt  }
0x53: {  	_ =	shalt  }
0x54: {  	_ =	shalt  }
0x55: {  	_ =	shalt  }
0x56: {  	_ =	shalt  }
0x57: {  	_ =	shalt  }
0x58: {  	_ =	shalt  }
0x59: {  	_ =	shalt  }
0x5a: {  	_ =	shalt  }
0x5b: {  	_ =	shalt  }
0x5c: {  	_ =	shalt  }
0x5d: {  	_ =	shalt  }
0x5e: {  	_ =	shalt  }
0x5f: {  	_ =	shalt  }
0x60: {  	_ =	shalt  }
0x61: {  	_ =	shalt  }
0x62: {  	_ =	shalt  }
0x63: {  	_ =	shalt  }
0x64: {  	_ =	shalt  }
0x65: {  	_ =	shalt  }
0x66: {  	_ =	shalt  }
0x67: {  	_ =	shalt  }
0x68: {  	_ =	shalt  }
0x69: {  	_ =	shalt  }
0x6a: {  	_ =	shalt  }
0x6b: {  	_ =	shalt  }
0x6c: {  	_ =	shalt  }
0x6d: {  	_ =	shalt  }
0x6e: {  	_ =	shalt  }
0x6f: {  	_ =	shalt  }
0x70: {  	_ =	shalt  }
0x71: {  	_ =	shalt  }
0x72: {  	_ =	shalt  }
0x73: {  	_ =	shalt  }
0x74: {  	_ =	shalt  }
0x75: {  	_ =	shalt  }
0x76: {  	_ =	shalt  }
0x77: {  	_ =	shalt  }
0x78: {  	_ =	shalt  }
0x79: {  	_ =	shalt  }
0x7a: {  	_ =	shalt  }
0x7b: {  	_ =	shalt  }
0x7c: {  	_ =	shalt  }
0x7d: {  	_ =	shalt  }
0x7e: {  	_ =	shalt  }
0x7f: {  	_ =	shalt  }
0x80: {  	_ =	shalt  }
0x81: {  	_ =	shalt  }
0x82: {  	_ =	shalt  }
0x83: {  	_ =	shalt  }
0x84: {  	_ =	shalt  }
0x85: {  	_ =	shalt  }
0x86: {  	_ =	shalt  }
0x87: {  	_ =	shalt  }
.Lfunc_end0:
.L_simem_size_0:
called_computation_lowered:
.L_overlay_start_0:
0x88: {  	s2 =	sld [smem:$0x3FD9]  }
0x89: {  	s3 =	sld [smem:$0x3FFE];
	_ =	sdelay $0x1  }
0x8a: {  	s1 =	srdreg.scid  }
0x8b: {  	s0 =	sand.u32 $0x1, s1  }
0x8c: {  	s17 =	sshll.u32 s0, $0xA;
	s2 =	sadd.s32 s3, s2  }
0x8d: {  	s2 =	sadd.s32 s2, s17  }
0x8e: {  	[smem:$0x3FC6] =	sst s2  }
0x8f: {  	_ = 	snop  }
0x90: {  	(tm) =	ssettm $0x1  }
0x91: {  	s18 =	sld [smem:$0x3FFB];
	_ =	sdelay $0x3  }
0x92: {  	_ =	strace s18  }
0x93: {  	s2 =	sld [smem:$0x3FFC];
	_ =	sdelay $0x3  }
0x94: {  	_ =	strace s2  }
0x95: {  	s2 =	sld [smem:$0x3FFD];
	_ =	sdelay $0x3  }
0x96: {  	_ =	strace s2  }
0x97: {  	_ =	strace $0x8FFFFFFF  }
0x98: {  	s19 =	sld [smem:$0x3FDB];
	_ =	sdelay $0x1  }
0x99: {  	s20 =	simm.s32 $_scs_section_size  }
0x9a: {  	s4 =	simm.s32 $_size__tile_overlayer_lowered;
	s5 =	simm.s32 $_tile_overlayer_lowered  }
0x9b: {  	s6 =	simm.s32 $0x1BFF;
	s21 =	sshll.u32 s5, $0x1;
	s3 =	sadd.s32 s20, s19  }
0x9c: {  	s22 =	simm.s32 $0x0;
	s4 =	sshll.u32 s4, $0x1;
	s5 =	sadd.s32 s21, s3  }
0x9d: {  	[timem:s22], [sflag:s6] =	dma.local [hbm:s5], s4  }
0x9e: {  	_ =	swait.ge [sflag:s6], s4  }
0x9f: {  	s4 =	ssub.s32 $0x0, s4;
	[sflag:s6] =	ssyncset.done $0x0  }
0xa0: {  	[sflag:s6] =	ssyncadd.s32 s4;
	_ =	sdelay $0x1  }
0xa1: {  	s23 =	simm.s32 $0x1B8B  }
0xa2: {  	_ =	swait.ge [sflag:s23], $0x1  }
0xa3: {  	[sflag:s23] =	ssyncset.done $0x0  }
0xa4: {  	[sflag:s23] =	ssyncadd.s32 $0xFFFFFFFF  }
0xa5: {  	s4 =	sld [smem:$0x0]  }
0xa6: {  	s5 =	sand.u32 $0xFFFFFFFE, s1  }
0xa7: {  	p0 =	sne.s32 s1, s5  }
0xa8: {  	s5 =	sshll.u32 @p0 s5, $0xE  }
0xa9: {  	s5 =	sadd.s32 @p0 $0x11B8D, s5;
	s6 =	sshll.u32 @p0 s4, $0x11  }
0xaa: {  	s5 =	sor.u32 @p0 s6, s5  }
0xab: {  	[sflag:s5] =	ssyncadd.remote.s32 @p0 $0x1;
	_ =	sdelay $0x1  }
0xac: {  	s5 =	simm.s32 @p0 $0x1B8D  }
0xad: {  	_ =	swait.eq @p0 [sflag:s5], $0x1  }
0xae: {  	[sflag:s5] =	ssyncadd.s32 @p0 $0xFFFFFFFF  }
0xaf: {  	s6 =	sshll.u32 @!p0 s1, $0xE  }
0xb0: {  	s6 =	sor.u32 @!p0 $0x4000, s6;
	s5 =	simm.s32 @!p0 $0x1B8D  }
0xb1: {  	s4 =	sshll.u32 @!p0 s4, $0x11;
	s6 =	sadd.s32 @!p0 $0x11B8D, s6;
	_ =	swait.eq @!p0 [sflag:s5], $0x1  }
0xb2: {  	s4 =	sor.u32 @!p0 s4, s6;
	[sflag:s5] =	ssyncadd.s32 @!p0 $0xFFFFFFFF  }
0xb3: {  	s25 =	simm.s32 $0x1B8E;
	s24 =	sld [smem:$0x3FFE];
	[sflag:s4] =	ssyncadd.remote.s32 @!p0 $0x1  }
0xb4: {  	s26 =	simm.s32 $execute0_lowered;
	[smem:$0x3FD2] =	sst s25  }
0xb5: {  	s5 =	sshll.u32 s26, $0x1;
	_ =	strace $0x80000049;
	[dreg:$0x1] =	wrdreg $0xFFFFFFFF  }
0xb6: {  	s28 =	simm.s32 $_size_execute0_lowered;
	s3 =	sadd.s32 s3, s5;
	[dreg:$0x0] =	wrdreg $0x0  }
0xb7: {  	s5 =	sshll.u32 s28, $0x1;
	[dreg:$0x2] =	wrdreg s3  }
0xb8: {  	[dreg:$0x3] =	wrdreg s5  }
0xb9: {  	[dreg:$0x4] =	wrdreg $0xC0  }
0xba: {  	_ =	task [dreg:s22], $0x5FFFF  }
0xbb: {  	[dreg:$0x1] =	wrdreg $0xFFFFFFFF  }
0xbc: {  	[dreg:$0x0] =	wrdreg $0x60  }
0xbd: {  	[dreg:$0x2] =	wrdreg s24  }
0xbe: {  	[dreg:$0x3] =	wrdreg $0x9  }
0xbf: {  	_ =	task.clear_ibuf [dreg:s22], $0x4FFFF;
	_ =	strace $0x90000049  }
0xc0: {  	s29 =	simm.s32 $0x9;
	_ =	strace $0x8000004B  }
0xc1: {  	_ =	swait.ge [sflag:s29], $0x1  }
0xc2: {  	[sflag:s29] =	ssyncadd.s32 $0xFFFFFFFF  }
0xc3: {  	_ =	strace $0x9000004B  }
0xc4: {  	_ =	sfence  }
0xc5: {  	s30 =	sld [smem:$0x0];
	_ =	sdelay $0x2  }
0xc6: {  	s31 =	sshll.u32 s1, $0xD;
	s1 =	sshrl.u32 s1, $0x2  }
0xc7: {  	s4 =	sand.u32 $0x4000, s31;
	s1 =	sadd.s32 s1, s30  }
0xc8: {  	s0 =	sor.u32 s4, s0;
	s1 =	sshll.u32 s1, $0x11  }
0xc9: {  	s0 =	sor.u32 s1, s0  }
0xca: {  	s0 =	sadd.s32 $0x8F2B, s0  }
0xcb: {  	[sflag:s0] =	ssyncadd.remote.s32 $0x1  }
0xcc: {  	_ =	sfence.sel $0xFFFF  }
0xcd: {  	[dreg:$0x0] =	wrdreg $0xFFFFFFFF;
	(pc) =	sbr.abs _section_cstart, $3  }
0xce: {  	[dreg:$0x1] =	wrdreg $0xFFFFFFFF  }
0xcf: {  	_ =	task.clear_ibuf [dreg:s22], $0x2FFFF;
	_ =	strace $0x9FFFFFFF  }
0xd0: {  	(tm) =	ssettm $0x7FFFFFFF  }
0xd1: {  	_ =	shalt  }
tec
execute0_lowered:
.L_overlay_start_1:
0x0: {  	(tag) =	ssettag $0x1  }
0x1: {  	s5 =	rddreg [dreg:$0x0]  }
0x2: {  	s2 =	srdreg.scid;
	s1 =	stileid.u32  }
0x3: {  	s0 =	rddreg [dreg:$0x1];
	s10 =	simm.s32 $0x4A00;
	s11 =	simm.s32 $0x1  }
0x4: {  	s12 =	simm.s32 $0x2;
	s13 =	simm.s32 $0x80;
	s14 =	simm.s32 $0x400  }
0x5: {  	s15 =	simm.s32 $0x3;
	s16 =	simm.s32 $0x0;
	s3 =	sand.u32 $0x1, s2  }
0x6: {  	s4 =	sshll.u32 s1, $0x1;
	s2 =	simm.s32 $0x0;
	s6 =	sshrl.u32 s1, $0x2  }
0x7: {  	s4 =	sor.u32 s3, s4;
	[smem:$0x7FF] =	sst s2;
	s6 =	smul.u32 $0x15000, s6  }
0x8: {  	s30 =	ssub.s32 $0x2, s3;
	s7 =	sshll.u32 s4, $0x7;
	s3 =	smul.u32 $0x18000, s4  }
.Ltmp0:
0x9: {  	_ =	strace $0x8000004A;
	s7 =	sand.u32 $0x380, s7;
	(pc) =	sbr.rel .LBB2_1-.Ltmp0, $4  }
0xa: {  	s4 =	sadd.s32 $0x6B600, s5;
	s8 =	sshrl.u32 s30, $0x1;
	s6 =	sor.u32 s6, s7  }
0xb: {  	s8 =	ssub.s32 s30, s8;
	s31 =	sshrl.u32 s3, $0x3;
	s6 =	sshrl.u32 s6, $0x3  }
0xc: {  	s8 =	smax.u32 s8, $0x1;
	s9 =	sadd.s32 s6, s5;
	s5 =	sadd.s32 s4, s31  }
0xd: {  	v0 =	vimm.s32 $0x0;
	v1 =	vimm.s32 $0x1;
	s6 =	sor.u32 $0x4000, s3;
	s7 =	sadd.s32 $0xCB600, s9;
	s9 =	simm.s32 $0x2A00  }
.LBB2_19:
0xe: {  	s16 =	sadd.s32 $0x1, s16  }
0xf: {  	p0 =	sne.s32 s16, s8  }
.Ltmp1:
0x10: {  	_ = 	snop;
	(pc) =	sbr.rel @!p0 .LBB2_20-.Ltmp1, $4  }
0x11: {  	[hbm4b:s7+s13] =	stream.strided.scatter [tilespmem:s2], [sflag:$0x3], $0x2A00, s14, s13, $0x38;
	[tilespmem:$0x6A00] =	vst v63  }
0x12: {  	_ =	swait.ge [sflag:s15], $0x2A00  }
0x13: {  	[sflag:s15] =	ssyncset.done $0x0  }
0x14: {  	[sflag:s15] =	ssyncadd.s32 $0xFFFFD600  }
.LBB2_1:
0x15: {  	s17 =	simm.s32 $0x40  }
0x16: {  	[tilespmem:s17+$0xFFFFFFC0] =	vst v0  }
0x17: {  	[tilespmem:s17+$0x30] =	vst v0  }
0x18: {  	[tilespmem:s17+$0x20] =	vst v0  }
0x19: {  	[tilespmem:s17+$0x10] =	vst v0  }
0x1a: {  	[tilespmem:s17+$0x0] =	vst v0  }
0x1b: {  	[tilespmem:s17+$0xFFFFFFF0] =	vst v0  }
0x1c: {  	s18 =	simm.s32 $0x0;
	[tilespmem:s17+$0xFFFFFFE0] =	vst v0  }
.LBB2_2:
0x1d: {  	s18 =	sadd.s32 $0x8, s18;
	[tilespmem:s17+$0xFFFFFFD0] =	vst v0;
	s17 =	sadd.s32 $0x80, s17  }
0x1e: {  	[tilespmem:s17+$0xFFFFFFC0] =	vst v0;
	p0 =	slt.u32 s18, $0x298  }
0x1f: {  	[tilespmem:s17+$0x30] =	vst v0  }
.Ltmp2:
0x20: {  	[tilespmem:s17+$0x20] =	vst v0;
	(pc) =	sbr.rel @p0 .LBB2_2-.Ltmp2, $4  }
0x21: {  	[tilespmem:s17+$0x10] =	vst v0  }
0x22: {  	[tilespmem:s17+$0x0] =	vst v0  }
0x23: {  	[tilespmem:s17+$0xFFFFFFF0] =	vst v0  }
0x24: {  	[tilespmem:s17+$0xFFFFFFE0] =	vst v0  }
.Ltmp3:
0x25: {  	(pc) =	sbr.rel .LBB2_4-.Ltmp3, $3  }
0x26: {  	_ =	sdelay $0x1  }
0x27: {  	[tilespmem:s17+$0xFFFFFFD0] =	vst v0;
	s17 =	simm.s32 $0x0  }
0x28: {  	[tilespmem:s9], [sflag:$0x1] =	stream.linear.gather [hbm4b:s5+s17], $0x2000, $0x38;
	[tilespmem:$0x6A00] =	vst v63  }
.LBB2_17:
0x29: {  	_ =	sdelay $0x3  }
0x2a: {  	[tilespmem:v17+s2+$0x0] =	vst.idx.add.s32.msk $0xffff, v1  }
0x2b: {  	[tilespmem:v27+s2+$0x0] =	vst.idx.add.s32.msk $0xffff, v1  }
0x2c: {  	[tilespmem:v22+s2+$0x0] =	vst.idx.add.s32.msk $0xffff, v1  }
0x2d: {  	[tilespmem:v28+s2+$0x0] =	vst.idx.add.s32.msk $0xffff, v1  }
0x2e: {  	[tilespmem:v24+s2+$0x0] =	vst.idx.add.s32.msk $0xffff, v1  }
0x2f: {  	[tilespmem:v23+s2+$0x0] =	vst.idx.add.s32.msk $0xffff, v1  }
0x30: {  	[tilespmem:v19+s2+$0x0] =	vst.idx.add.s32.msk $0xffff, v1  }
0x31: {  	v11 =	vor.u32 v8, v26;
	[tilespmem:v18+s2+$0x0] =	vst.idx.add.s32.msk $0xffff, v1  }
0x32: {  	v60 =	vor.u32 v8, v30;
	[tilespmem:v21+s2+$0x0] =	vst.idx.add.s32.msk $0xffff, v1  }
0x33: {  	v61 =	vor.u32 v3, v29;
	[tilespmem:v13+s2+$0x0] =	vst.idx.add.s32.msk $0xffff, v1  }
0x34: {  	v62 =	vor.u32 v3, v9;
	[tilespmem:v14+s2+$0x0] =	vst.idx.add.s32.msk $0xffff, v1  }
0x35: {  	v4 =	vor.u32 v2, v4;
	[tilespmem:v15+s2+$0x0] =	vst.idx.add.s32.msk $0xffff, v1  }
0x36: {  	v3 =	vor.u32 v3, v10;
	[tilespmem:v11+s2+$0x0] =	vst.idx.add.s32.msk $0xffff, v1  }
0x37: {  	[tilespmem:v60+s2+$0x0] =	vst.idx.add.s32.msk $0xffff, v1  }
0x38: {  	v63 =	vshrl.u32 v12, $0x18;
	[tilespmem:v61+s2+$0x0] =	vst.idx.add.s32.msk $0xffff, v1  }
0x39: {  	v9 =	vor.u32 v2, v63;
	[tilespmem:v62+s2+$0x0] =	vst.idx.add.s32.msk $0xffff, v1  }
0x3a: {  	v16 =	vor.u32 v2, v16;
	v6 =	vor.u32 v2, v6;
	[tilespmem:v4+s2+$0x0] =	vst.idx.add.s32.msk $0xffff, v1  }
0x3b: {  	v7 =	vor.u32 v2, v7;
	v2 =	vor.u32 v2, v5;
	[tilespmem:v3+s2+$0x0] =	vst.idx.add.s32.msk $0xffff, v1  }
0x3c: {  	[tilespmem:v20+s2+$0x0] =	vst.idx.add.s32.msk $0xffff, v1  }
0x3d: {  	[tilespmem:v25+s2+$0x0] =	vst.idx.add.s32.msk $0xffff, v1  }
0x3e: {  	[tilespmem:v9+s2+$0x0] =	vst.idx.add.s32.msk $0xffff, v1  }
0x3f: {  	[tilespmem:v6+s2+$0x0] =	vst.idx.add.s32.msk $0xffff, v1  }
0x40: {  	[tilespmem:v2+s2+$0x0] =	vst.idx.add.s32.msk $0xffff, v1  }
0x41: {  	[tilespmem:v16+s2+$0x0] =	vst.idx.add.s32.msk $0xffff, v1  }
0x42: {  	[tilespmem:v7+s2+$0x0] =	vst.idx.add.s32.msk $0xffff, v1  }
.LBB2_18:
0x43: {  	s17 =	sadd.s32 $0x1, s17  }
0x44: {  	p0 =	sne.s32 s17, $0x6  }
.Ltmp4:
0x45: {  	_ = 	snop;
	(pc) =	sbr.rel @!p0 .LBB2_19-.Ltmp4, $1  }
0x46: {  	_ =	sdelay $0x3  }
.LBB2_4:
0x47: {  	s18 =	sshll.u32 s17, $0xE  }
0x48: {  	s19 =	sadd.s32 s3, s18  }
0x49: {  	s20 =	sshrl.u32 s19, $0xF  }
0x4a: {  	s21 =	smulhi.u32 $0x2AAAAAAB, s20;
	_ =	sdelay $0x1  }
0x4b: {  	s21 =	smul.u32 $0x6, s21;
	_ =	sdelay $0x1  }
0x4c: {  	s19 =	sadd.s32 $0x2000, s19;
	s20 =	ssub.s32 s20, s21  }
0x4d: {  	s22 =	sshrl.u32 s19, $0x3;
	p0 =	sne.s32 s20, $0x5  }
.Ltmp5:
0x4e: {  	s22 =	sadd.s32 s4, s22;
	(pc) =	sbr.rel @p0 .LBB2_8-.Ltmp5, $4  }
0x4f: {  	[tilespmem:s10], [sflag:$0x2] =	stream.linear.gather [hbm4b:s22+s2], $0x2000, $0x38;
	[tilespmem:$0x6A00] =	vst v63  }
0x50: {  	_ =	swait.ge [sflag:s11], $0x2000  }
0x51: {  	[sflag:s11] =	ssyncset.done $0x0  }
0x52: {  	[sflag:s11] =	ssyncadd.s32 $0xFFFFE000  }
0x53: {  	s20 =	simm.s32 $0x2A40  }
0x54: {  	v2 =	vld [tilespmem:s20+$0x30]  }
0x55: {  	v3 =	vld [tilespmem:s20+$0xFFFFFFD0];
	_ =	sdelay $0x2  }
0x56: {  	v4 =	vld [tilespmem:s20+$0xFFFFFFE0]  }
0x57: {  	v5 =	vand.u32 $0xFF, v2  }
0x58: {  	v6 =	vld [tilespmem:s20+$0xFFFFFFF0];
	v7 =	vand.u32 $0xFF, v3;
	v5 =	vor.u32 $0x1400, v5  }
0x59: {  	v8 =	vld [tilespmem:s20+$0xFFFFFFC0];
	v7 =	vor.u32 $0x1400, v7  }
0x5a: {  	v9 =	vld [tilespmem:s20+$0x0];
	v2 =	vshrl.u32 v2, $0x8  }
0x5b: {  	v10 =	vld [tilespmem:s20+$0x10];
	v3 =	vshrl.u32 v3, $0x8;
	v11 =	vand.u32 $0xFF, v4  }
0x5c: {  	v12 =	vld [tilespmem:s20+$0x20];
	v11 =	vor.u32 $0x1400, v11  }
0x5d: {  	v4 =	vshrl.u32 v4, $0x8;
	v13 =	vand.u32 $0xFF, v6;
	[tilespmem:v5+s2+$0x0] =	vst.idx.add.s32.msk $0xffff, v1  }
0x5e: {  	v62 =	vand.u32 $0xFF, v8;
	v5 =	vor.u32 $0x1400, v13;
	[tilespmem:v7+s2+$0x0] =	vst.idx.add.s32.msk $0xffff, v1  }
0x5f: {  	[tilespmem:v2+s2+$0x0] =	vst.idx.add.s32.msk $0xffff, v1;
	v2 =	vor.u32 $0x1400, v62  }
0x60: {  	[tilespmem:v3+s2+$0x0] =	vst.idx.add.s32.msk $0xffff, v1;
	v3 =	vshrl.u32 v6, $0x8  }
0x61: {  	v7 =	vshrl.u32 v8, $0x8;
	[tilespmem:v11+s2+$0x0] =	vst.idx.add.s32.msk $0xffff, v1;
	v6 =	vand.u32 $0xFF, v9  }
0x62: {  	[tilespmem:v4+s2+$0x0] =	vst.idx.add.s32.msk $0xffff, v1;
	v6 =	vor.u32 $0x1400, v6  }
0x63: {  	v63 =	vand.u32 $0xFF, v10;
	v4 =	vshrl.u32 v9, $0x8;
	[tilespmem:v5+s2+$0x0] =	vst.idx.add.s32.msk $0xffff, v1  }
0x64: {  	v5 =	vor.u32 $0x1400, v63;
	[tilespmem:v2+s2+$0x0] =	vst.idx.add.s32.msk $0xffff, v1  }
0x65: {  	[tilespmem:v3+s2+$0x0] =	vst.idx.add.s32.msk $0xffff, v1  }
0x66: {  	[tilespmem:v7+s2+$0x0] =	vst.idx.add.s32.msk $0xffff, v1  }
0x67: {  	[tilespmem:v6+s2+$0x0] =	vst.idx.add.s32.msk $0xffff, v1  }
0x68: {  	v3 =	vand.u32 $0xFF, v12;
	[tilespmem:v4+s2+$0x0] =	vst.idx.add.s32.msk $0xffff, v1  }
0x69: {  	s21 =	simm.s32 $0x2AC0;
	s20 =	simm.s32 $0x0;
	v2 =	vshrl.u32 v10, $0x8;
	v3 =	vor.u32 $0x1400, v3;
	v4 =	vshrl.u32 v12, $0x8;
	[tilespmem:v5+s2+$0x0] =	vst.idx.add.s32.msk $0xffff, v1  }
.LBB2_6:
0x6a: {  	v5 =	vld [tilespmem:s21+$0x30]  }
0x6b: {  	s20 =	sadd.s32 $0x8, s20;
	v6 =	vld [tilespmem:s21+$0xFFFFFFD0]  }
0x6c: {  	p0 =	slt.u32 s20, $0x1F8;
	v7 =	vld [tilespmem:s21+$0xFFFFFFE0]  }
0x6d: {  	v8 =	vld [tilespmem:s21+$0xFFFFFFF0]  }
0x6e: {  	v9 =	vld [tilespmem:s21+$0x0]  }
0x6f: {  	v10 =	vld [tilespmem:s21+$0x10];
	v11 =	vand.u32 $0xFF, v5  }
0x70: {  	v12 =	vshrl.u32 v6, $0x8;
	v6 =	vand.u32 $0xFF, v6;
	v13 =	vld [tilespmem:s21+$0x20];
	v11 =	vor.u32 $0x1400, v11  }
0x71: {  	v5 =	vshrl.u32 v5, $0x8;
	v14 =	vld [tilespmem:s21+$0xFFFFFFC0];
	v6 =	vor.u32 $0x1400, v6;
	v15 =	vand.u32 $0xFF, v7  }
0x72: {  	v7 =	vshrl.u32 v7, $0x8;
	v15 =	vor.u32 $0x1400, v15;
	v16 =	vand.u32 $0xFF, v8;
	[tilespmem:v2+s2+$0x0] =	vst.idx.add.s32.msk $0xffff, v1  }
0x73: {  	v8 =	vshrl.u32 v8, $0x8;
	v16 =	vor.u32 $0x1400, v16;
	v2 =	vand.u32 $0xFF, v9;
	[tilespmem:v3+s2+$0x0] =	vst.idx.add.s32.msk $0xffff, v1  }
0x74: {  	v9 =	vshrl.u32 v9, $0x8;
	v17 =	vor.u32 $0x1400, v2;
	v3 =	vand.u32 $0xFF, v10;
	[tilespmem:v4+s2+$0x0] =	vst.idx.add.s32.msk $0xffff, v1  }
0x75: {  	v2 =	vshrl.u32 v10, $0x8;
	v10 =	vor.u32 $0x1400, v3;
	v3 =	vand.u32 $0xFF, v13;
	[tilespmem:v11+s2+$0x0] =	vst.idx.add.s32.msk $0xffff, v1  }
0x76: {  	v11 =	vshrl.u32 v14, $0x8;
	v4 =	vand.u32 $0xFF, v14;
	v3 =	vor.u32 $0x1400, v3;
	[tilespmem:v5+s2+$0x0] =	vst.idx.add.s32.msk $0xffff, v1  }
0x77: {  	v5 =	vor.u32 $0x1400, v4;
	[tilespmem:v6+s2+$0x0] =	vst.idx.add.s32.msk $0xffff, v1;
	v4 =	vshrl.u32 v13, $0x8  }
0x78: {  	[tilespmem:v12+s2+$0x0] =	vst.idx.add.s32.msk $0xffff, v1  }
0x79: {  	[tilespmem:v15+s2+$0x0] =	vst.idx.add.s32.msk $0xffff, v1  }
0x7a: {  	[tilespmem:v7+s2+$0x0] =	vst.idx.add.s32.msk $0xffff, v1  }
0x7b: {  	[tilespmem:v16+s2+$0x0] =	vst.idx.add.s32.msk $0xffff, v1  }
0x7c: {  	[tilespmem:v5+s2+$0x0] =	vst.idx.add.s32.msk $0xffff, v1  }
.Ltmp6:
0x7d: {  	[tilespmem:v11+s2+$0x0] =	vst.idx.add.s32.msk $0xffff, v1;
	(pc) =	sbr.rel @p0 .LBB2_6-.Ltmp6, $4  }
0x7e: {  	[tilespmem:v8+s2+$0x0] =	vst.idx.add.s32.msk $0xffff, v1  }
0x7f: {  	[tilespmem:v17+s2+$0x0] =	vst.idx.add.s32.msk $0xffff, v1  }
0x80: {  	[tilespmem:v9+s2+$0x0] =	vst.idx.add.s32.msk $0xffff, v1  }
0x81: {  	s21 =	sadd.s32 $0x80, s21;
	[tilespmem:v10+s2+$0x0] =	vst.idx.add.s32.msk $0xffff, v1  }
0x82: {  	_ =	sdelay $0x1  }
.Ltmp7:
0x83: {  	_ = 	snop;
	(pc) =	sbr.rel .LBB2_11-.Ltmp7, $4  }
0x84: {  	_ = 	snop  }
0x85: {  	[tilespmem:v2+s2+$0x0] =	vst.idx.add.s32.msk $0xffff, v1  }
0x86: {  	[tilespmem:v3+s2+$0x0] =	vst.idx.add.s32.msk $0xffff, v1  }
0x87: {  	[tilespmem:v4+s2+$0x0] =	vst.idx.add.s32.msk $0xffff, v1  }
.LBB2_8:
0x88: {  	s21 =	simm.s32 $0x2A40  }
0x89: {  	v14 =	vld [tilespmem:s21+$0xFFFFFFD0]  }
0x8a: {  	v12 =	vld [tilespmem:s21+$0xFFFFFFE0]  }
0x8b: {  	v13 =	vld [tilespmem:s21+$0x0]  }
0x8c: {  	v15 =	vld [tilespmem:s21+$0x10]  }
0x8d: {  	v16 =	vld [tilespmem:s21+$0x30]  }
0x8e: {  	s20 =	sshll.u32 s20, $0xA;
	v18 =	vld [tilespmem:s21+$0xFFFFFFC0]  }
0x8f: {  	v11 =	vmov s20;
	v21 =	vld [tilespmem:s21+$0x20]  }
0x90: {  	v8 =	vor.u32 $0x100, v11;
	v3 =	vor.u32 $0x200, v11  }
0x91: {  	v2 =	vor.u32 $0x300, v11;
	v4 =	vshrl.u32 v14, $0x18;
	v7 =	vshrl.u32 v12, $0x10  }
0x92: {  	v5 =	vshrl.u32 v12, $0x18;
	v9 =	vshrl.u32 v13, $0x10;
	v6 =	vshrl.u32 v13, $0x18  }
0x93: {  	v17 =	vshrl.u32 v16, $0x8;
	v19 =	vshrl.u32 v16, $0x10;
	v20 =	vshrl.u32 v18, $0x10  }
0x94: {  	v22 =	vshrl.u32 v16, $0x18;
	v30 =	vshrl.u32 v15, $0x8;
	v26 =	vshrl.u32 v21, $0x8  }
0x95: {  	v27 =	vand.u32 $0xFF, v21;
	v31 =	vshrl.u32 v15, $0x10;
	v33 =	vshrl.u32 v12, $0x8  }
0x96: {  	v34 =	vand.u32 $0xFF, v12;
	v10 =	vand.u32 $0xFF, v7;
	v9 =	vand.u32 $0xFF, v9  }
0x97: {  	v7 =	vshrl.u32 v15, $0x18;
	v23 =	vand.u32 $0xFF, v17;
	v17 =	vand.u32 $0xFF, v20  }
0x98: {  	v19 =	vand.u32 $0xFF, v19;
	v25 =	vor.u32 v2, v22;
	v20 =	vshrl.u32 v18, $0x18  }
0x99: {  	v15 =	vand.u32 $0xFF, v15;
	v22 =	vshrl.u32 v13, $0x8;
	v13 =	vand.u32 $0xFF, v13  }
0x9a: {  	v26 =	vand.u32 $0xFF, v26;
	v27 =	vor.u32 v11, v27;
	v31 =	vand.u32 $0xFF, v31  }
0x9b: {  	v17 =	vor.u32 v3, v17;
	v23 =	vor.u32 v8, v23;
	v28 =	vor.u32 v3, v19  }
0x9c: {  	v19 =	vshrl.u32 v18, $0x8;
	v18 =	vand.u32 $0xFF, v18;
	v29 =	vor.u32 v11, v13  }
0x9d: {  	v24 =	vor.u32 v11, v18;
	v18 =	vor.u32 v2, v20;
	v20 =	vand.u32 $0xFF, v16  }
0x9e: {  	v32 =	vand.u32 $0xFF, v22;
	v19 =	vand.u32 $0xFF, v19;
	v35 =	vor.u32 v11, v20  }
0x9f: {  	v12 =	vld [tilespmem:s21+$0xFFFFFFF0];
	v13 =	vshrl.u32 v14, $0x8;
	v22 =	vand.u32 $0xFF, v14;
	v36 =	vor.u32 v8, v19  }
0xa0: {  	v14 =	vshrl.u32 v14, $0x10;
	v16 =	vshrl.u32 v21, $0x18;
	v21 =	vshrl.u32 v21, $0x10  }
0xa1: {  	v22 =	vor.u32 v11, v22;
	v13 =	vand.u32 $0xFF, v13;
	v21 =	vand.u32 $0xFF, v21;
	[tilespmem:v29+s2+$0x0] =	vst.idx.add.s32.msk $0xffff, v1  }
0xa2: {  	v13 =	vor.u32 v8, v13;
	v20 =	vor.u32 v3, v21;
	v21 =	vand.u32 $0xFF, v33;
	[tilespmem:v24+s2+$0x0] =	vst.idx.add.s32.msk $0xffff, v1  }
0xa3: {  	v62 =	vand.u32 $0xFF, v14;
	v19 =	vor.u32 v11, v34;
	v14 =	vor.u32 v8, v21;
	[tilespmem:v35+s2+$0x0] =	vst.idx.add.s32.msk $0xffff, v1  }
0xa4: {  	v21 =	vshrl.u32 v12, $0x10;
	v24 =	vor.u32 v11, v15;
	v15 =	vshrl.u32 v12, $0x8;
	[tilespmem:v36+s2+$0x0] =	vst.idx.add.s32.msk $0xffff, v1  }
0xa5: {  	v29 =	vand.u32 $0xFF, v12;
	v63 =	vand.u32 $0xFF, v15;
	v15 =	vor.u32 v3, v62;
	[tilespmem:v23+s2+$0x0] =	vst.idx.add.s32.msk $0xffff, v1  }
0xa6: {  	v23 =	vor.u32 v11, v29;
	v29 =	vand.u32 $0xFF, v21;
	v21 =	vor.u32 v8, v63;
	[tilespmem:v28+s2+$0x0] =	vst.idx.add.s32.msk $0xffff, v1  }
0xa7: {  	s20 =	simm.s32 $0x0;
	s21 =	simm.s32 $0x2AC0;
	v30 =	vand.u32 $0xFF, v30;
	v28 =	vor.u32 v8, v32;
	[tilespmem:v25+s2+$0x0] =	vst.idx.add.s32.msk $0xffff, v1;
	v25 =	vor.u32 v3, v31  }
.LBB2_9:
0xa8: {  	s20 =	sadd.s32 $0x8, s20;
	[tilespmem:v17+s2+$0x0] =	vst.idx.add.s32.msk $0xffff, v1;
	v17 =	vor.u32 v8, v30  }
0xa9: {  	v30 =	vshrl.u32 v12, $0x18;
	v29 =	vor.u32 v3, v29;
	p0 =	slt.u32 s20, $0x1F8;
	v12 =	vld [tilespmem:s21+$0xFFFFFFF0]  }
0xaa: {  	v30 =	vor.u32 v2, v30;
	[tilespmem:v27+s2+$0x0] =	vst.idx.add.s32.msk $0xffff, v1  }
0xab: {  	[tilespmem:v18+s2+$0x0] =	vst.idx.add.s32.msk $0xffff, v1  }
0xac: {  	v27 =	vld [tilespmem:s21+$0xFFFFFFD0]  }
0xad: {  	v31 =	vld [tilespmem:s21+$0xFFFFFFE0]  }
0xae: {  	v18 =	vor.u32 v8, v26;
	v32 =	vld [tilespmem:s21+$0x0]  }
0xaf: {  	v26 =	vld [tilespmem:s21+$0x10]  }
0xb0: {  	v33 =	vld [tilespmem:s21+$0x20]  }
0xb1: {  	v34 =	vshrl.u32 v27, $0x18;
	v35 =	vld [tilespmem:s21+$0x30]  }
0xb2: {  	v36 =	vld [tilespmem:s21+$0xFFFFFFC0];
	v37 =	vshrl.u32 v31, $0x10;
	v38 =	vshrl.u32 v31, $0x18  }
0xb3: {  	v16 =	vor.u32 v2, v16;
	v39 =	vshrl.u32 v32, $0x10;
	v40 =	vshrl.u32 v32, $0x18;
	[tilespmem:v22+s2+$0x0] =	vst.idx.add.s32.msk $0xffff, v1  }
0xb4: {  	v22 =	vand.u32 $0xFF, v37;
	v37 =	vand.u32 $0xFF, v39;
	v39 =	vshrl.u32 v26, $0x18;
	[tilespmem:v18+s2+$0x0] =	vst.idx.add.s32.msk $0xffff, v1  }
0xb5: {  	[tilespmem:v28+s2+$0x0] =	vst.idx.add.s32.msk $0xffff, v1  }
0xb6: {  	v18 =	vshrl.u32 v35, $0x8;
	v28 =	vshrl.u32 v35, $0x10;
	v41 =	vshrl.u32 v35, $0x18;
	[tilespmem:v20+s2+$0x0] =	vst.idx.add.s32.msk $0xffff, v1  }
0xb7: {  	v20 =	vshrl.u32 v36, $0x10;
	v18 =	vand.u32 $0xFF, v18;
	v28 =	vand.u32 $0xFF, v28;
	[tilespmem:v24+s2+$0x0] =	vst.idx.add.s32.msk $0xffff, v1  }
0xb8: {  	v20 =	vand.u32 $0xFF, v20;
	[tilespmem:v16+s2+$0x0] =	vst.idx.add.s32.msk $0xffff, v1  }
0xb9: {  	[tilespmem:v17+s2+$0x0] =	vst.idx.add.s32.msk $0xffff, v1  }
0xba: {  	v16 =	vor.u32 v3, v9;
	v9 =	vmov v37;
	[tilespmem:v25+s2+$0x0] =	vst.idx.add.s32.msk $0xffff, v1  }
0xbb: {  	[tilespmem:v23+s2+$0x0] =	vst.idx.add.s32.msk $0xffff, v1;
	v23 =	vor.u32 v2, v7;
	v7 =	vmov v39  }
0xbc: {  	v24 =	vor.u32 v2, v4;
	v4 =	vmov v34;
	[tilespmem:v19+s2+$0x0] =	vst.idx.add.s32.msk $0xffff, v1;
	v19 =	vor.u32 v2, v5  }
0xbd: {  	v25 =	vor.u32 v3, v10;
	v5 =	vmov v38;
	[tilespmem:v21+s2+$0x0] =	vst.idx.add.s32.msk $0xffff, v1;
	v21 =	vor.u32 v2, v6  }
0xbe: {  	v34 =	vor.u32 v2, v41;
	v17 =	vor.u32 v3, v20;
	v6 =	vmov v40;
	[tilespmem:v29+s2+$0x0] =	vst.idx.add.s32.msk $0xffff, v1  }
0xbf: {  	v37 =	vshrl.u32 v26, $0x8;
	v28 =	vor.u32 v3, v28;
	v29 =	vor.u32 v8, v18;
	[tilespmem:v16+s2+$0x0] =	vst.idx.add.s32.msk $0xffff, v1  }
0xc0: {  	v20 =	vshrl.u32 v36, $0x8;
	v10 =	vmovc v22;
	v18 =	vand.u32 $0xFF, v36;
	v16 =	vshrl.u32 v36, $0x18;
	[tilespmem:v23+s2+$0x0] =	vst.idx.add.s32.msk $0xffff, v1  }
0xc1: {  	v22 =	vand.u32 $0xFF, v35;
	v23 =	vor.u32 v11, v18;
	v18 =	vor.u32 v2, v16;
	[tilespmem:v30+s2+$0x0] =	vst.idx.add.s32.msk $0xffff, v1  }
0xc2: {  	v35 =	vand.u32 $0xFF, v33;
	v16 =	vshrl.u32 v33, $0x18;
	v30 =	vshrl.u32 v33, $0x8;
	[tilespmem:v13+s2+$0x0] =	vst.idx.add.s32.msk $0xffff, v1  }
0xc3: {  	v38 =	vand.u32 $0xFF, v26;
	v36 =	vshrl.u32 v26, $0x10;
	v13 =	vshrl.u32 v33, $0x10;
	[tilespmem:v21+s2+$0x0] =	vst.idx.add.s32.msk $0xffff, v1  }
0xc4: {  	v26 =	vand.u32 $0xFF, v32;
	v21 =	vshrl.u32 v32, $0x8;
	v13 =	vand.u32 $0xFF, v13;
	[tilespmem:v14+s2+$0x0] =	vst.idx.add.s32.msk $0xffff, v1  }
0xc5: {  	v32 =	vor.u32 v11, v26;
	v14 =	vand.u32 $0xFF, v20;
	v33 =	vand.u32 $0xFF, v21;
	[tilespmem:v15+s2+$0x0] =	vst.idx.add.s32.msk $0xffff, v1  }
0xc6: {  	v21 =	vand.u32 $0xFF, v31;
	v15 =	vshrl.u32 v31, $0x8;
	v31 =	vor.u32 v11, v22;
	[tilespmem:v24+s2+$0x0] =	vst.idx.add.s32.msk $0xffff, v1  }
0xc7: {  	v20 =	vor.u32 v3, v13;
	v22 =	vand.u32 $0xFF, v27;
	v24 =	vshrl.u32 v27, $0x8;
	[tilespmem:v25+s2+$0x0] =	vst.idx.add.s32.msk $0xffff, v1  }
0xc8: {  	v22 =	vor.u32 v11, v22;
	v25 =	vor.u32 v8, v14;
	v13 =	vand.u32 $0xFF, v24;
	[tilespmem:v19+s2+$0x0] =	vst.idx.add.s32.msk $0xffff, v1  }
0xc9: {  	v26 =	vand.u32 $0xFF, v30;
	v14 =	vand.u32 $0xFF, v15;
	v13 =	vor.u32 v8, v13;
	[tilespmem:v23+s2+$0x0] =	vst.idx.add.s32.msk $0xffff, v1  }
0xca: {  	v15 =	vshrl.u32 v27, $0x10;
	v27 =	vor.u32 v11, v35;
	v19 =	vor.u32 v11, v21;
	[tilespmem:v32+s2+$0x0] =	vst.idx.add.s32.msk $0xffff, v1  }
.Ltmp8:
0xcb: {  	v24 =	vor.u32 v11, v38;
	v15 =	vand.u32 $0xFF, v15;
	v14 =	vor.u32 v8, v14;
	[tilespmem:v31+s2+$0x0] =	vst.idx.add.s32.msk $0xffff, v1;
	(pc) =	sbr.rel @p0 .LBB2_9-.Ltmp8, $4  }
0xcc: {  	v30 =	vshrl.u32 v12, $0x10;
	v21 =	vshrl.u32 v12, $0x8;
	v23 =	vand.u32 $0xFF, v12;
	[tilespmem:v29+s2+$0x0] =	vst.idx.add.s32.msk $0xffff, v1  }
0xcd: {  	v21 =	vand.u32 $0xFF, v21;
	v23 =	vor.u32 v11, v23;
	v29 =	vand.u32 $0xFF, v30;
	[tilespmem:v28+s2+$0x0] =	vst.idx.add.s32.msk $0xffff, v1  }
0xce: {  	v15 =	vor.u32 v3, v15;
	v21 =	vor.u32 v8, v21;
	v31 =	vand.u32 $0xFF, v36;
	[tilespmem:v34+s2+$0x0] =	vst.idx.add.s32.msk $0xffff, v1  }
0xcf: {  	s21 =	sadd.s32 $0x80, s21;
	v30 =	vand.u32 $0xFF, v37;
	v28 =	vor.u32 v8, v33;
	[tilespmem:v25+s2+$0x0] =	vst.idx.add.s32.msk $0xffff, v1;
	v25 =	vor.u32 v3, v31  }
0xd0: {  	_ =	sdelay $0x3  }
0xd1: {  	[tilespmem:v17+s2+$0x0] =	vst.idx.add.s32.msk $0xffff, v1  }
0xd2: {  	[tilespmem:v27+s2+$0x0] =	vst.idx.add.s32.msk $0xffff, v1  }
0xd3: {  	[tilespmem:v22+s2+$0x0] =	vst.idx.add.s32.msk $0xffff, v1  }
0xd4: {  	[tilespmem:v28+s2+$0x0] =	vst.idx.add.s32.msk $0xffff, v1  }
0xd5: {  	[tilespmem:v24+s2+$0x0] =	vst.idx.add.s32.msk $0xffff, v1  }
0xd6: {  	[tilespmem:v23+s2+$0x0] =	vst.idx.add.s32.msk $0xffff, v1  }
0xd7: {  	[tilespmem:v19+s2+$0x0] =	vst.idx.add.s32.msk $0xffff, v1  }
0xd8: {  	v11 =	vor.u32 v8, v26;
	[tilespmem:v18+s2+$0x0] =	vst.idx.add.s32.msk $0xffff, v1  }
0xd9: {  	v60 =	vor.u32 v8, v30;
	[tilespmem:v21+s2+$0x0] =	vst.idx.add.s32.msk $0xffff, v1  }
0xda: {  	v61 =	vor.u32 v3, v29;
	[tilespmem:v13+s2+$0x0] =	vst.idx.add.s32.msk $0xffff, v1  }
0xdb: {  	v62 =	vor.u32 v3, v9;
	[tilespmem:v14+s2+$0x0] =	vst.idx.add.s32.msk $0xffff, v1  }
0xdc: {  	v4 =	vor.u32 v2, v4;
	[tilespmem:v15+s2+$0x0] =	vst.idx.add.s32.msk $0xffff, v1  }
0xdd: {  	v3 =	vor.u32 v3, v10;
	[tilespmem:v11+s2+$0x0] =	vst.idx.add.s32.msk $0xffff, v1  }
0xde: {  	[tilespmem:v60+s2+$0x0] =	vst.idx.add.s32.msk $0xffff, v1  }
0xdf: {  	v63 =	vshrl.u32 v12, $0x18;
	[tilespmem:v61+s2+$0x0] =	vst.idx.add.s32.msk $0xffff, v1  }
0xe0: {  	v9 =	vor.u32 v2, v63;
	[tilespmem:v62+s2+$0x0] =	vst.idx.add.s32.msk $0xffff, v1  }
0xe1: {  	v16 =	vor.u32 v2, v16;
	v6 =	vor.u32 v2, v6;
	[tilespmem:v4+s2+$0x0] =	vst.idx.add.s32.msk $0xffff, v1  }
0xe2: {  	v7 =	vor.u32 v2, v7;
	v2 =	vor.u32 v2, v5;
	[tilespmem:v3+s2+$0x0] =	vst.idx.add.s32.msk $0xffff, v1  }
0xe3: {  	[tilespmem:v20+s2+$0x0] =	vst.idx.add.s32.msk $0xffff, v1  }
0xe4: {  	[tilespmem:v25+s2+$0x0] =	vst.idx.add.s32.msk $0xffff, v1  }
0xe5: {  	[tilespmem:v9+s2+$0x0] =	vst.idx.add.s32.msk $0xffff, v1  }
0xe6: {  	[tilespmem:v6+s2+$0x0] =	vst.idx.add.s32.msk $0xffff, v1  }
0xe7: {  	[tilespmem:v2+s2+$0x0] =	vst.idx.add.s32.msk $0xffff, v1  }
0xe8: {  	[tilespmem:v16+s2+$0x0] =	vst.idx.add.s32.msk $0xffff, v1  }
0xe9: {  	[tilespmem:v7+s2+$0x0] =	vst.idx.add.s32.msk $0xffff, v1  }
.LBB2_11:
0xea: {  	p0 =	seq.s32 s17, $0x5;
	s19 =	sshrl.u32 s19, $0xF  }
0xeb: {  	s18 =	sadd.s32 @!p0 s18, s6;
	s20 =	smulhi.u32 $0x2AAAAAAB, s19  }
0xec: {  	s21 =	simm.s32 @!p0 $0x0;
	s18 =	sshrl.u32 @!p0 s18, $0x3  }
0xed: {  	s22 =	simm.s32 @!p0 $0x2A00;
	s18 =	sadd.s32 @!p0 s4, s18;
	s20 =	smul.u32 $0x6, s20  }
0xee: {  	[tilespmem:s22], [sflag:$0x1] =	stream.linear.gather @!p0 [hbm4b:s18+s21], $0x2000, $0x38;
	[tilespmem:$0x6A00] =	vst v63  }
0xef: {  	s18 =	ssub.s32 s19, s20  }
0xf0: {  	p0 =	sne.s32 s18, $0x5  }
.Ltmp9:
0xf1: {  	_ = 	snop;
	(pc) =	sbr.rel @p0 .LBB2_15-.Ltmp9, $4  }
0xf2: {  	_ = 	snop  }
0xf3: {  	_ =	swait.ge [sflag:s12], $0x2000  }
0xf4: {  	[sflag:s12] =	ssyncset.done $0x0  }
0xf5: {  	[sflag:s12] =	ssyncadd.s32 $0xFFFFE000  }
0xf6: {  	s18 =	simm.s32 $0x4A40  }
0xf7: {  	v2 =	vld [tilespmem:s18+$0x30]  }
0xf8: {  	v3 =	vld [tilespmem:s18+$0xFFFFFFD0];
	_ =	sdelay $0x2  }
0xf9: {  	v4 =	vld [tilespmem:s18+$0xFFFFFFE0]  }
0xfa: {  	v5 =	vand.u32 $0xFF, v2  }
0xfb: {  	v6 =	vld [tilespmem:s18+$0xFFFFFFF0];
	v7 =	vand.u32 $0xFF, v3;
	v5 =	vor.u32 $0x1400, v5  }
0xfc: {  	v8 =	vld [tilespmem:s18+$0xFFFFFFC0];
	v7 =	vor.u32 $0x1400, v7  }
0xfd: {  	v9 =	vld [tilespmem:s18+$0x0];
	v2 =	vshrl.u32 v2, $0x8  }
0xfe: {  	v10 =	vld [tilespmem:s18+$0x10];
	v3 =	vshrl.u32 v3, $0x8;
	v11 =	vand.u32 $0xFF, v4  }
0xff: {  	v12 =	vld [tilespmem:s18+$0x20];
	v11 =	vor.u32 $0x1400, v11  }
0x100: {  	v4 =	vshrl.u32 v4, $0x8;
	v13 =	vand.u32 $0xFF, v6;
	[tilespmem:v5+s2+$0x0] =	vst.idx.add.s32.msk $0xffff, v1  }
0x101: {  	v62 =	vand.u32 $0xFF, v8;
	v5 =	vor.u32 $0x1400, v13;
	[tilespmem:v7+s2+$0x0] =	vst.idx.add.s32.msk $0xffff, v1  }
0x102: {  	[tilespmem:v2+s2+$0x0] =	vst.idx.add.s32.msk $0xffff, v1;
	v2 =	vor.u32 $0x1400, v62  }
0x103: {  	[tilespmem:v3+s2+$0x0] =	vst.idx.add.s32.msk $0xffff, v1;
	v3 =	vshrl.u32 v6, $0x8  }
0x104: {  	v7 =	vshrl.u32 v8, $0x8;
	[tilespmem:v11+s2+$0x0] =	vst.idx.add.s32.msk $0xffff, v1;
	v6 =	vand.u32 $0xFF, v9  }
0x105: {  	[tilespmem:v4+s2+$0x0] =	vst.idx.add.s32.msk $0xffff, v1;
	v6 =	vor.u32 $0x1400, v6  }
0x106: {  	v63 =	vand.u32 $0xFF, v10;
	v4 =	vshrl.u32 v9, $0x8;
	[tilespmem:v5+s2+$0x0] =	vst.idx.add.s32.msk $0xffff, v1  }
0x107: {  	v5 =	vor.u32 $0x1400, v63;
	[tilespmem:v2+s2+$0x0] =	vst.idx.add.s32.msk $0xffff, v1  }
0x108: {  	[tilespmem:v3+s2+$0x0] =	vst.idx.add.s32.msk $0xffff, v1  }
0x109: {  	[tilespmem:v7+s2+$0x0] =	vst.idx.add.s32.msk $0xffff, v1  }
0x10a: {  	[tilespmem:v6+s2+$0x0] =	vst.idx.add.s32.msk $0xffff, v1  }
0x10b: {  	v3 =	vand.u32 $0xFF, v12;
	[tilespmem:v4+s2+$0x0] =	vst.idx.add.s32.msk $0xffff, v1  }
0x10c: {  	s19 =	simm.s32 $0x4AC0;
	s18 =	simm.s32 $0x0;
	v2 =	vshrl.u32 v10, $0x8;
	v3 =	vor.u32 $0x1400, v3;
	v4 =	vshrl.u32 v12, $0x8;
	[tilespmem:v5+s2+$0x0] =	vst.idx.add.s32.msk $0xffff, v1  }
.LBB2_13:
0x10d: {  	v5 =	vld [tilespmem:s19+$0x30]  }
0x10e: {  	s18 =	sadd.s32 $0x8, s18;
	v6 =	vld [tilespmem:s19+$0xFFFFFFD0]  }
0x10f: {  	p0 =	slt.u32 s18, $0x1F8;
	v7 =	vld [tilespmem:s19+$0xFFFFFFE0]  }
0x110: {  	v8 =	vld [tilespmem:s19+$0xFFFFFFF0]  }
0x111: {  	v9 =	vld [tilespmem:s19+$0x0]  }
0x112: {  	v10 =	vld [tilespmem:s19+$0x10];
	v11 =	vand.u32 $0xFF, v5  }
0x113: {  	v12 =	vshrl.u32 v6, $0x8;
	v6 =	vand.u32 $0xFF, v6;
	v13 =	vld [tilespmem:s19+$0x20];
	v11 =	vor.u32 $0x1400, v11  }
0x114: {  	v5 =	vshrl.u32 v5, $0x8;
	v14 =	vld [tilespmem:s19+$0xFFFFFFC0];
	v6 =	vor.u32 $0x1400, v6;
	v15 =	vand.u32 $0xFF, v7  }
0x115: {  	v7 =	vshrl.u32 v7, $0x8;
	v15 =	vor.u32 $0x1400, v15;
	v16 =	vand.u32 $0xFF, v8;
	[tilespmem:v2+s2+$0x0] =	vst.idx.add.s32.msk $0xffff, v1  }
0x116: {  	v8 =	vshrl.u32 v8, $0x8;
	v16 =	vor.u32 $0x1400, v16;
	v2 =	vand.u32 $0xFF, v9;
	[tilespmem:v3+s2+$0x0] =	vst.idx.add.s32.msk $0xffff, v1  }
0x117: {  	v9 =	vshrl.u32 v9, $0x8;
	v17 =	vor.u32 $0x1400, v2;
	v3 =	vand.u32 $0xFF, v10;
	[tilespmem:v4+s2+$0x0] =	vst.idx.add.s32.msk $0xffff, v1  }
0x118: {  	v2 =	vshrl.u32 v10, $0x8;
	v10 =	vor.u32 $0x1400, v3;
	v3 =	vand.u32 $0xFF, v13;
	[tilespmem:v11+s2+$0x0] =	vst.idx.add.s32.msk $0xffff, v1  }
0x119: {  	v11 =	vshrl.u32 v14, $0x8;
	v4 =	vand.u32 $0xFF, v14;
	v3 =	vor.u32 $0x1400, v3;
	[tilespmem:v5+s2+$0x0] =	vst.idx.add.s32.msk $0xffff, v1  }
0x11a: {  	v5 =	vor.u32 $0x1400, v4;
	[tilespmem:v6+s2+$0x0] =	vst.idx.add.s32.msk $0xffff, v1;
	v4 =	vshrl.u32 v13, $0x8  }
0x11b: {  	[tilespmem:v12+s2+$0x0] =	vst.idx.add.s32.msk $0xffff, v1  }
0x11c: {  	[tilespmem:v15+s2+$0x0] =	vst.idx.add.s32.msk $0xffff, v1  }
0x11d: {  	[tilespmem:v7+s2+$0x0] =	vst.idx.add.s32.msk $0xffff, v1  }
0x11e: {  	[tilespmem:v16+s2+$0x0] =	vst.idx.add.s32.msk $0xffff, v1  }
0x11f: {  	[tilespmem:v5+s2+$0x0] =	vst.idx.add.s32.msk $0xffff, v1  }
.Ltmp10:
0x120: {  	[tilespmem:v11+s2+$0x0] =	vst.idx.add.s32.msk $0xffff, v1;
	(pc) =	sbr.rel @p0 .LBB2_13-.Ltmp10, $4  }
0x121: {  	[tilespmem:v8+s2+$0x0] =	vst.idx.add.s32.msk $0xffff, v1  }
0x122: {  	[tilespmem:v17+s2+$0x0] =	vst.idx.add.s32.msk $0xffff, v1  }
0x123: {  	[tilespmem:v9+s2+$0x0] =	vst.idx.add.s32.msk $0xffff, v1  }
0x124: {  	s19 =	sadd.s32 $0x80, s19;
	[tilespmem:v10+s2+$0x0] =	vst.idx.add.s32.msk $0xffff, v1  }
0x125: {  	_ =	sdelay $0x1  }
.Ltmp11:
0x126: {  	_ = 	snop;
	(pc) =	sbr.rel .LBB2_18-.Ltmp11, $4  }
0x127: {  	_ = 	snop  }
0x128: {  	[tilespmem:v2+s2+$0x0] =	vst.idx.add.s32.msk $0xffff, v1  }
0x129: {  	[tilespmem:v3+s2+$0x0] =	vst.idx.add.s32.msk $0xffff, v1  }
0x12a: {  	[tilespmem:v4+s2+$0x0] =	vst.idx.add.s32.msk $0xffff, v1  }
.LBB2_15:
0x12b: {  	s19 =	simm.s32 $0x4A40  }
0x12c: {  	v14 =	vld [tilespmem:s19+$0xFFFFFFD0]  }
0x12d: {  	v12 =	vld [tilespmem:s19+$0xFFFFFFE0]  }
0x12e: {  	v13 =	vld [tilespmem:s19+$0x0]  }
0x12f: {  	v15 =	vld [tilespmem:s19+$0x10]  }
0x130: {  	v16 =	vld [tilespmem:s19+$0x30]  }
0x131: {  	s18 =	sshll.u32 s18, $0xA;
	v18 =	vld [tilespmem:s19+$0xFFFFFFC0]  }
0x132: {  	v11 =	vmov s18;
	v21 =	vld [tilespmem:s19+$0x20]  }
0x133: {  	v8 =	vor.u32 $0x100, v11;
	v3 =	vor.u32 $0x200, v11  }
0x134: {  	v2 =	vor.u32 $0x300, v11;
	v4 =	vshrl.u32 v14, $0x18;
	v7 =	vshrl.u32 v12, $0x10  }
0x135: {  	v5 =	vshrl.u32 v12, $0x18;
	v9 =	vshrl.u32 v13, $0x10;
	v6 =	vshrl.u32 v13, $0x18  }
0x136: {  	v17 =	vshrl.u32 v16, $0x8;
	v19 =	vshrl.u32 v16, $0x10;
	v20 =	vshrl.u32 v18, $0x10  }
0x137: {  	v22 =	vshrl.u32 v16, $0x18;
	v30 =	vshrl.u32 v15, $0x8;
	v26 =	vshrl.u32 v21, $0x8  }
0x138: {  	v27 =	vand.u32 $0xFF, v21;
	v31 =	vshrl.u32 v15, $0x10;
	v33 =	vshrl.u32 v12, $0x8  }
0x139: {  	v34 =	vand.u32 $0xFF, v12;
	v10 =	vand.u32 $0xFF, v7;
	v9 =	vand.u32 $0xFF, v9  }
0x13a: {  	v7 =	vshrl.u32 v15, $0x18;
	v23 =	vand.u32 $0xFF, v17;
	v17 =	vand.u32 $0xFF, v20  }
0x13b: {  	v19 =	vand.u32 $0xFF, v19;
	v25 =	vor.u32 v2, v22;
	v20 =	vshrl.u32 v18, $0x18  }
0x13c: {  	v15 =	vand.u32 $0xFF, v15;
	v22 =	vshrl.u32 v13, $0x8;
	v13 =	vand.u32 $0xFF, v13  }
0x13d: {  	v26 =	vand.u32 $0xFF, v26;
	v27 =	vor.u32 v11, v27;
	v31 =	vand.u32 $0xFF, v31  }
0x13e: {  	v17 =	vor.u32 v3, v17;
	v23 =	vor.u32 v8, v23;
	v28 =	vor.u32 v3, v19  }
0x13f: {  	v19 =	vshrl.u32 v18, $0x8;
	v18 =	vand.u32 $0xFF, v18;
	v29 =	vor.u32 v11, v13  }
0x140: {  	v24 =	vor.u32 v11, v18;
	v18 =	vor.u32 v2, v20;
	v20 =	vand.u32 $0xFF, v16  }
0x141: {  	v32 =	vand.u32 $0xFF, v22;
	v19 =	vand.u32 $0xFF, v19;
	v35 =	vor.u32 v11, v20  }
0x142: {  	v12 =	vld [tilespmem:s19+$0xFFFFFFF0];
	v13 =	vshrl.u32 v14, $0x8;
	v22 =	vand.u32 $0xFF, v14;
	v36 =	vor.u32 v8, v19  }
0x143: {  	v14 =	vshrl.u32 v14, $0x10;
	v16 =	vshrl.u32 v21, $0x18;
	v21 =	vshrl.u32 v21, $0x10  }
0x144: {  	v22 =	vor.u32 v11, v22;
	v13 =	vand.u32 $0xFF, v13;
	v21 =	vand.u32 $0xFF, v21;
	[tilespmem:v29+s2+$0x0] =	vst.idx.add.s32.msk $0xffff, v1  }
0x145: {  	v13 =	vor.u32 v8, v13;
	v20 =	vor.u32 v3, v21;
	v21 =	vand.u32 $0xFF, v33;
	[tilespmem:v24+s2+$0x0] =	vst.idx.add.s32.msk $0xffff, v1  }
0x146: {  	v62 =	vand.u32 $0xFF, v14;
	v19 =	vor.u32 v11, v34;
	v14 =	vor.u32 v8, v21;
	[tilespmem:v35+s2+$0x0] =	vst.idx.add.s32.msk $0xffff, v1  }
0x147: {  	v21 =	vshrl.u32 v12, $0x10;
	v24 =	vor.u32 v11, v15;
	v15 =	vshrl.u32 v12, $0x8;
	[tilespmem:v36+s2+$0x0] =	vst.idx.add.s32.msk $0xffff, v1  }
0x148: {  	v29 =	vand.u32 $0xFF, v12;
	v63 =	vand.u32 $0xFF, v15;
	v15 =	vor.u32 v3, v62;
	[tilespmem:v23+s2+$0x0] =	vst.idx.add.s32.msk $0xffff, v1  }
0x149: {  	v23 =	vor.u32 v11, v29;
	v29 =	vand.u32 $0xFF, v21;
	v21 =	vor.u32 v8, v63;
	[tilespmem:v28+s2+$0x0] =	vst.idx.add.s32.msk $0xffff, v1  }
0x14a: {  	s18 =	simm.s32 $0x0;
	s19 =	simm.s32 $0x4AC0;
	v30 =	vand.u32 $0xFF, v30;
	v28 =	vor.u32 v8, v32;
	[tilespmem:v25+s2+$0x0] =	vst.idx.add.s32.msk $0xffff, v1;
	v25 =	vor.u32 v3, v31  }
.LBB2_16:
0x14b: {  	s18 =	sadd.s32 $0x8, s18;
	[tilespmem:v17+s2+$0x0] =	vst.idx.add.s32.msk $0xffff, v1;
	v17 =	vor.u32 v8, v30  }
0x14c: {  	v30 =	vshrl.u32 v12, $0x18;
	v29 =	vor.u32 v3, v29;
	p0 =	slt.u32 s18, $0x1F8;
	v12 =	vld [tilespmem:s19+$0xFFFFFFF0]  }
0x14d: {  	v30 =	vor.u32 v2, v30;
	[tilespmem:v27+s2+$0x0] =	vst.idx.add.s32.msk $0xffff, v1  }
0x14e: {  	[tilespmem:v18+s2+$0x0] =	vst.idx.add.s32.msk $0xffff, v1  }
0x14f: {  	v27 =	vld [tilespmem:s19+$0xFFFFFFD0]  }
0x150: {  	v31 =	vld [tilespmem:s19+$0xFFFFFFE0]  }
0x151: {  	v18 =	vor.u32 v8, v26;
	v32 =	vld [tilespmem:s19+$0x0]  }
0x152: {  	v26 =	vld [tilespmem:s19+$0x10]  }
0x153: {  	v33 =	vld [tilespmem:s19+$0x20]  }
0x154: {  	v34 =	vshrl.u32 v27, $0x18;
	v35 =	vld [tilespmem:s19+$0x30]  }
0x155: {  	v36 =	vld [tilespmem:s19+$0xFFFFFFC0];
	v37 =	vshrl.u32 v31, $0x10;
	v38 =	vshrl.u32 v31, $0x18  }
0x156: {  	v16 =	vor.u32 v2, v16;
	v39 =	vshrl.u32 v32, $0x10;
	v40 =	vshrl.u32 v32, $0x18;
	[tilespmem:v22+s2+$0x0] =	vst.idx.add.s32.msk $0xffff, v1  }
0x157: {  	v22 =	vand.u32 $0xFF, v37;
	v37 =	vand.u32 $0xFF, v39;
	v39 =	vshrl.u32 v26, $0x18;
	[tilespmem:v18+s2+$0x0] =	vst.idx.add.s32.msk $0xffff, v1  }
0x158: {  	[tilespmem:v28+s2+$0x0] =	vst.idx.add.s32.msk $0xffff, v1  }
0x159: {  	v18 =	vshrl.u32 v35, $0x8;
	v28 =	vshrl.u32 v35, $0x10;
	v41 =	vshrl.u32 v35, $0x18;
	[tilespmem:v20+s2+$0x0] =	vst.idx.add.s32.msk $0xffff, v1  }
0x15a: {  	v20 =	vshrl.u32 v36, $0x10;
	v18 =	vand.u32 $0xFF, v18;
	v28 =	vand.u32 $0xFF, v28;
	[tilespmem:v24+s2+$0x0] =	vst.idx.add.s32.msk $0xffff, v1  }
0x15b: {  	v20 =	vand.u32 $0xFF, v20;
	[tilespmem:v16+s2+$0x0] =	vst.idx.add.s32.msk $0xffff, v1  }
0x15c: {  	[tilespmem:v17+s2+$0x0] =	vst.idx.add.s32.msk $0xffff, v1  }
0x15d: {  	v16 =	vor.u32 v3, v9;
	v9 =	vmov v37;
	[tilespmem:v25+s2+$0x0] =	vst.idx.add.s32.msk $0xffff, v1  }
0x15e: {  	[tilespmem:v23+s2+$0x0] =	vst.idx.add.s32.msk $0xffff, v1;
	v23 =	vor.u32 v2, v7;
	v7 =	vmov v39  }
0x15f: {  	v24 =	vor.u32 v2, v4;
	v4 =	vmov v34;
	[tilespmem:v19+s2+$0x0] =	vst.idx.add.s32.msk $0xffff, v1;
	v19 =	vor.u32 v2, v5  }
0x160: {  	v25 =	vor.u32 v3, v10;
	v5 =	vmov v38;
	[tilespmem:v21+s2+$0x0] =	vst.idx.add.s32.msk $0xffff, v1;
	v21 =	vor.u32 v2, v6  }
0x161: {  	v34 =	vor.u32 v2, v41;
	v17 =	vor.u32 v3, v20;
	v6 =	vmov v40;
	[tilespmem:v29+s2+$0x0] =	vst.idx.add.s32.msk $0xffff, v1  }
0x162: {  	v37 =	vshrl.u32 v26, $0x8;
	v28 =	vor.u32 v3, v28;
	v29 =	vor.u32 v8, v18;
	[tilespmem:v16+s2+$0x0] =	vst.idx.add.s32.msk $0xffff, v1  }
0x163: {  	v20 =	vshrl.u32 v36, $0x8;
	v10 =	vmovc v22;
	v18 =	vand.u32 $0xFF, v36;
	v16 =	vshrl.u32 v36, $0x18;
	[tilespmem:v23+s2+$0x0] =	vst.idx.add.s32.msk $0xffff, v1  }
0x164: {  	v22 =	vand.u32 $0xFF, v35;
	v23 =	vor.u32 v11, v18;
	v18 =	vor.u32 v2, v16;
	[tilespmem:v30+s2+$0x0] =	vst.idx.add.s32.msk $0xffff, v1  }
0x165: {  	v35 =	vand.u32 $0xFF, v33;
	v16 =	vshrl.u32 v33, $0x18;
	v30 =	vshrl.u32 v33, $0x8;
	[tilespmem:v13+s2+$0x0] =	vst.idx.add.s32.msk $0xffff, v1  }
0x166: {  	v38 =	vand.u32 $0xFF, v26;
	v36 =	vshrl.u32 v26, $0x10;
	v13 =	vshrl.u32 v33, $0x10;
	[tilespmem:v21+s2+$0x0] =	vst.idx.add.s32.msk $0xffff, v1  }
0x167: {  	v26 =	vand.u32 $0xFF, v32;
	v21 =	vshrl.u32 v32, $0x8;
	v13 =	vand.u32 $0xFF, v13;
	[tilespmem:v14+s2+$0x0] =	vst.idx.add.s32.msk $0xffff, v1  }
0x168: {  	v32 =	vor.u32 v11, v26;
	v14 =	vand.u32 $0xFF, v20;
	v33 =	vand.u32 $0xFF, v21;
	[tilespmem:v15+s2+$0x0] =	vst.idx.add.s32.msk $0xffff, v1  }
0x169: {  	v21 =	vand.u32 $0xFF, v31;
	v15 =	vshrl.u32 v31, $0x8;
	v31 =	vor.u32 v11, v22;
	[tilespmem:v24+s2+$0x0] =	vst.idx.add.s32.msk $0xffff, v1  }
0x16a: {  	v20 =	vor.u32 v3, v13;
	v22 =	vand.u32 $0xFF, v27;
	v24 =	vshrl.u32 v27, $0x8;
	[tilespmem:v25+s2+$0x0] =	vst.idx.add.s32.msk $0xffff, v1  }
0x16b: {  	v22 =	vor.u32 v11, v22;
	v25 =	vor.u32 v8, v14;
	v13 =	vand.u32 $0xFF, v24;
	[tilespmem:v19+s2+$0x0] =	vst.idx.add.s32.msk $0xffff, v1  }
0x16c: {  	v26 =	vand.u32 $0xFF, v30;
	v14 =	vand.u32 $0xFF, v15;
	v13 =	vor.u32 v8, v13;
	[tilespmem:v23+s2+$0x0] =	vst.idx.add.s32.msk $0xffff, v1  }
0x16d: {  	v15 =	vshrl.u32 v27, $0x10;
	v27 =	vor.u32 v11, v35;
	v19 =	vor.u32 v11, v21;
	[tilespmem:v32+s2+$0x0] =	vst.idx.add.s32.msk $0xffff, v1  }
.Ltmp12:
0x16e: {  	v24 =	vor.u32 v11, v38;
	v15 =	vand.u32 $0xFF, v15;
	v14 =	vor.u32 v8, v14;
	[tilespmem:v31+s2+$0x0] =	vst.idx.add.s32.msk $0xffff, v1;
	(pc) =	sbr.rel @p0 .LBB2_16-.Ltmp12, $4  }
0x16f: {  	v30 =	vshrl.u32 v12, $0x10;
	v21 =	vshrl.u32 v12, $0x8;
	v23 =	vand.u32 $0xFF, v12;
	[tilespmem:v29+s2+$0x0] =	vst.idx.add.s32.msk $0xffff, v1  }
0x170: {  	v21 =	vand.u32 $0xFF, v21;
	v23 =	vor.u32 v11, v23;
	v29 =	vand.u32 $0xFF, v30;
	[tilespmem:v28+s2+$0x0] =	vst.idx.add.s32.msk $0xffff, v1  }
0x171: {  	v15 =	vor.u32 v3, v15;
	v21 =	vor.u32 v8, v21;
	v31 =	vand.u32 $0xFF, v36;
	[tilespmem:v34+s2+$0x0] =	vst.idx.add.s32.msk $0xffff, v1  }
0x172: {  	s19 =	sadd.s32 $0x80, s19;
	v30 =	vand.u32 $0xFF, v37;
	v28 =	vor.u32 v8, v33;
	[tilespmem:v25+s2+$0x0] =	vst.idx.add.s32.msk $0xffff, v1;
	v25 =	vor.u32 v3, v31  }
.Ltmp13:
0x173: {  	_ = 	snop;
	(pc) =	sbr.rel .LBB2_17-.Ltmp13, $1  }
0x174: {  	_ =	sdelay $0x3  }
.LBB2_20:
0x175: {  	_ =	sfence.sel $0x180000  }
0x176: {  	[bflag:$0x0] =	sbarrier.arrive $0xFFFF  }
0x177: {  	p0 =	sne.s32 s1, $0x0;
	_ =	strace $0x9000004A  }
0x178: {  	s0 =	sadd.s32 @!p0 $0x100000, s0;
	[bflag:$0x2] =	sbarrier.arrive $0xFFFF  }
0x179: {  	[sflag:s0] =	ssyncadd.tile.s32 @!p0 $0x1;
	_ =	shalt  }
.Lfunc_end2:
_tile_overlayer_lowered:
.L_overlay_start_2:
0x17a: {  	(tag) =	ssettag $0x2  }
0x17b: {  	s0 =	rddreg [dreg:$0x0];
	s2 =	stileid.u32  }
0x17c: {  	s1 =	rddreg [dreg:$0x1];
	p0 =	sne.s32 s2, $0x0  }
0x17d: {  	s3 =	rddreg [dreg:$0x2];
	[bflag:$0x3] =	sbarrier.arrive $0xFFFF;
	s2 =	simm.s32 @!p0 $0x1C03  }
0x17e: {  	[timem:s3], [sflag:s2] =	dma.local @!p0 [hbm:s0], s1  }
0x17f: {  	s0 =	simm.s32 @!p0 $0x3  }
0x180: {  	_ =	swait.ge @!p0 [sflag:s0], s1  }
0x181: {  	s1 =	ssub.s32 @!p0 $0x0, s1;
	[sflag:s0] =	ssyncset.done @!p0 $0x0  }
0x182: {  	[sflag:s0] =	ssyncadd.s32 @!p0 s1  }
0x183: {  	[bflag:$0x3] =	sbarrier.arrive $0xFFFF  }
0x184: {  	_ =	shalt  }

</sc_bundles>
